<compile_context>
chip_gen: v7x
topology: tpu7x:2x2x1
jax: 0.10.2.dev20260603
libtpu: 0.0.44.dev20260713+nightly
codegen_flags: <defaults>
</compile_context>

<pallas_src>
import functools

import jax
import jax.numpy as jnp
from jax.experimental import pallas as pl
from jax.experimental.pallas import tpu as pltpu
from jax.experimental.pallas import tpu_sc as plsc

KSEL = 16
NEG = -1e30


def _mm(x, W):
    return jax.lax.dot_general(x, W, (((1,), (1,)), ((), ())))


def _scores_t(h, Wa, ba, Wb, bb, Wc, bc_s):
    a = jnp.tanh(_mm(h, Wa) + ba)
    b = jax.nn.sigmoid(_mm(h, Wb) + bb)
    return _mm(Wc, a * b) + bc_s


def _softmax_pool(s, h):
    m = jnp.max(s)
    w = jnp.exp(s - m)
    return (w / jnp.sum(w)) @ h


def _topk_sels(s, iota, n):
    sels = []
    for _ in range(KSEL):
        m = jnp.max(s)
        sel = jnp.min(jnp.where(s >= m, iota, n))
        s = jnp.where(iota == sel, NEG, s)
        sels.append(sel)
    return sels


def _lvl1_kernel(x_ref, Wf, bf, gWa, gba, gWb, gbb, gWc, gbc,
                 aWa, aba, aWb, abb, aWc, abc, M1_ref, cidx_ref):
    h = jnp.maximum(_mm(x_ref[...], Wf[...]) + bf[...], 0.0)
    M1_ref[...] = _softmax_pool(
        _scores_t(h, gWa[...], gba[...], gWb[...], gbb[...], gWc[...],
                  gbc[0, 0]), h)
    s = _scores_t(h, aWa[...], aba[...], aWb[...], abb[...], aWc[...],
                  abc[0, 0])
    n = s.shape[1]
    iota = jax.lax.broadcasted_iota(jnp.int32, (1, n), 1)
    sels = _topk_sels(s, iota, n)
    iota64 = jax.lax.broadcasted_iota(jnp.int32, (1, 64), 1)
    cidx = iota64 % 4
    for j in range(KSEL):
        cidx = cidx + jnp.where(iota64 // 4 == j, 4 * sels[j], 0)
    cidx_ref[...] = cidx


def _lvl2_kernel(xg_ref, gidx_ref, Wf, bf, gWa, gba, gWb, gbb, gWc, gbc,
                 aWa, aba, aWb, abb, aWc, abc, M2_ref, cidx_ref):
    h = jnp.maximum(_mm(xg_ref[...], Wf[...]) + bf[...], 0.0)
    M2_ref[...] = _softmax_pool(
        _scores_t(h, gWa[...], gba[...], gWb[...], gbb[...], gWc[...],
                  gbc[0, 0]), h)
    s = _scores_t(h, aWa[...], aba[...], aWb[...], abb[...], aWc[...],
                  abc[0, 0])
    iota = jax.lax.broadcasted_iota(jnp.int32, (1, 64), 1)
    gidx = gidx_ref[...]
    sels = _topk_sels(s, iota, 64)
    g2 = [jnp.sum(jnp.where(iota == t, gidx, 0)) for t in sels]
    cidx = iota % 4
    for j in range(KSEL):
        cidx = cidx + jnp.where(iota // 4 == j, 4 * g2[j], 0)
    cidx_ref[...] = cidx


def _lvl3_kernel(xg_ref, M1_ref, M2_ref, Wf, bf, gWa, gba, gWb, gbb, gWc,
                 gbc, Wcls, bcls, out_ref):
    h = jnp.maximum(_mm(xg_ref[...], Wf[...]) + bf[...], 0.0)
    M3 = _softmax_pool(
        _scores_t(h, gWa[...], gba[...], gWb[...], gbb[...], gWc[...],
                  gbc[0, 0]), h)
    out_ref[...] = _mm(M1_ref[...] + M2_ref[...] + M3, Wcls[...]) + bcls[...]


def _sc_gather(table, idx, B=64, RPW=8):
    D = table.shape[1]
    info = plsc.get_sparse_core_info()
    NC = info.num_cores
    nact = B // RPW
    mesh = plsc.VectorSubcoreMesh(core_axis_name="c", subcore_axis_name="s")

    @functools.partial(
        pl.kernel, mesh=mesh,
        out_type=jax.ShapeDtypeStruct((B, D), jnp.float32),
        scratch_types=[
            pltpu.VMEM((RPW,), jnp.int32),
            pltpu.VMEM((RPW, D), jnp.float32),
            pltpu.SemaphoreType.DMA,
        ],
    )
    def k(table_hbm, idx_hbm, out_hbm, idx_v, rows_v, sem):
        wid = jax.lax.axis_index("s") * NC + jax.lax.axis_index("c")

        @pl.when(wid < nact)
        def _():
            base = wid * RPW
            pltpu.sync_copy(idx_hbm.at[pl.ds(base, RPW)], idx_v)
            pltpu.async_copy(table_hbm.at[idx_v], rows_v, sem).wait()
            pltpu.sync_copy(rows_v, out_hbm.at[pl.ds(base, RPW)])

    return k(table, idx)


def kernel(x1, x2, x3, W_fc_low, b_fc_low, W_fc_mid, b_fc_mid, W_fc_high,
           b_fc_high, Wa_ga_low, ba_ga_low, Wb_ga_low, bb_ga_low, Wc_ga_low,
           bc_ga_low, Wa_ga_mid, ba_ga_mid, Wb_ga_mid, bb_ga_mid, Wc_ga_mid,
           bc_ga_mid, Wa_ga_high, ba_ga_high, Wb_ga_high, bb_ga_high,
           Wc_ga_high, bc_ga_high, Wa_aux_low, ba_aux_low, Wb_aux_low,
           bb_aux_low, Wc_aux_low, bc_aux_low, Wa_aux_mid, ba_aux_mid,
           Wb_aux_mid, bb_aux_mid, Wc_aux_mid, bc_aux_mid, W_cls, b_cls):
    f32 = jnp.float32
    ncls = W_cls.shape[0]

    def row(b):
        return b.reshape(1, -1)

    M1, cidx2 = pl.pallas_call(
        _lvl1_kernel,
        out_shape=[jax.ShapeDtypeStruct((1, 512), f32),
                   jax.ShapeDtypeStruct((1, 64), jnp.int32)],
    )(x1[0], W_fc_low, row(b_fc_low),
      Wa_ga_low, row(ba_ga_low), Wb_ga_low, row(bb_ga_low),
      Wc_ga_low, row(bc_ga_low),
      Wa_aux_low, row(ba_aux_low), Wb_aux_low, row(bb_aux_low),
      Wc_aux_low, row(bc_aux_low))

    x2g = _sc_gather(x2[0], cidx2.reshape(64))

    M2, cidx3 = pl.pallas_call(
        _lvl2_kernel,
        out_shape=[jax.ShapeDtypeStruct((1, 512), f32),
                   jax.ShapeDtypeStruct((1, 64), jnp.int32)],
    )(x2g, cidx2, W_fc_mid, row(b_fc_mid),
      Wa_ga_mid, row(ba_ga_mid), Wb_ga_mid, row(bb_ga_mid),
      Wc_ga_mid, row(bc_ga_mid),
      Wa_aux_mid, row(ba_aux_mid), Wb_aux_mid, row(bb_aux_mid),
      Wc_aux_mid, row(bc_aux_mid))

    x3g = _sc_gather(x3[0], cidx3.reshape(64))

    out = pl.pallas_call(
        _lvl3_kernel,
        out_shape=jax.ShapeDtypeStruct((1, ncls), f32),
    )(x3g, M1, M2, W_fc_high, row(b_fc_high),
      Wa_ga_high, row(ba_ga_high), Wb_ga_high, row(bb_ga_high),
      Wc_ga_high, row(bc_ga_high),
      W_cls, row(b_cls))

    return out

# --- scband reference (transcript-rebuilt; emitter-appended) ---
"""Pipeline reference for scband-zoom-mil-25357486915778 (READ-ONLY COPY).

The authoritative reference and input builder live on the scoring server;
editing this copy changes nothing except your own understanding.
"""

import jax, jax.numpy as jnp
import numpy as np

K_SAMPLE = 16
N_CLS = 2
D_IN, D_OUT, D_HID = 1024, 512, 256
GA_NAMES = ["ga_low", "ga_mid", "ga_high", "aux_low", "aux_mid"]
FC_NAMES = ["fc_low", "fc_mid", "fc_high"]


def setup_inputs():
    ks = jax.random.split(jax.random.key(0), 64)
    inp = {}
    inp["x1"] = jax.random.normal(ks[0], (1, 2048, D_IN), dtype=jnp.float32)
    inp["x2"] = jax.random.normal(ks[1], (1, 8192, D_IN), dtype=jnp.float32)
    inp["x3"] = jax.random.normal(ks[2], (1, 32768, D_IN), dtype=jnp.float32)
    i = 3
    for name in FC_NAMES:
        inp["W_" + name] = jax.random.normal(ks[i], (D_OUT, D_IN), dtype=jnp.float32) * 0.02; i += 1
        inp["b_" + name] = jnp.zeros((D_OUT,), dtype=jnp.float32)
    for name in GA_NAMES:
        inp["Wa_" + name] = jax.random.normal(ks[i], (D_HID, D_OUT), dtype=jnp.float32) * 0.02; i += 1
        inp["ba_" + name] = jnp.zeros((D_HID,), dtype=jnp.float32)
        inp["Wb_" + name] = jax.random.normal(ks[i], (D_HID, D_OUT), dtype=jnp.float32) * 0.02; i += 1
        inp["bb_" + name] = jnp.zeros((D_HID,), dtype=jnp.float32)
        inp["Wc_" + name] = jax.random.normal(ks[i], (1, D_HID), dtype=jnp.float32) * 0.02; i += 1
        inp["bc_" + name] = jnp.zeros((1,), dtype=jnp.float32)
    inp["W_cls"] = jax.random.normal(ks[i], (N_CLS, D_OUT), dtype=jnp.float32) * 0.02
    inp["b_cls"] = jnp.zeros((N_CLS,), dtype=jnp.float32)
    return inp


def _gap(p, name):
    return (p["Wa_" + name], p["ba_" + name], p["Wb_" + name], p["bb_" + name], p["Wc_" + name], p["bc_" + name])


def _ga(x, Wa, ba, Wb, bb, Wc, bc):
    # gated attention -> permute(0,2,1) -> softmax over patches, as in forward()
    a = jnp.tanh(x @ Wa.T + ba)
    b = jax.nn.sigmoid(x @ Wb.T + bb)
    A = (a * b) @ Wc.T + bc
    return jax.nn.softmax(jnp.transpose(A, (0, 2, 1)), axis=-1)


def _select(A_aux, k):
    # eval-mode path: topk(sorted=False) -> sort indices -> one_hot
    scores = A_aux[:, 0, :]
    _, idx = jax.lax.top_k(scores, k)
    idx = jnp.sort(idx, axis=-1)
    return jax.nn.one_hot(idx, scores.shape[-1], dtype=jnp.float32)


def _forward(x1, x2, x3, p):
    N1, N2, N3 = x1.shape[1], x2.shape[1], x3.shape[1]
    h1 = jax.nn.relu(x1 @ p["W_fc_low"].T + p["b_fc_low"])
    A1 = _ga(h1, *_gap(p, "ga_low"))
    M1 = A1 @ h1
    A1aux = _ga(h1, *_gap(p, "aux_low"))
    k1 = min(N1, K_SAMPLE)
    sel1 = _select(A1aux, k1)
    kr2 = jnp.kron(sel1[0], jnp.eye(N2 // N1, dtype=jnp.float32))
    x2s = jnp.einsum("kn,nd->kd", kr2, x2[0])[None]
    kr3 = jnp.kron(sel1[0], jnp.eye(N3 // N1, dtype=jnp.float32))
    x3s = jnp.einsum("kn,nd->kd", kr3, x3[0])[None]
    h2 = jax.nn.relu(x2s @ p["W_fc_mid"].T + p["b_fc_mid"])
    A2 = _ga(h2, *_gap(p, "ga_mid"))
    M2 = A2 @ h2
    A2aux = _ga(h2, *_gap(p, "aux_mid"))
    k2 = min(h2.shape[1], K_SAMPLE)
    sel2 = _select(A2aux, k2)
    kr32 = jnp.kron(sel2[0], jnp.eye(N3 // N2, dtype=jnp.float32))
    x3ss = jnp.einsum("kn,nd->kd", kr32, x3s[0])[None]
    h3 = jax.nn.relu(x3ss @ p["W_fc_high"].T + p["b_fc_high"])
    A3 = _ga(h3, *_gap(p, "ga_high"))
    M3 = A3 @ h3
    M = M1 + M2 + M3
    return M[:, 0, :] @ p["W_cls"].T + p["b_cls"]


def reference(x1, x2, x3,
              W_fc_low, b_fc_low, W_fc_mid, b_fc_mid, W_fc_high, b_fc_high,
              Wa_ga_low, ba_ga_low, Wb_ga_low, bb_ga_low, Wc_ga_low, bc_ga_low,
              Wa_ga_mid, ba_ga_mid, Wb_ga_mid, bb_ga_mid, Wc_ga_mid, bc_ga_mid,
              Wa_ga_high, ba_ga_high, Wb_ga_high, bb_ga_high, Wc_ga_high, bc_ga_high,
              Wa_aux_low, ba_aux_low, Wb_aux_low, bb_aux_low, Wc_aux_low, bc_aux_low,
              Wa_aux_mid, ba_aux_mid, Wb_aux_mid, bb_aux_mid, Wc_aux_mid, bc_aux_mid,
              W_cls, b_cls):
    p = {
        "W_fc_low": W_fc_low, "b_fc_low": b_fc_low,
        "W_fc_mid": W_fc_mid, "b_fc_mid": b_fc_mid,
        "W_fc_high": W_fc_high, "b_fc_high": b_fc_high,
        "Wa_ga_low": Wa_ga_low, "ba_ga_low": ba_ga_low,
        "Wb_ga_low": Wb_ga_low, "bb_ga_low": bb_ga_low,
        "Wc_ga_low": Wc_ga_low, "bc_ga_low": bc_ga_low,
        "Wa_ga_mid": Wa_ga_mid, "ba_ga_mid": ba_ga_mid,
        "Wb_ga_mid": Wb_ga_mid, "bb_ga_mid": bb_ga_mid,
        "Wc_ga_mid": Wc_ga_mid, "bc_ga_mid": bc_ga_mid,
        "Wa_ga_high": Wa_ga_high, "ba_ga_high": ba_ga_high,
        "Wb_ga_high": Wb_ga_high, "bb_ga_high": bb_ga_high,
        "Wc_ga_high": Wc_ga_high, "bc_ga_high": bc_ga_high,
        "Wa_aux_low": Wa_aux_low, "ba_aux_low": ba_aux_low,
        "Wb_aux_low": Wb_aux_low, "bb_aux_low": bb_aux_low,
        "Wc_aux_low": Wc_aux_low, "bc_aux_low": bc_aux_low,
        "Wa_aux_mid": Wa_aux_mid, "ba_aux_mid": ba_aux_mid,
        "Wb_aux_mid": Wb_aux_mid, "bb_aux_mid": bb_aux_mid,
        "Wc_aux_mid": Wc_aux_mid, "bc_aux_mid": bc_aux_mid,
        "W_cls": W_cls, "b_cls": b_cls,
    }
    return _forward(x1, x2, x3, p)

if __name__ == "__main__":
    import jax
    _d = setup_inputs()
    print(jax.jit(kernel)(*tuple(_d.values())))

</pallas_src>

<mosaic_0001>
#map = affine_map<(d0, d1) -> (0, 0)>
#map1 = affine_map<(d0, d1) -> (0)>
module attributes {stable_mosaic.version = 14 : i64} {
  func.func @k(%arg0: i32, %arg1: i32, %arg2: memref<32768x1024xf32, #tpu.memory_space<hbm>>, %arg3: memref<64xi32, #tpu.memory_space<hbm>>, %arg4: memref<64x1024xf32, #tpu.memory_space<hbm>>, %arg5: memref<8xi32, #tpu.memory_space<vmem>>, %arg6: memref<8x1024xf32, #tpu.memory_space<vmem>>, %arg7: memref<!tpu.dma_semaphore, #tpu.memory_space<semaphore_mem>>) attributes {dimension_semantics = [#tpu.dimension_semantics<core_parallel>, #tpu.dimension_semantics<subcore_parallel>], iteration_bounds = array<i64: 2, 16>, scalar_prefetch = 0 : i64, scratch_operands = 3 : i64, tpu.core_type = #tpu.core_type<sc_vector_subcore>, window_params = [{transform_indices = #map}, {transform_indices = #map1}, {transform_indices = #map}]} {
    %mul3A = arith.constant 2 : i32
    %mul3A_0 = arith.muli %arg1, %mul3A : i32
    %add3A = arith.addi %mul3A_0, %arg0 : i32
    %lt3A = arith.constant 8 : i32
    %lt3A_1 = arith.cmpi slt, %add3A, %lt3A : i32
    %convert_element_type3A = arith.extui %lt3A_1 : i1 to i32
    %cond3A = arith.constant 0 : i32
    %cond3A_2 = arith.cmpi ne, %convert_element_type3A, %cond3A : i32
    scf.if %cond3A_2 {
      %mul3A_3 = arith.constant 8 : i32
      %mul3A_4 = arith.muli %add3A, %mul3A_3 : i32
      "tpu.region"() ({
        %run_scoped3A = tpu.sem_alloc : memref<!tpu.dma_semaphore, #tpu.memory_space<semaphore_mem>>
        %dma_start3A_9 = tpu.memref_slice %arg3[%mul3A_4] : memref<64xi32, #tpu.memory_space<hbm>> -> memref<8xi32, #tpu.memory_space<hbm>>
        %dma_start3A_10 = tpu.memref_slice %arg3[%mul3A_4] : memref<64xi32, #tpu.memory_space<hbm>> -> memref<8xi32, #tpu.memory_space<hbm>>
        tpu.enqueue_dma source(%dma_start3A_10 : memref<8xi32, #tpu.memory_space<hbm>>) target(%arg5 : memref<8xi32, #tpu.memory_space<vmem>>) target_semaphore(%run_scoped3A : memref<!tpu.dma_semaphore, #tpu.memory_space<semaphore_mem>>)
        %dma_wait3A_11 = tpu.memref_slice %arg3[%mul3A_4] : memref<64xi32, #tpu.memory_space<hbm>> -> memref<8xi32, #tpu.memory_space<hbm>>
        %dma_wait3A_12 = tpu.memref_slice %arg3[%mul3A_4] : memref<64xi32, #tpu.memory_space<hbm>> -> memref<8xi32, #tpu.memory_space<hbm>>
        tpu.wait_dma2 semaphore(%run_scoped3A : memref<!tpu.dma_semaphore, #tpu.memory_space<semaphore_mem>>) src(%dma_wait3A_12 : memref<8xi32, #tpu.memory_space<hbm>>) dst(%arg5 : memref<8xi32, #tpu.memory_space<vmem>>)
        tpu.yield
      }) : () -> ()
      %dma_start3A = arith.constant 0 : i32
      %dma_start3A_5 = arith.constant 0 : i32
      %dma_start3A_6 = tpu.memref_slice %arg2[%dma_start3A, %dma_start3A_5] : memref<32768x1024xf32, #tpu.memory_space<hbm>> -> memref<32768x1024xf32, #tpu.memory_space<hbm>>
      tpu.enqueue_indirect_dma source(%dma_start3A_6 : memref<32768x1024xf32, #tpu.memory_space<hbm>>) target(%arg6 : memref<8x1024xf32, #tpu.memory_space<vmem>>) offsets(%arg5 : memref<8xi32, #tpu.memory_space<vmem>>) semaphore(%arg7 : memref<!tpu.dma_semaphore, #tpu.memory_space<semaphore_mem>>)
      %dma_wait3A = arith.constant 0 : i32
      %dma_wait3A_7 = arith.constant 0 : i32
      %dma_wait3A_8 = tpu.memref_slice %arg2[%dma_wait3A, %dma_wait3A_7] : memref<32768x1024xf32, #tpu.memory_space<hbm>> -> memref<32768x1024xf32, #tpu.memory_space<hbm>>
      tpu.wait_indirect_dma semaphore(%arg7 : memref<!tpu.dma_semaphore, #tpu.memory_space<semaphore_mem>>) src(%dma_wait3A_8 : memref<32768x1024xf32, #tpu.memory_space<hbm>>) dst(%arg6 : memref<8x1024xf32, #tpu.memory_space<vmem>>)
      "tpu.region"() ({
        %run_scoped3A = tpu.sem_alloc : memref<!tpu.dma_semaphore, #tpu.memory_space<semaphore_mem>>
        %dma_start3A_9 = arith.constant 0 : i32
        %dma_start3A_10 = tpu.memref_slice %arg4[%mul3A_4, %dma_start3A_9] : memref<64x1024xf32, #tpu.memory_space<hbm>> -> memref<8x1024xf32, #tpu.memory_space<hbm>>
        %dma_start3A_11 = arith.constant 0 : i32
        %dma_start3A_12 = tpu.memref_slice %arg4[%mul3A_4, %dma_start3A_11] : memref<64x1024xf32, #tpu.memory_space<hbm>> -> memref<8x1024xf32, #tpu.memory_space<hbm>>
        tpu.enqueue_dma source(%arg6 : memref<8x1024xf32, #tpu.memory_space<vmem>>) target(%dma_start3A_12 : memref<8x1024xf32, #tpu.memory_space<hbm>>) target_semaphore(%run_scoped3A : memref<!tpu.dma_semaphore, #tpu.memory_space<semaphore_mem>>)
        %dma_wait3A_13 = arith.constant 0 : i32
        %dma_wait3A_14 = tpu.memref_slice %arg4[%mul3A_4, %dma_wait3A_13] : memref<64x1024xf32, #tpu.memory_space<hbm>> -> memref<8x1024xf32, #tpu.memory_space<hbm>>
        %dma_wait3A_15 = arith.constant 0 : i32
        %dma_wait3A_16 = tpu.memref_slice %arg4[%mul3A_4, %dma_wait3A_15] : memref<64x1024xf32, #tpu.memory_space<hbm>> -> memref<8x1024xf32, #tpu.memory_space<hbm>>
        tpu.wait_dma2 semaphore(%run_scoped3A : memref<!tpu.dma_semaphore, #tpu.memory_space<semaphore_mem>>) src(%arg6 : memref<8x1024xf32, #tpu.memory_space<vmem>>) dst(%dma_wait3A_16 : memref<8x1024xf32, #tpu.memory_space<hbm>>)
        tpu.yield
      }) : () -> ()
    } else {
    }
    return
  }
}

#map = affine_map<(d0, d1) -> (0, 0)>
#map1 = affine_map<(d0, d1) -> (0)>
module attributes {stable_mosaic.version = 14 : i64} {
  func.func @k(%arg0: i32, %arg1: i32, %arg2: memref<8192x1024xf32, #tpu.memory_space<hbm>>, %arg3: memref<64xi32, #tpu.memory_space<hbm>>, %arg4: memref<64x1024xf32, #tpu.memory_space<hbm>>, %arg5: memref<8xi32, #tpu.memory_space<vmem>>, %arg6: memref<8x1024xf32, #tpu.memory_space<vmem>>, %arg7: memref<!tpu.dma_semaphore, #tpu.memory_space<semaphore_mem>>) attributes {dimension_semantics = [#tpu.dimension_semantics<core_parallel>, #tpu.dimension_semantics<subcore_parallel>], iteration_bounds = array<i64: 2, 16>, scalar_prefetch = 0 : i64, scratch_operands = 3 : i64, tpu.core_type = #tpu.core_type<sc_vector_subcore>, window_params = [{transform_indices = #map}, {transform_indices = #map1}, {transform_indices = #map}]} {
    %mul3A = arith.constant 2 : i32
    %mul3A_0 = arith.muli %arg1, %mul3A : i32
    %add3A = arith.addi %mul3A_0, %arg0 : i32
    %lt3A = arith.constant 8 : i32
    %lt3A_1 = arith.cmpi slt, %add3A, %lt3A : i32
    %convert_element_type3A = arith.extui %lt3A_1 : i1 to i32
    %cond3A = arith.constant 0 : i32
    %cond3A_2 = arith.cmpi ne, %convert_element_type3A, %cond3A : i32
    scf.if %cond3A_2 {
      %mul3A_3 = arith.constant 8 : i32
      %mul3A_4 = arith.muli %add3A, %mul3A_3 : i32
      "tpu.region"() ({
        %run_scoped3A = tpu.sem_alloc : memref<!tpu.dma_semaphore, #tpu.memory_space<semaphore_mem>>
        %dma_start3A_9 = tpu.memref_slice %arg3[%mul3A_4] : memref<64xi32, #tpu.memory_space<hbm>> -> memref<8xi32, #tpu.memory_space<hbm>>
        %dma_start3A_10 = tpu.memref_slice %arg3[%mul3A_4] : memref<64xi32, #tpu.memory_space<hbm>> -> memref<8xi32, #tpu.memory_space<hbm>>
        tpu.enqueue_dma source(%dma_start3A_10 : memref<8xi32, #tpu.memory_space<hbm>>) target(%arg5 : memref<8xi32, #tpu.memory_space<vmem>>) target_semaphore(%run_scoped3A : memref<!tpu.dma_semaphore, #tpu.memory_space<semaphore_mem>>)
        %dma_wait3A_11 = tpu.memref_slice %arg3[%mul3A_4] : memref<64xi32, #tpu.memory_space<hbm>> -> memref<8xi32, #tpu.memory_space<hbm>>
        %dma_wait3A_12 = tpu.memref_slice %arg3[%mul3A_4] : memref<64xi32, #tpu.memory_space<hbm>> -> memref<8xi32, #tpu.memory_space<hbm>>
        tpu.wait_dma2 semaphore(%run_scoped3A : memref<!tpu.dma_semaphore, #tpu.memory_space<semaphore_mem>>) src(%dma_wait3A_12 : memref<8xi32, #tpu.memory_space<hbm>>) dst(%arg5 : memref<8xi32, #tpu.memory_space<vmem>>)
        tpu.yield
      }) : () -> ()
      %dma_start3A = arith.constant 0 : i32
      %dma_start3A_5 = arith.constant 0 : i32
      %dma_start3A_6 = tpu.memref_slice %arg2[%dma_start3A, %dma_start3A_5] : memref<8192x1024xf32, #tpu.memory_space<hbm>> -> memref<8192x1024xf32, #tpu.memory_space<hbm>>
      tpu.enqueue_indirect_dma source(%dma_start3A_6 : memref<8192x1024xf32, #tpu.memory_space<hbm>>) target(%arg6 : memref<8x1024xf32, #tpu.memory_space<vmem>>) offsets(%arg5 : memref<8xi32, #tpu.memory_space<vmem>>) semaphore(%arg7 : memref<!tpu.dma_semaphore, #tpu.memory_space<semaphore_mem>>)
      %dma_wait3A = arith.constant 0 : i32
      %dma_wait3A_7 = arith.constant 0 : i32
      %dma_wait3A_8 = tpu.memref_slice %arg2[%dma_wait3A, %dma_wait3A_7] : memref<8192x1024xf32, #tpu.memory_space<hbm>> -> memref<8192x1024xf32, #tpu.memory_space<hbm>>
      tpu.wait_indirect_dma semaphore(%arg7 : memref<!tpu.dma_semaphore, #tpu.memory_space<semaphore_mem>>) src(%dma_wait3A_8 : memref<8192x1024xf32, #tpu.memory_space<hbm>>) dst(%arg6 : memref<8x1024xf32, #tpu.memory_space<vmem>>)
      "tpu.region"() ({
        %run_scoped3A = tpu.sem_alloc : memref<!tpu.dma_semaphore, #tpu.memory_space<semaphore_mem>>
        %dma_start3A_9 = arith.constant 0 : i32
        %dma_start3A_10 = tpu.memref_slice %arg4[%mul3A_4, %dma_start3A_9] : memref<64x1024xf32, #tpu.memory_space<hbm>> -> memref<8x1024xf32, #tpu.memory_space<hbm>>
        %dma_start3A_11 = arith.constant 0 : i32
        %dma_start3A_12 = tpu.memref_slice %arg4[%mul3A_4, %dma_start3A_11] : memref<64x1024xf32, #tpu.memory_space<hbm>> -> memref<8x1024xf32, #tpu.memory_space<hbm>>
        tpu.enqueue_dma source(%arg6 : memref<8x1024xf32, #tpu.memory_space<vmem>>) target(%dma_start3A_12 : memref<8x1024xf32, #tpu.memory_space<hbm>>) target_semaphore(%run_scoped3A : memref<!tpu.dma_semaphore, #tpu.memory_space<semaphore_mem>>)
        %dma_wait3A_13 = arith.constant 0 : i32
        %dma_wait3A_14 = tpu.memref_slice %arg4[%mul3A_4, %dma_wait3A_13] : memref<64x1024xf32, #tpu.memory_space<hbm>> -> memref<8x1024xf32, #tpu.memory_space<hbm>>
        %dma_wait3A_15 = arith.constant 0 : i32
        %dma_wait3A_16 = tpu.memref_slice %arg4[%mul3A_4, %dma_wait3A_15] : memref<64x1024xf32, #tpu.memory_space<hbm>> -> memref<8x1024xf32, #tpu.memory_space<hbm>>
        tpu.wait_dma2 semaphore(%run_scoped3A : memref<!tpu.dma_semaphore, #tpu.memory_space<semaphore_mem>>) src(%arg6 : memref<8x1024xf32, #tpu.memory_space<vmem>>) dst(%dma_wait3A_16 : memref<8x1024xf32, #tpu.memory_space<hbm>>)
        tpu.yield
      }) : () -> ()
    } else {
    }
    return
  }
}

module attributes {stable_mosaic.version = 14 : i64} {
  func.func @_lvl3_kernel(%arg0: memref<64x1024xf32, #tpu.memory_space<vmem>>, %arg1: memref<1x512xf32, #tpu.memory_space<vmem>>, %arg2: memref<1x512xf32, #tpu.memory_space<vmem>>, %arg3: memref<512x1024xf32, #tpu.memory_space<vmem>>, %arg4: memref<1x512xf32, #tpu.memory_space<vmem>>, %arg5: memref<256x512xf32, #tpu.memory_space<vmem>>, %arg6: memref<1x256xf32, #tpu.memory_space<vmem>>, %arg7: memref<256x512xf32, #tpu.memory_space<vmem>>, %arg8: memref<1x256xf32, #tpu.memory_space<vmem>>, %arg9: memref<1x256xf32, #tpu.memory_space<vmem>>, %arg10: memref<1x1xf32, #tpu.memory_space<vmem>>, %arg11: memref<2x512xf32, #tpu.memory_space<vmem>>, %arg12: memref<1x2xf32, #tpu.memory_space<vmem>>, %arg13: memref<1x2xf32, #tpu.memory_space<vmem>>) attributes {dimension_semantics = [], scalar_prefetch = 0 : i64, scratch_operands = 0 : i64, tpu.core_type = #tpu.core_type<tc>} {
    %get3A = arith.constant 0 : index
    %get3A_0 = arith.constant 0 : index
    %get3A_1 = vector.load %arg0[%get3A, %get3A_0] : memref<64x1024xf32, #tpu.memory_space<vmem>>, vector<64x1024xf32>
    %get3A_2 = arith.constant 0 : index
    %get3A_3 = arith.constant 0 : index
    %get3A_4 = vector.load %arg3[%get3A_2, %get3A_3] : memref<512x1024xf32, #tpu.memory_space<vmem>>, vector<512x1024xf32>
    %dot_general3A = arith.constant dense<0.000000e+00> : vector<64x512xf32>
    %dot_general3A_5 = tpu.matmul %get3A_1, %get3A_4, %dot_general3A {dimension_numbers = #tpu.dot_dimension_numbers<[1], [1], [0], [0], [0, 0, 1, 0], [], []>, transpose_lhs_hint = false} : vector<64x1024xf32>, vector<512x1024xf32>, vector<64x512xf32> -> vector<64x512xf32>
    %get3A_6 = arith.constant 0 : index
    %get3A_7 = arith.constant 0 : index
    %get3A_8 = vector.load %arg4[%get3A_6, %get3A_7] : memref<1x512xf32, #tpu.memory_space<vmem>>, vector<1x512xf32>
    %add3A = vector.broadcast %get3A_8 : vector<1x512xf32> to vector<64x512xf32>
    %add3A_9 = arith.addf %dot_general3A_5, %add3A : vector<64x512xf32>
    %max3A = arith.constant 0.000000e+00 : f32
    %max3A_10 = vector.broadcast %max3A : f32 to vector<64x512xf32>
    %max3A_11 = arith.maximumf %add3A_9, %max3A_10 : vector<64x512xf32>
    %get3A_12 = arith.constant 0 : index
    %get3A_13 = arith.constant 0 : index
    %get3A_14 = vector.load %arg5[%get3A_12, %get3A_13] : memref<256x512xf32, #tpu.memory_space<vmem>>, vector<256x512xf32>
    %get3A_15 = arith.constant 0 : index
    %get3A_16 = arith.constant 0 : index
    %get3A_17 = vector.load %arg6[%get3A_15, %get3A_16] : memref<1x256xf32, #tpu.memory_space<vmem>>, vector<1x256xf32>
    %get3A_18 = arith.constant 0 : index
    %get3A_19 = arith.constant 0 : index
    %get3A_20 = vector.load %arg7[%get3A_18, %get3A_19] : memref<256x512xf32, #tpu.memory_space<vmem>>, vector<256x512xf32>
    %get3A_21 = arith.constant 0 : index
    %get3A_22 = arith.constant 0 : index
    %get3A_23 = vector.load %arg8[%get3A_21, %get3A_22] : memref<1x256xf32, #tpu.memory_space<vmem>>, vector<1x256xf32>
    %get3A_24 = arith.constant 0 : index
    %get3A_25 = arith.constant 0 : index
    %get3A_26 = vector.load %arg9[%get3A_24, %get3A_25] : memref<1x256xf32, #tpu.memory_space<vmem>>, vector<1x256xf32>
    %get3A_27 = arith.constant 0 : index
    %get3A_28 = arith.constant 0 : index
    %get3A_29 = vector.load %arg10[%get3A_27, %get3A_28] : memref<1x1xf32, #tpu.memory_space<vmem>>, vector<1x1xf32>
    %get3A_30 = vector.extract %get3A_29[0, 0] : f32 from vector<1x1xf32>
    %dot_general3A_31 = arith.constant dense<0.000000e+00> : vector<64x256xf32>
    %dot_general3A_32 = tpu.matmul %max3A_11, %get3A_14, %dot_general3A_31 {dimension_numbers = #tpu.dot_dimension_numbers<[1], [1], [0], [0], [0, 0, 1, 0], [], []>, transpose_lhs_hint = false} : vector<64x512xf32>, vector<256x512xf32>, vector<64x256xf32> -> vector<64x256xf32>
    %add3A_33 = vector.broadcast %get3A_17 : vector<1x256xf32> to vector<64x256xf32>
    %add3A_34 = arith.addf %dot_general3A_32, %add3A_33 : vector<64x256xf32>
    %tanh3A = math.tanh %add3A_34 : vector<64x256xf32>
    %dot_general3A_35 = arith.constant dense<0.000000e+00> : vector<64x256xf32>
    %dot_general3A_36 = tpu.matmul %max3A_11, %get3A_20, %dot_general3A_35 {dimension_numbers = #tpu.dot_dimension_numbers<[1], [1], [0], [0], [0, 0, 1, 0], [], []>, transpose_lhs_hint = false} : vector<64x512xf32>, vector<256x512xf32>, vector<64x256xf32> -> vector<64x256xf32>
    %add3A_37 = vector.broadcast %get3A_23 : vector<1x256xf32> to vector<64x256xf32>
    %add3A_38 = arith.addf %dot_general3A_36, %add3A_37 : vector<64x256xf32>
    %logistic3A = arith.negf %add3A_38 : vector<64x256xf32>
    %logistic3A_39 = math.exp %logistic3A : vector<64x256xf32>
    %logistic3A_40 = arith.constant 1.000000e+00 : f32
    %logistic3A_41 = vector.broadcast %logistic3A_40 : f32 to vector<64x256xf32>
    %logistic3A_42 = arith.addf %logistic3A_41, %logistic3A_39 : vector<64x256xf32>
    %logistic3A_43 = arith.divf %logistic3A_41, %logistic3A_42 : vector<64x256xf32>
    %mul3A = arith.mulf %tanh3A, %logistic3A_43 : vector<64x256xf32>
    %dot_general3A_44 = arith.constant dense<0.000000e+00> : vector<1x64xf32>
    %dot_general3A_45 = tpu.matmul %get3A_26, %mul3A, %dot_general3A_44 {dimension_numbers = #tpu.dot_dimension_numbers<[1], [1], [0], [0], [0, 0, 1, 0], [], []>, transpose_lhs_hint = false} : vector<1x256xf32>, vector<64x256xf32>, vector<1x64xf32> -> vector<1x64xf32>
    %add3A_46 = vector.broadcast %get3A_30 : f32 to vector<1x64xf32>
    %add3A_47 = arith.addf %dot_general3A_45, %add3A_46 : vector<1x64xf32>
    %reduce_max3A = vector.shape_cast %add3A_47 : vector<1x64xf32> to vector<1x1x64xf32>
    %reduce_max3A_48 = arith.constant dense<0xFF800000> : vector<1xf32>
    %reduce_max3A_49 = vector.multi_reduction <maximumf>, %reduce_max3A, %reduce_max3A_48 [1, 2] : vector<1x1x64xf32> to vector<1xf32>
    %reduce_max3A_50 = vector.shape_cast %reduce_max3A_49 : vector<1xf32> to vector<1x1x1xf32>
    %reduce_max3A_51 = vector.extract %reduce_max3A_50[0, 0, 0] : f32 from vector<1x1x1xf32>
    %sub3A = vector.broadcast %reduce_max3A_51 : f32 to vector<1x64xf32>
    %sub3A_52 = arith.subf %add3A_47, %sub3A : vector<1x64xf32>
    %exp3A = math.exp %sub3A_52 : vector<1x64xf32>
    %reduce_sum3A = vector.shape_cast %exp3A : vector<1x64xf32> to vector<1x1x64xf32>
    %reduce_sum3A_53 = arith.constant dense<0.000000e+00> : vector<1xf32>
    %reduce_sum3A_54 = vector.multi_reduction <add>, %reduce_sum3A, %reduce_sum3A_53 [1, 2] : vector<1x1x64xf32> to vector<1xf32>
    %reduce_sum3A_55 = vector.shape_cast %reduce_sum3A_54 : vector<1xf32> to vector<1x1x1xf32>
    %reduce_sum3A_56 = vector.extract %reduce_sum3A_55[0, 0, 0] : f32 from vector<1x1x1xf32>
    %div3A = vector.broadcast %reduce_sum3A_56 : f32 to vector<1x64xf32>
    %div3A_57 = arith.divf %exp3A, %div3A : vector<1x64xf32>
    %dot_general3A_58 = arith.constant dense<0.000000e+00> : vector<1x512xf32>
    %dot_general3A_59 = tpu.matmul %div3A_57, %max3A_11, %dot_general3A_58 {dimension_numbers = #tpu.dot_dimension_numbers<[1], [0], [0], [1], [0, 0, 1, 1], [], []>, transpose_lhs_hint = false} : vector<1x64xf32>, vector<64x512xf32>, vector<1x512xf32> -> vector<1x512xf32>
    %get3A_60 = arith.constant 0 : index
    %get3A_61 = arith.constant 0 : index
    %get3A_62 = vector.load %arg1[%get3A_60, %get3A_61] : memref<1x512xf32, #tpu.memory_space<vmem>>, vector<1x512xf32>
    %get3A_63 = arith.constant 0 : index
    %get3A_64 = arith.constant 0 : index
    %get3A_65 = vector.load %arg2[%get3A_63, %get3A_64] : memref<1x512xf32, #tpu.memory_space<vmem>>, vector<1x512xf32>
    %add3A_66 = arith.addf %get3A_62, %get3A_65 : vector<1x512xf32>
    %add3A_67 = arith.addf %add3A_66, %dot_general3A_59 : vector<1x512xf32>
    %get3A_68 = arith.constant 0 : index
    %get3A_69 = arith.constant 0 : index
    %get3A_70 = vector.load %arg11[%get3A_68, %get3A_69] : memref<2x512xf32, #tpu.memory_space<vmem>>, vector<2x512xf32>
    %dot_general3A_71 = arith.constant dense<0.000000e+00> : vector<1x2xf32>
    %dot_general3A_72 = tpu.matmul %add3A_67, %get3A_70, %dot_general3A_71 {dimension_numbers = #tpu.dot_dimension_numbers<[1], [1], [0], [0], [0, 0, 1, 0], [], []>, transpose_lhs_hint = false} : vector<1x512xf32>, vector<2x512xf32>, vector<1x2xf32> -> vector<1x2xf32>
    %get3A_73 = arith.constant 0 : index
    %get3A_74 = arith.constant 0 : index
    %get3A_75 = vector.load %arg12[%get3A_73, %get3A_74] : memref<1x2xf32, #tpu.memory_space<vmem>>, vector<1x2xf32>
    %add3A_76 = arith.addf %dot_general3A_72, %get3A_75 : vector<1x2xf32>
    %swap3A = arith.constant 0 : index
    %swap3A_77 = arith.constant 0 : index
    %swap3A_78 = vector.load %arg13[%swap3A, %swap3A_77] : memref<1x2xf32, #tpu.memory_space<vmem>>, vector<1x2xf32>
    tpu.vector_store %arg13[%swap3A, %swap3A_77], %add3A_76 {strides = array<i32>} : memref<1x2xf32, #tpu.memory_space<vmem>>, vector<1x2xf32>,
    return
  }
}

module attributes {stable_mosaic.version = 14 : i64} {
  func.func @_lvl1_kernel(%arg0: memref<2048x1024xf32, #tpu.memory_space<vmem>>, %arg1: memref<512x1024xf32, #tpu.memory_space<vmem>>, %arg2: memref<1x512xf32, #tpu.memory_space<vmem>>, %arg3: memref<256x512xf32, #tpu.memory_space<vmem>>, %arg4: memref<1x256xf32, #tpu.memory_space<vmem>>, %arg5: memref<256x512xf32, #tpu.memory_space<vmem>>, %arg6: memref<1x256xf32, #tpu.memory_space<vmem>>, %arg7: memref<1x256xf32, #tpu.memory_space<vmem>>, %arg8: memref<1x1xf32, #tpu.memory_space<vmem>>, %arg9: memref<256x512xf32, #tpu.memory_space<vmem>>, %arg10: memref<1x256xf32, #tpu.memory_space<vmem>>, %arg11: memref<256x512xf32, #tpu.memory_space<vmem>>, %arg12: memref<1x256xf32, #tpu.memory_space<vmem>>, %arg13: memref<1x256xf32, #tpu.memory_space<vmem>>, %arg14: memref<1x1xf32, #tpu.memory_space<vmem>>, %arg15: memref<1x512xf32, #tpu.memory_space<vmem>>, %arg16: memref<1x64xi32, #tpu.memory_space<vmem>>) attributes {dimension_semantics = [], scalar_prefetch = 0 : i64, scratch_operands = 0 : i64, tpu.core_type = #tpu.core_type<tc>} {
    %get3A = arith.constant 0 : index
    %get3A_0 = arith.constant 0 : index
    %get3A_1 = vector.load %arg0[%get3A, %get3A_0] : memref<2048x1024xf32, #tpu.memory_space<vmem>>, vector<2048x1024xf32>
    %get3A_2 = arith.constant 0 : index
    %get3A_3 = arith.constant 0 : index
    %get3A_4 = vector.load %arg1[%get3A_2, %get3A_3] : memref<512x1024xf32, #tpu.memory_space<vmem>>, vector<512x1024xf32>
    %dot_general3A = arith.constant dense<0.000000e+00> : vector<2048x512xf32>
    %dot_general3A_5 = tpu.matmul %get3A_1, %get3A_4, %dot_general3A {dimension_numbers = #tpu.dot_dimension_numbers<[1], [1], [0], [0], [0, 0, 1, 0], [], []>, transpose_lhs_hint = false} : vector<2048x1024xf32>, vector<512x1024xf32>, vector<2048x512xf32> -> vector<2048x512xf32>
    %get3A_6 = arith.constant 0 : index
    %get3A_7 = arith.constant 0 : index
    %get3A_8 = vector.load %arg2[%get3A_6, %get3A_7] : memref<1x512xf32, #tpu.memory_space<vmem>>, vector<1x512xf32>
    %add3A = vector.broadcast %get3A_8 : vector<1x512xf32> to vector<2048x512xf32>
    %add3A_9 = arith.addf %dot_general3A_5, %add3A : vector<2048x512xf32>
    %max3A = arith.constant 0.000000e+00 : f32
    %max3A_10 = vector.broadcast %max3A : f32 to vector<2048x512xf32>
    %max3A_11 = arith.maximumf %add3A_9, %max3A_10 : vector<2048x512xf32>
    %get3A_12 = arith.constant 0 : index
    %get3A_13 = arith.constant 0 : index
    %get3A_14 = vector.load %arg3[%get3A_12, %get3A_13] : memref<256x512xf32, #tpu.memory_space<vmem>>, vector<256x512xf32>
    %get3A_15 = arith.constant 0 : index
    %get3A_16 = arith.constant 0 : index
    %get3A_17 = vector.load %arg4[%get3A_15, %get3A_16] : memref<1x256xf32, #tpu.memory_space<vmem>>, vector<1x256xf32>
    %get3A_18 = arith.constant 0 : index
    %get3A_19 = arith.constant 0 : index
    %get3A_20 = vector.load %arg5[%get3A_18, %get3A_19] : memref<256x512xf32, #tpu.memory_space<vmem>>, vector<256x512xf32>
    %get3A_21 = arith.constant 0 : index
    %get3A_22 = arith.constant 0 : index
    %get3A_23 = vector.load %arg6[%get3A_21, %get3A_22] : memref<1x256xf32, #tpu.memory_space<vmem>>, vector<1x256xf32>
    %get3A_24 = arith.constant 0 : index
    %get3A_25 = arith.constant 0 : index
    %get3A_26 = vector.load %arg7[%get3A_24, %get3A_25] : memref<1x256xf32, #tpu.memory_space<vmem>>, vector<1x256xf32>
    %get3A_27 = arith.constant 0 : index
    %get3A_28 = arith.constant 0 : index
    %get3A_29 = vector.load %arg8[%get3A_27, %get3A_28] : memref<1x1xf32, #tpu.memory_space<vmem>>, vector<1x1xf32>
    %get3A_30 = vector.extract %get3A_29[0, 0] : f32 from vector<1x1xf32>
    %dot_general3A_31 = arith.constant dense<0.000000e+00> : vector<2048x256xf32>
    %dot_general3A_32 = tpu.matmul %max3A_11, %get3A_14, %dot_general3A_31 {dimension_numbers = #tpu.dot_dimension_numbers<[1], [1], [0], [0], [0, 0, 1, 0], [], []>, transpose_lhs_hint = false} : vector<2048x512xf32>, vector<256x512xf32>, vector<2048x256xf32> -> vector<2048x256xf32>
    %add3A_33 = vector.broadcast %get3A_17 : vector<1x256xf32> to vector<2048x256xf32>
    %add3A_34 = arith.addf %dot_general3A_32, %add3A_33 : vector<2048x256xf32>
    %tanh3A = math.tanh %add3A_34 : vector<2048x256xf32>
    %dot_general3A_35 = arith.constant dense<0.000000e+00> : vector<2048x256xf32>
    %dot_general3A_36 = tpu.matmul %max3A_11, %get3A_20, %dot_general3A_35 {dimension_numbers = #tpu.dot_dimension_numbers<[1], [1], [0], [0], [0, 0, 1, 0], [], []>, transpose_lhs_hint = false} : vector<2048x512xf32>, vector<256x512xf32>, vector<2048x256xf32> -> vector<2048x256xf32>
    %add3A_37 = vector.broadcast %get3A_23 : vector<1x256xf32> to vector<2048x256xf32>
    %add3A_38 = arith.addf %dot_general3A_36, %add3A_37 : vector<2048x256xf32>
    %logistic3A = arith.negf %add3A_38 : vector<2048x256xf32>
    %logistic3A_39 = math.exp %logistic3A : vector<2048x256xf32>
    %logistic3A_40 = arith.constant 1.000000e+00 : f32
    %logistic3A_41 = vector.broadcast %logistic3A_40 : f32 to vector<2048x256xf32>
    %logistic3A_42 = arith.addf %logistic3A_41, %logistic3A_39 : vector<2048x256xf32>
    %logistic3A_43 = arith.divf %logistic3A_41, %logistic3A_42 : vector<2048x256xf32>
    %mul3A = arith.mulf %tanh3A, %logistic3A_43 : vector<2048x256xf32>
    %dot_general3A_44 = arith.constant dense<0.000000e+00> : vector<1x2048xf32>
    %dot_general3A_45 = tpu.matmul %get3A_26, %mul3A, %dot_general3A_44 {dimension_numbers = #tpu.dot_dimension_numbers<[1], [1], [0], [0], [0, 0, 1, 0], [], []>, transpose_lhs_hint = false} : vector<1x256xf32>, vector<2048x256xf32>, vector<1x2048xf32> -> vector<1x2048xf32>
    %add3A_46 = vector.broadcast %get3A_30 : f32 to vector<1x2048xf32>
    %add3A_47 = arith.addf %dot_general3A_45, %add3A_46 : vector<1x2048xf32>
    %reduce_max3A = vector.shape_cast %add3A_47 : vector<1x2048xf32> to vector<1x1x2048xf32>
    %reduce_max3A_48 = arith.constant dense<0xFF800000> : vector<1xf32>
    %reduce_max3A_49 = vector.multi_reduction <maximumf>, %reduce_max3A, %reduce_max3A_48 [1, 2] : vector<1x1x2048xf32> to vector<1xf32>
    %reduce_max3A_50 = vector.shape_cast %reduce_max3A_49 : vector<1xf32> to vector<1x1x1xf32>
    %reduce_max3A_51 = vector.extract %reduce_max3A_50[0, 0, 0] : f32 from vector<1x1x1xf32>
    %sub3A = vector.broadcast %reduce_max3A_51 : f32 to vector<1x2048xf32>
    %sub3A_52 = arith.subf %add3A_47, %sub3A : vector<1x2048xf32>
    %exp3A = math.exp %sub3A_52 : vector<1x2048xf32>
    %reduce_sum3A = vector.shape_cast %exp3A : vector<1x2048xf32> to vector<1x1x2048xf32>
    %reduce_sum3A_53 = arith.constant dense<0.000000e+00> : vector<1xf32>
    %reduce_sum3A_54 = vector.multi_reduction <add>, %reduce_sum3A, %reduce_sum3A_53 [1, 2] : vector<1x1x2048xf32> to vector<1xf32>
    %reduce_sum3A_55 = vector.shape_cast %reduce_sum3A_54 : vector<1xf32> to vector<1x1x1xf32>
    %reduce_sum3A_56 = vector.extract %reduce_sum3A_55[0, 0, 0] : f32 from vector<1x1x1xf32>
    %div3A = vector.broadcast %reduce_sum3A_56 : f32 to vector<1x2048xf32>
    %div3A_57 = arith.divf %exp3A, %div3A : vector<1x2048xf32>
    %dot_general3A_58 = arith.constant dense<0.000000e+00> : vector<1x512xf32>
    %dot_general3A_59 = tpu.matmul %div3A_57, %max3A_11, %dot_general3A_58 {dimension_numbers = #tpu.dot_dimension_numbers<[1], [0], [0], [1], [0, 0, 1, 1], [], []>, transpose_lhs_hint = false} : vector<1x2048xf32>, vector<2048x512xf32>, vector<1x512xf32> -> vector<1x512xf32>
    %swap3A = arith.constant 0 : index
    %swap3A_60 = arith.constant 0 : index
    %swap3A_61 = vector.load %arg15[%swap3A, %swap3A_60] : memref<1x512xf32, #tpu.memory_space<vmem>>, vector<1x512xf32>
    tpu.vector_store %arg15[%swap3A, %swap3A_60], %dot_general3A_59 {strides = array<i32>} : memref<1x512xf32, #tpu.memory_space<vmem>>, vector<1x512xf32>,
    %get3A_62 = arith.constant 0 : index
    %get3A_63 = arith.constant 0 : index
    %get3A_64 = vector.load %arg9[%get3A_62, %get3A_63] : memref<256x512xf32, #tpu.memory_space<vmem>>, vector<256x512xf32>
    %get3A_65 = arith.constant 0 : index
    %get3A_66 = arith.constant 0 : index
    %get3A_67 = vector.load %arg10[%get3A_65, %get3A_66] : memref<1x256xf32, #tpu.memory_space<vmem>>, vector<1x256xf32>
    %get3A_68 = arith.constant 0 : index
    %get3A_69 = arith.constant 0 : index
    %get3A_70 = vector.load %arg11[%get3A_68, %get3A_69] : memref<256x512xf32, #tpu.memory_space<vmem>>, vector<256x512xf32>
    %get3A_71 = arith.constant 0 : index
    %get3A_72 = arith.constant 0 : index
    %get3A_73 = vector.load %arg12[%get3A_71, %get3A_72] : memref<1x256xf32, #tpu.memory_space<vmem>>, vector<1x256xf32>
    %get3A_74 = arith.constant 0 : index
    %get3A_75 = arith.constant 0 : index
    %get3A_76 = vector.load %arg13[%get3A_74, %get3A_75] : memref<1x256xf32, #tpu.memory_space<vmem>>, vector<1x256xf32>
    %get3A_77 = arith.constant 0 : index
    %get3A_78 = arith.constant 0 : index
    %get3A_79 = vector.load %arg14[%get3A_77, %get3A_78] : memref<1x1xf32, #tpu.memory_space<vmem>>, vector<1x1xf32>
    %get3A_80 = vector.extract %get3A_79[0, 0] : f32 from vector<1x1xf32>
    %dot_general3A_81 = arith.constant dense<0.000000e+00> : vector<2048x256xf32>
    %dot_general3A_82 = tpu.matmul %max3A_11, %get3A_64, %dot_general3A_81 {dimension_numbers = #tpu.dot_dimension_numbers<[1], [1], [0], [0], [0, 0, 1, 0], [], []>, transpose_lhs_hint = false} : vector<2048x512xf32>, vector<256x512xf32>, vector<2048x256xf32> -> vector<2048x256xf32>
    %add3A_83 = vector.broadcast %get3A_67 : vector<1x256xf32> to vector<2048x256xf32>
    %add3A_84 = arith.addf %dot_general3A_82, %add3A_83 : vector<2048x256xf32>
    %tanh3A_85 = math.tanh %add3A_84 : vector<2048x256xf32>
    %dot_general3A_86 = arith.constant dense<0.000000e+00> : vector<2048x256xf32>
    %dot_general3A_87 = tpu.matmul %max3A_11, %get3A_70, %dot_general3A_86 {dimension_numbers = #tpu.dot_dimension_numbers<[1], [1], [0], [0], [0, 0, 1, 0], [], []>, transpose_lhs_hint = false} : vector<2048x512xf32>, vector<256x512xf32>, vector<2048x256xf32> -> vector<2048x256xf32>
    %add3A_88 = vector.broadcast %get3A_73 : vector<1x256xf32> to vector<2048x256xf32>
    %add3A_89 = arith.addf %dot_general3A_87, %add3A_88 : vector<2048x256xf32>
    %logistic3A_90 = arith.negf %add3A_89 : vector<2048x256xf32>
    %logistic3A_91 = math.exp %logistic3A_90 : vector<2048x256xf32>
    %logistic3A_92 = arith.constant 1.000000e+00 : f32
    %logistic3A_93 = vector.broadcast %logistic3A_92 : f32 to vector<2048x256xf32>
    %logistic3A_94 = arith.addf %logistic3A_93, %logistic3A_91 : vector<2048x256xf32>
    %logistic3A_95 = arith.divf %logistic3A_93, %logistic3A_94 : vector<2048x256xf32>
    %mul3A_96 = arith.mulf %tanh3A_85, %logistic3A_95 : vector<2048x256xf32>
    %dot_general3A_97 = arith.constant dense<0.000000e+00> : vector<1x2048xf32>
    %dot_general3A_98 = tpu.matmul %get3A_76, %mul3A_96, %dot_general3A_97 {dimension_numbers = #tpu.dot_dimension_numbers<[1], [1], [0], [0], [0, 0, 1, 0], [], []>, transpose_lhs_hint = false} : vector<1x256xf32>, vector<2048x256xf32>, vector<1x2048xf32> -> vector<1x2048xf32>
    %add3A_99 = vector.broadcast %get3A_80 : f32 to vector<1x2048xf32>
    %add3A_100 = arith.addf %dot_general3A_98, %add3A_99 : vector<1x2048xf32>
    %iota3A = tpu.iota {dimensions = array<i32: 1>} : vector<1x2048xi32>
    %reduce_max3A_101 = vector.shape_cast %add3A_100 : vector<1x2048xf32> to vector<1x1x2048xf32>
    %reduce_max3A_102 = arith.constant dense<0xFF800000> : vector<1xf32>
    %reduce_max3A_103 = vector.multi_reduction <maximumf>, %reduce_max3A_101, %reduce_max3A_102 [1, 2] : vector<1x1x2048xf32> to vector<1xf32>
    %reduce_max3A_104 = vector.shape_cast %reduce_max3A_103 : vector<1xf32> to vector<1x1x1xf32>
    %reduce_max3A_105 = vector.extract %reduce_max3A_104[0, 0, 0] : f32 from vector<1x1x1xf32>
    %ge3A = vector.broadcast %reduce_max3A_105 : f32 to vector<1x2048xf32>
    %ge3A_106 = arith.cmpf oge, %add3A_100, %ge3A : vector<1x2048xf32>
    %jit3A = arith.constant 2048 : i32
    %broadcast_in_dim3A = vector.broadcast %jit3A : i32 to vector<1x2048xi32>
    %select_n3A = arith.select %ge3A_106, %iota3A, %broadcast_in_dim3A : vector<1x2048xi1>, vector<1x2048xi32>
    %reduce_min3A = vector.shape_cast %select_n3A : vector<1x2048xi32> to vector<1x1x2048xi32>
    %reduce_min3A_107 = arith.constant dense<2147483647> : vector<1xi32>
    %reduce_min3A_108 = vector.multi_reduction <minsi>, %reduce_min3A, %reduce_min3A_107 [1, 2] : vector<1x1x2048xi32> to vector<1xi32>
    %reduce_min3A_109 = vector.shape_cast %reduce_min3A_108 : vector<1xi32> to vector<1x1x1xi32>
    %reduce_min3A_110 = vector.extract %reduce_min3A_109[0, 0, 0] : i32 from vector<1x1x1xi32>
    %eq3A = vector.broadcast %reduce_min3A_110 : i32 to vector<1x2048xi32>
    %eq3A_111 = arith.cmpi eq, %iota3A, %eq3A : vector<1x2048xi32>
    %jit3A_112 = arith.constant -1.000000e+30 : f32
    %broadcast_in_dim3A_113 = vector.broadcast %jit3A_112 : f32 to vector<1x2048xf32>
    %select_n3A_114 = arith.select %eq3A_111, %broadcast_in_dim3A_113, %add3A_100 : vector<1x2048xi1>, vector<1x2048xf32>
    %reduce_max3A_115 = vector.shape_cast %select_n3A_114 : vector<1x2048xf32> to vector<1x1x2048xf32>
    %reduce_max3A_116 = arith.constant dense<0xFF800000> : vector<1xf32>
    %reduce_max3A_117 = vector.multi_reduction <maximumf>, %reduce_max3A_115, %reduce_max3A_116 [1, 2] : vector<1x1x2048xf32> to vector<1xf32>
    %reduce_max3A_118 = vector.shape_cast %reduce_max3A_117 : vector<1xf32> to vector<1x1x1xf32>
    %reduce_max3A_119 = vector.extract %reduce_max3A_118[0, 0, 0] : f32 from vector<1x1x1xf32>
    %ge3A_120 = vector.broadcast %reduce_max3A_119 : f32 to vector<1x2048xf32>
    %ge3A_121 = arith.cmpf oge, %select_n3A_114, %ge3A_120 : vector<1x2048xf32>
    %jit3A_122 = arith.constant 2048 : i32
    %broadcast_in_dim3A_123 = vector.broadcast %jit3A_122 : i32 to vector<1x2048xi32>
    %select_n3A_124 = arith.select %ge3A_121, %iota3A, %broadcast_in_dim3A_123 : vector<1x2048xi1>, vector<1x2048xi32>
    %reduce_min3A_125 = vector.shape_cast %select_n3A_124 : vector<1x2048xi32> to vector<1x1x2048xi32>
    %reduce_min3A_126 = arith.constant dense<2147483647> : vector<1xi32>
    %reduce_min3A_127 = vector.multi_reduction <minsi>, %reduce_min3A_125, %reduce_min3A_126 [1, 2] : vector<1x1x2048xi32> to vector<1xi32>
    %reduce_min3A_128 = vector.shape_cast %reduce_min3A_127 : vector<1xi32> to vector<1x1x1xi32>
    %reduce_min3A_129 = vector.extract %reduce_min3A_128[0, 0, 0] : i32 from vector<1x1x1xi32>
    %eq3A_130 = vector.broadcast %reduce_min3A_129 : i32 to vector<1x2048xi32>
    %eq3A_131 = arith.cmpi eq, %iota3A, %eq3A_130 : vector<1x2048xi32>
    %jit3A_132 = arith.constant -1.000000e+30 : f32
    %broadcast_in_dim3A_133 = vector.broadcast %jit3A_132 : f32 to vector<1x2048xf32>
    %select_n3A_134 = arith.select %eq3A_131, %broadcast_in_dim3A_133, %select_n3A_114 : vector<1x2048xi1>, vector<1x2048xf32>
    %reduce_max3A_135 = vector.shape_cast %select_n3A_134 : vector<1x2048xf32> to vector<1x1x2048xf32>
    %reduce_max3A_136 = arith.constant dense<0xFF800000> : vector<1xf32>
    %reduce_max3A_137 = vector.multi_reduction <maximumf>, %reduce_max3A_135, %reduce_max3A_136 [1, 2] : vector<1x1x2048xf32> to vector<1xf32>
    %reduce_max3A_138 = vector.shape_cast %reduce_max3A_137 : vector<1xf32> to vector<1x1x1xf32>
    %reduce_max3A_139 = vector.extract %reduce_max3A_138[0, 0, 0] : f32 from vector<1x1x1xf32>
    %ge3A_140 = vector.broadcast %reduce_max3A_139 : f32 to vector<1x2048xf32>
    %ge3A_141 = arith.cmpf oge, %select_n3A_134, %ge3A_140 : vector<1x2048xf32>
    %jit3A_142 = arith.constant 2048 : i32
    %broadcast_in_dim3A_143 = vector.broadcast %jit3A_142 : i32 to vector<1x2048xi32>
    %select_n3A_144 = arith.select %ge3A_141, %iota3A, %broadcast_in_dim3A_143 : vector<1x2048xi1>, vector<1x2048xi32>
    %reduce_min3A_145 = vector.shape_cast %select_n3A_144 : vector<1x2048xi32> to vector<1x1x2048xi32>
    %reduce_min3A_146 = arith.constant dense<2147483647> : vector<1xi32>
    %reduce_min3A_147 = vector.multi_reduction <minsi>, %reduce_min3A_145, %reduce_min3A_146 [1, 2] : vector<1x1x2048xi32> to vector<1xi32>
    %reduce_min3A_148 = vector.shape_cast %reduce_min3A_147 : vector<1xi32> to vector<1x1x1xi32>
    %reduce_min3A_149 = vector.extract %reduce_min3A_148[0, 0, 0] : i32 from vector<1x1x1xi32>
    %eq3A_150 = vector.broadcast %reduce_min3A_149 : i32 to vector<1x2048xi32>
    %eq3A_151 = arith.cmpi eq, %iota3A, %eq3A_150 : vector<1x2048xi32>
    %jit3A_152 = arith.constant -1.000000e+30 : f32
    %broadcast_in_dim3A_153 = vector.broadcast %jit3A_152 : f32 to vector<1x2048xf32>
    %select_n3A_154 = arith.select %eq3A_151, %broadcast_in_dim3A_153, %select_n3A_134 : vector<1x2048xi1>, vector<1x2048xf32>
    %reduce_max3A_155 = vector.shape_cast %select_n3A_154 : vector<1x2048xf32> to vector<1x1x2048xf32>
    %reduce_max3A_156 = arith.constant dense<0xFF800000> : vector<1xf32>
    %reduce_max3A_157 = vector.multi_reduction <maximumf>, %reduce_max3A_155, %reduce_max3A_156 [1, 2] : vector<1x1x2048xf32> to vector<1xf32>
    %reduce_max3A_158 = vector.shape_cast %reduce_max3A_157 : vector<1xf32> to vector<1x1x1xf32>
    %reduce_max3A_159 = vector.extract %reduce_max3A_158[0, 0, 0] : f32 from vector<1x1x1xf32>
    %ge3A_160 = vector.broadcast %reduce_max3A_159 : f32 to vector<1x2048xf32>
    %ge3A_161 = arith.cmpf oge, %select_n3A_154, %ge3A_160 : vector<1x2048xf32>
    %jit3A_162 = arith.constant 2048 : i32
    %broadcast_in_dim3A_163 = vector.broadcast %jit3A_162 : i32 to vector<1x2048xi32>
    %select_n3A_164 = arith.select %ge3A_161, %iota3A, %broadcast_in_dim3A_163 : vector<1x2048xi1>, vector<1x2048xi32>
    %reduce_min3A_165 = vector.shape_cast %select_n3A_164 : vector<1x2048xi32> to vector<1x1x2048xi32>
    %reduce_min3A_166 = arith.constant dense<2147483647> : vector<1xi32>
    %reduce_min3A_167 = vector.multi_reduction <minsi>, %reduce_min3A_165, %reduce_min3A_166 [1, 2] : vector<1x1x2048xi32> to vector<1xi32>
    %reduce_min3A_168 = vector.shape_cast %reduce_min3A_167 : vector<1xi32> to vector<1x1x1xi32>
    %reduce_min3A_169 = vector.extract %reduce_min3A_168[0, 0, 0] : i32 from vector<1x1x1xi32>
    %eq3A_170 = vector.broadcast %reduce_min3A_169 : i32 to vector<1x2048xi32>
    %eq3A_171 = arith.cmpi eq, %iota3A, %eq3A_170 : vector<1x2048xi32>
    %jit3A_172 = arith.constant -1.000000e+30 : f32
    %broadcast_in_dim3A_173 = vector.broadcast %jit3A_172 : f32 to vector<1x2048xf32>
    %select_n3A_174 = arith.select %eq3A_171, %broadcast_in_dim3A_173, %select_n3A_154 : vector<1x2048xi1>, vector<1x2048xf32>
    %reduce_max3A_175 = vector.shape_cast %select_n3A_174 : vector<1x2048xf32> to vector<1x1x2048xf32>
    %reduce_max3A_176 = arith.constant dense<0xFF800000> : vector<1xf32>
    %reduce_max3A_177 = vector.multi_reduction <maximumf>, %reduce_max3A_175, %reduce_max3A_176 [1, 2] : vector<1x1x2048xf32> to vector<1xf32>
    %reduce_max3A_178 = vector.shape_cast %reduce_max3A_177 : vector<1xf32> to vector<1x1x1xf32>
    %reduce_max3A_179 = vector.extract %reduce_max3A_178[0, 0, 0] : f32 from vector<1x1x1xf32>
    %ge3A_180 = vector.broadcast %reduce_max3A_179 : f32 to vector<1x2048xf32>
    %ge3A_181 = arith.cmpf oge, %select_n3A_174, %ge3A_180 : vector<1x2048xf32>
    %jit3A_182 = arith.constant 2048 : i32
    %broadcast_in_dim3A_183 = vector.broadcast %jit3A_182 : i32 to vector<1x2048xi32>
    %select_n3A_184 = arith.select %ge3A_181, %iota3A, %broadcast_in_dim3A_183 : vector<1x2048xi1>, vector<1x2048xi32>
    %reduce_min3A_185 = vector.shape_cast %select_n3A_184 : vector<1x2048xi32> to vector<1x1x2048xi32>
    %reduce_min3A_186 = arith.constant dense<2147483647> : vector<1xi32>
    %reduce_min3A_187 = vector.multi_reduction <minsi>, %reduce_min3A_185, %reduce_min3A_186 [1, 2] : vector<1x1x2048xi32> to vector<1xi32>
    %reduce_min3A_188 = vector.shape_cast %reduce_min3A_187 : vector<1xi32> to vector<1x1x1xi32>
    %reduce_min3A_189 = vector.extract %reduce_min3A_188[0, 0, 0] : i32 from vector<1x1x1xi32>
    %eq3A_190 = vector.broadcast %reduce_min3A_189 : i32 to vector<1x2048xi32>
    %eq3A_191 = arith.cmpi eq, %iota3A, %eq3A_190 : vector<1x2048xi32>
    %jit3A_192 = arith.constant -1.000000e+30 : f32
    %broadcast_in_dim3A_193 = vector.broadcast %jit3A_192 : f32 to vector<1x2048xf32>
    %select_n3A_194 = arith.select %eq3A_191, %broadcast_in_dim3A_193, %select_n3A_174 : vector<1x2048xi1>, vector<1x2048xf32>
    %reduce_max3A_195 = vector.shape_cast %select_n3A_194 : vector<1x2048xf32> to vector<1x1x2048xf32>
    %reduce_max3A_196 = arith.constant dense<0xFF800000> : vector<1xf32>
    %reduce_max3A_197 = vector.multi_reduction <maximumf>, %reduce_max3A_195, %reduce_max3A_196 [1, 2] : vector<1x1x2048xf32> to vector<1xf32>
    %reduce_max3A_198 = vector.shape_cast %reduce_max3A_197 : vector<1xf32> to vector<1x1x1xf32>
    %reduce_max3A_199 = vector.extract %reduce_max3A_198[0, 0, 0] : f32 from vector<1x1x1xf32>
    %ge3A_200 = vector.broadcast %reduce_max3A_199 : f32 to vector<1x2048xf32>
    %ge3A_201 = arith.cmpf oge, %select_n3A_194, %ge3A_200 : vector<1x2048xf32>
    %jit3A_202 = arith.constant 2048 : i32
    %broadcast_in_dim3A_203 = vector.broadcast %jit3A_202 : i32 to vector<1x2048xi32>
    %select_n3A_204 = arith.select %ge3A_201, %iota3A, %broadcast_in_dim3A_203 : vector<1x2048xi1>, vector<1x2048xi32>
    %reduce_min3A_205 = vector.shape_cast %select_n3A_204 : vector<1x2048xi32> to vector<1x1x2048xi32>
    %reduce_min3A_206 = arith.constant dense<2147483647> : vector<1xi32>
    %reduce_min3A_207 = vector.multi_reduction <minsi>, %reduce_min3A_205, %reduce_min3A_206 [1, 2] : vector<1x1x2048xi32> to vector<1xi32>
    %reduce_min3A_208 = vector.shape_cast %reduce_min3A_207 : vector<1xi32> to vector<1x1x1xi32>
    %reduce_min3A_209 = vector.extract %reduce_min3A_208[0, 0, 0] : i32 from vector<1x1x1xi32>
    %eq3A_210 = vector.broadcast %reduce_min3A_209 : i32 to vector<1x2048xi32>
    %eq3A_211 = arith.cmpi eq, %iota3A, %eq3A_210 : vector<1x2048xi32>
    %jit3A_212 = arith.constant -1.000000e+30 : f32
    %broadcast_in_dim3A_213 = vector.broadcast %jit3A_212 : f32 to vector<1x2048xf32>
    %select_n3A_214 = arith.select %eq3A_211, %broadcast_in_dim3A_213, %select_n3A_194 : vector<1x2048xi1>, vector<1x2048xf32>
    %reduce_max3A_215 = vector.shape_cast %select_n3A_214 : vector<1x2048xf32> to vector<1x1x2048xf32>
    %reduce_max3A_216 = arith.constant dense<0xFF800000> : vector<1xf32>
    %reduce_max3A_217 = vector.multi_reduction <maximumf>, %reduce_max3A_215, %reduce_max3A_216 [1, 2] : vector<1x1x2048xf32> to vector<1xf32>
    %reduce_max3A_218 = vector.shape_cast %reduce_max3A_217 : vector<1xf32> to vector<1x1x1xf32>
    %reduce_max3A_219 = vector.extract %reduce_max3A_218[0, 0, 0] : f32 from vector<1x1x1xf32>
    %ge3A_220 = vector.broadcast %reduce_max3A_219 : f32 to vector<1x2048xf32>
    %ge3A_221 = arith.cmpf oge, %select_n3A_214, %ge3A_220 : vector<1x2048xf32>
    %jit3A_222 = arith.constant 2048 : i32
    %broadcast_in_dim3A_223 = vector.broadcast %jit3A_222 : i32 to vector<1x2048xi32>
    %select_n3A_224 = arith.select %ge3A_221, %iota3A, %broadcast_in_dim3A_223 : vector<1x2048xi1>, vector<1x2048xi32>
    %reduce_min3A_225 = vector.shape_cast %select_n3A_224 : vector<1x2048xi32> to vector<1x1x2048xi32>
    %reduce_min3A_226 = arith.constant dense<2147483647> : vector<1xi32>
    %reduce_min3A_227 = vector.multi_reduction <minsi>, %reduce_min3A_225, %reduce_min3A_226 [1, 2] : vector<1x1x2048xi32> to vector<1xi32>
    %reduce_min3A_228 = vector.shape_cast %reduce_min3A_227 : vector<1xi32> to vector<1x1x1xi32>
    %reduce_min3A_229 = vector.extract %reduce_min3A_228[0, 0, 0] : i32 from vector<1x1x1xi32>
    %eq3A_230 = vector.broadcast %reduce_min3A_229 : i32 to vector<1x2048xi32>
    %eq3A_231 = arith.cmpi eq, %iota3A, %eq3A_230 : vector<1x2048xi32>
    %jit3A_232 = arith.constant -1.000000e+30 : f32
    %broadcast_in_dim3A_233 = vector.broadcast %jit3A_232 : f32 to vector<1x2048xf32>
    %select_n3A_234 = arith.select %eq3A_231, %broadcast_in_dim3A_233, %select_n3A_214 : vector<1x2048xi1>, vector<1x2048xf32>
    %reduce_max3A_235 = vector.shape_cast %select_n3A_234 : vector<1x2048xf32> to vector<1x1x2048xf32>
    %reduce_max3A_236 = arith.constant dense<0xFF800000> : vector<1xf32>
    %reduce_max3A_237 = vector.multi_reduction <maximumf>, %reduce_max3A_235, %reduce_max3A_236 [1, 2] : vector<1x1x2048xf32> to vector<1xf32>
    %reduce_max3A_238 = vector.shape_cast %reduce_max3A_237 : vector<1xf32> to vector<1x1x1xf32>
    %reduce_max3A_239 = vector.extract %reduce_max3A_238[0, 0, 0] : f32 from vector<1x1x1xf32>
    %ge3A_240 = vector.broadcast %reduce_max3A_239 : f32 to vector<1x2048xf32>
    %ge3A_241 = arith.cmpf oge, %select_n3A_234, %ge3A_240 : vector<1x2048xf32>
    %jit3A_242 = arith.constant 2048 : i32
    %broadcast_in_dim3A_243 = vector.broadcast %jit3A_242 : i32 to vector<1x2048xi32>
    %select_n3A_244 = arith.select %ge3A_241, %iota3A, %broadcast_in_dim3A_243 : vector<1x2048xi1>, vector<1x2048xi32>
    %reduce_min3A_245 = vector.shape_cast %select_n3A_244 : vector<1x2048xi32> to vector<1x1x2048xi32>
    %reduce_min3A_246 = arith.constant dense<2147483647> : vector<1xi32>
    %reduce_min3A_247 = vector.multi_reduction <minsi>, %reduce_min3A_245, %reduce_min3A_246 [1, 2] : vector<1x1x2048xi32> to vector<1xi32>
    %reduce_min3A_248 = vector.shape_cast %reduce_min3A_247 : vector<1xi32> to vector<1x1x1xi32>
    %reduce_min3A_249 = vector.extract %reduce_min3A_248[0, 0, 0] : i32 from vector<1x1x1xi32>
    %eq3A_250 = vector.broadcast %reduce_min3A_249 : i32 to vector<1x2048xi32>
    %eq3A_251 = arith.cmpi eq, %iota3A, %eq3A_250 : vector<1x2048xi32>
    %jit3A_252 = arith.constant -1.000000e+30 : f32
    %broadcast_in_dim3A_253 = vector.broadcast %jit3A_252 : f32 to vector<1x2048xf32>
    %select_n3A_254 = arith.select %eq3A_251, %broadcast_in_dim3A_253, %select_n3A_234 : vector<1x2048xi1>, vector<1x2048xf32>
    %reduce_max3A_255 = vector.shape_cast %select_n3A_254 : vector<1x2048xf32> to vector<1x1x2048xf32>
    %reduce_max3A_256 = arith.constant dense<0xFF800000> : vector<1xf32>
    %reduce_max3A_257 = vector.multi_reduction <maximumf>, %reduce_max3A_255, %reduce_max3A_256 [1, 2] : vector<1x1x2048xf32> to vector<1xf32>
    %reduce_max3A_258 = vector.shape_cast %reduce_max3A_257 : vector<1xf32> to vector<1x1x1xf32>
    %reduce_max3A_259 = vector.extract %reduce_max3A_258[0, 0, 0] : f32 from vector<1x1x1xf32>
    %ge3A_260 = vector.broadcast %reduce_max3A_259 : f32 to vector<1x2048xf32>
    %ge3A_261 = arith.cmpf oge, %select_n3A_254, %ge3A_260 : vector<1x2048xf32>
    %jit3A_262 = arith.constant 2048 : i32
    %broadcast_in_dim3A_263 = vector.broadcast %jit3A_262 : i32 to vector<1x2048xi32>
    %select_n3A_264 = arith.select %ge3A_261, %iota3A, %broadcast_in_dim3A_263 : vector<1x2048xi1>, vector<1x2048xi32>
    %reduce_min3A_265 = vector.shape_cast %select_n3A_264 : vector<1x2048xi32> to vector<1x1x2048xi32>
    %reduce_min3A_266 = arith.constant dense<2147483647> : vector<1xi32>
    %reduce_min3A_267 = vector.multi_reduction <minsi>, %reduce_min3A_265, %reduce_min3A_266 [1, 2] : vector<1x1x2048xi32> to vector<1xi32>
    %reduce_min3A_268 = vector.shape_cast %reduce_min3A_267 : vector<1xi32> to vector<1x1x1xi32>
    %reduce_min3A_269 = vector.extract %reduce_min3A_268[0, 0, 0] : i32 from vector<1x1x1xi32>
    %eq3A_270 = vector.broadcast %reduce_min3A_269 : i32 to vector<1x2048xi32>
    %eq3A_271 = arith.cmpi eq, %iota3A, %eq3A_270 : vector<1x2048xi32>
    %jit3A_272 = arith.constant -1.000000e+30 : f32
    %broadcast_in_dim3A_273 = vector.broadcast %jit3A_272 : f32 to vector<1x2048xf32>
    %select_n3A_274 = arith.select %eq3A_271, %broadcast_in_dim3A_273, %select_n3A_254 : vector<1x2048xi1>, vector<1x2048xf32>
    %reduce_max3A_275 = vector.shape_cast %select_n3A_274 : vector<1x2048xf32> to vector<1x1x2048xf32>
    %reduce_max3A_276 = arith.constant dense<0xFF800000> : vector<1xf32>
    %reduce_max3A_277 = vector.multi_reduction <maximumf>, %reduce_max3A_275, %reduce_max3A_276 [1, 2] : vector<1x1x2048xf32> to vector<1xf32>
    %reduce_max3A_278 = vector.shape_cast %reduce_max3A_277 : vector<1xf32> to vector<1x1x1xf32>
    %reduce_max3A_279 = vector.extract %reduce_max3A_278[0, 0, 0] : f32 from vector<1x1x1xf32>
    %ge3A_280 = vector.broadcast %reduce_max3A_279 : f32 to vector<1x2048xf32>
    %ge3A_281 = arith.cmpf oge, %select_n3A_274, %ge3A_280 : vector<1x2048xf32>
    %jit3A_282 = arith.constant 2048 : i32
    %broadcast_in_dim3A_283 = vector.broadcast %jit3A_282 : i32 to vector<1x2048xi32>
    %select_n3A_284 = arith.select %ge3A_281, %iota3A, %broadcast_in_dim3A_283 : vector<1x2048xi1>, vector<1x2048xi32>
    %reduce_min3A_285 = vector.shape_cast %select_n3A_284 : vector<1x2048xi32> to vector<1x1x2048xi32>
    %reduce_min3A_286 = arith.constant dense<2147483647> : vector<1xi32>
    %reduce_min3A_287 = vector.multi_reduction <minsi>, %reduce_min3A_285, %reduce_min3A_286 [1, 2] : vector<1x1x2048xi32> to vector<1xi32>
    %reduce_min3A_288 = vector.shape_cast %reduce_min3A_287 : vector<1xi32> to vector<1x1x1xi32>
    %reduce_min3A_289 = vector.extract %reduce_min3A_288[0, 0, 0] : i32 from vector<1x1x1xi32>
    %eq3A_290 = vector.broadcast %reduce_min3A_289 : i32 to vector<1x2048xi32>
    %eq3A_291 = arith.cmpi eq, %iota3A, %eq3A_290 : vector<1x2048xi32>
    %jit3A_292 = arith.constant -1.000000e+30 : f32
    %broadcast_in_dim3A_293 = vector.broadcast %jit3A_292 : f32 to vector<1x2048xf32>
    %select_n3A_294 = arith.select %eq3A_291, %broadcast_in_dim3A_293, %select_n3A_274 : vector<1x2048xi1>, vector<1x2048xf32>
    %reduce_max3A_295 = vector.shape_cast %select_n3A_294 : vector<1x2048xf32> to vector<1x1x2048xf32>
    %reduce_max3A_296 = arith.constant dense<0xFF800000> : vector<1xf32>
    %reduce_max3A_297 = vector.multi_reduction <maximumf>, %reduce_max3A_295, %reduce_max3A_296 [1, 2] : vector<1x1x2048xf32> to vector<1xf32>
    %reduce_max3A_298 = vector.shape_cast %reduce_max3A_297 : vector<1xf32> to vector<1x1x1xf32>
    %reduce_max3A_299 = vector.extract %reduce_max3A_298[0, 0, 0] : f32 from vector<1x1x1xf32>
    %ge3A_300 = vector.broadcast %reduce_max3A_299 : f32 to vector<1x2048xf32>
    %ge3A_301 = arith.cmpf oge, %select_n3A_294, %ge3A_300 : vector<1x2048xf32>
    %jit3A_302 = arith.constant 2048 : i32
    %broadcast_in_dim3A_303 = vector.broadcast %jit3A_302 : i32 to vector<1x2048xi32>
    %select_n3A_304 = arith.select %ge3A_301, %iota3A, %broadcast_in_dim3A_303 : vector<1x2048xi1>, vector<1x2048xi32>
    %reduce_min3A_305 = vector.shape_cast %select_n3A_304 : vector<1x2048xi32> to vector<1x1x2048xi32>
    %reduce_min3A_306 = arith.constant dense<2147483647> : vector<1xi32>
    %reduce_min3A_307 = vector.multi_reduction <minsi>, %reduce_min3A_305, %reduce_min3A_306 [1, 2] : vector<1x1x2048xi32> to vector<1xi32>
    %reduce_min3A_308 = vector.shape_cast %reduce_min3A_307 : vector<1xi32> to vector<1x1x1xi32>
    %reduce_min3A_309 = vector.extract %reduce_min3A_308[0, 0, 0] : i32 from vector<1x1x1xi32>
    %eq3A_310 = vector.broadcast %reduce_min3A_309 : i32 to vector<1x2048xi32>
    %eq3A_311 = arith.cmpi eq, %iota3A, %eq3A_310 : vector<1x2048xi32>
    %jit3A_312 = arith.constant -1.000000e+30 : f32
    %broadcast_in_dim3A_313 = vector.broadcast %jit3A_312 : f32 to vector<1x2048xf32>
    %select_n3A_314 = arith.select %eq3A_311, %broadcast_in_dim3A_313, %select_n3A_294 : vector<1x2048xi1>, vector<1x2048xf32>
    %reduce_max3A_315 = vector.shape_cast %select_n3A_314 : vector<1x2048xf32> to vector<1x1x2048xf32>
    %reduce_max3A_316 = arith.constant dense<0xFF800000> : vector<1xf32>
    %reduce_max3A_317 = vector.multi_reduction <maximumf>, %reduce_max3A_315, %reduce_max3A_316 [1, 2] : vector<1x1x2048xf32> to vector<1xf32>
    %reduce_max3A_318 = vector.shape_cast %reduce_max3A_317 : vector<1xf32> to vector<1x1x1xf32>
    %reduce_max3A_319 = vector.extract %reduce_max3A_318[0, 0, 0] : f32 from vector<1x1x1xf32>
    %ge3A_320 = vector.broadcast %reduce_max3A_319 : f32 to vector<1x2048xf32>
    %ge3A_321 = arith.cmpf oge, %select_n3A_314, %ge3A_320 : vector<1x2048xf32>
    %jit3A_322 = arith.constant 2048 : i32
    %broadcast_in_dim3A_323 = vector.broadcast %jit3A_322 : i32 to vector<1x2048xi32>
    %select_n3A_324 = arith.select %ge3A_321, %iota3A, %broadcast_in_dim3A_323 : vector<1x2048xi1>, vector<1x2048xi32>
    %reduce_min3A_325 = vector.shape_cast %select_n3A_324 : vector<1x2048xi32> to vector<1x1x2048xi32>
    %reduce_min3A_326 = arith.constant dense<2147483647> : vector<1xi32>
    %reduce_min3A_327 = vector.multi_reduction <minsi>, %reduce_min3A_325, %reduce_min3A_326 [1, 2] : vector<1x1x2048xi32> to vector<1xi32>
    %reduce_min3A_328 = vector.shape_cast %reduce_min3A_327 : vector<1xi32> to vector<1x1x1xi32>
    %reduce_min3A_329 = vector.extract %reduce_min3A_328[0, 0, 0] : i32 from vector<1x1x1xi32>
    %eq3A_330 = vector.broadcast %reduce_min3A_329 : i32 to vector<1x2048xi32>
    %eq3A_331 = arith.cmpi eq, %iota3A, %eq3A_330 : vector<1x2048xi32>
    %jit3A_332 = arith.constant -1.000000e+30 : f32
    %broadcast_in_dim3A_333 = vector.broadcast %jit3A_332 : f32 to vector<1x2048xf32>
    %select_n3A_334 = arith.select %eq3A_331, %broadcast_in_dim3A_333, %select_n3A_314 : vector<1x2048xi1>, vector<1x2048xf32>
    %reduce_max3A_335 = vector.shape_cast %select_n3A_334 : vector<1x2048xf32> to vector<1x1x2048xf32>
    %reduce_max3A_336 = arith.constant dense<0xFF800000> : vector<1xf32>
    %reduce_max3A_337 = vector.multi_reduction <maximumf>, %reduce_max3A_335, %reduce_max3A_336 [1, 2] : vector<1x1x2048xf32> to vector<1xf32>
    %reduce_max3A_338 = vector.shape_cast %reduce_max3A_337 : vector<1xf32> to vector<1x1x1xf32>
    %reduce_max3A_339 = vector.extract %reduce_max3A_338[0, 0, 0] : f32 from vector<1x1x1xf32>
    %ge3A_340 = vector.broadcast %reduce_max3A_339 : f32 to vector<1x2048xf32>
    %ge3A_341 = arith.cmpf oge, %select_n3A_334, %ge3A_340 : vector<1x2048xf32>
    %jit3A_342 = arith.constant 2048 : i32
    %broadcast_in_dim3A_343 = vector.broadcast %jit3A_342 : i32 to vector<1x2048xi32>
    %select_n3A_344 = arith.select %ge3A_341, %iota3A, %broadcast_in_dim3A_343 : vector<1x2048xi1>, vector<1x2048xi32>
    %reduce_min3A_345 = vector.shape_cast %select_n3A_344 : vector<1x2048xi32> to vector<1x1x2048xi32>
    %reduce_min3A_346 = arith.constant dense<2147483647> : vector<1xi32>
    %reduce_min3A_347 = vector.multi_reduction <minsi>, %reduce_min3A_345, %reduce_min3A_346 [1, 2] : vector<1x1x2048xi32> to vector<1xi32>
    %reduce_min3A_348 = vector.shape_cast %reduce_min3A_347 : vector<1xi32> to vector<1x1x1xi32>
    %reduce_min3A_349 = vector.extract %reduce_min3A_348[0, 0, 0] : i32 from vector<1x1x1xi32>
    %eq3A_350 = vector.broadcast %reduce_min3A_349 : i32 to vector<1x2048xi32>
    %eq3A_351 = arith.cmpi eq, %iota3A, %eq3A_350 : vector<1x2048xi32>
    %jit3A_352 = arith.constant -1.000000e+30 : f32
    %broadcast_in_dim3A_353 = vector.broadcast %jit3A_352 : f32 to vector<1x2048xf32>
    %select_n3A_354 = arith.select %eq3A_351, %broadcast_in_dim3A_353, %select_n3A_334 : vector<1x2048xi1>, vector<1x2048xf32>
    %reduce_max3A_355 = vector.shape_cast %select_n3A_354 : vector<1x2048xf32> to vector<1x1x2048xf32>
    %reduce_max3A_356 = arith.constant dense<0xFF800000> : vector<1xf32>
    %reduce_max3A_357 = vector.multi_reduction <maximumf>, %reduce_max3A_355, %reduce_max3A_356 [1, 2] : vector<1x1x2048xf32> to vector<1xf32>
    %reduce_max3A_358 = vector.shape_cast %reduce_max3A_357 : vector<1xf32> to vector<1x1x1xf32>
    %reduce_max3A_359 = vector.extract %reduce_max3A_358[0, 0, 0] : f32 from vector<1x1x1xf32>
    %ge3A_360 = vector.broadcast %reduce_max3A_359 : f32 to vector<1x2048xf32>
    %ge3A_361 = arith.cmpf oge, %select_n3A_354, %ge3A_360 : vector<1x2048xf32>
    %jit3A_362 = arith.constant 2048 : i32
    %broadcast_in_dim3A_363 = vector.broadcast %jit3A_362 : i32 to vector<1x2048xi32>
    %select_n3A_364 = arith.select %ge3A_361, %iota3A, %broadcast_in_dim3A_363 : vector<1x2048xi1>, vector<1x2048xi32>
    %reduce_min3A_365 = vector.shape_cast %select_n3A_364 : vector<1x2048xi32> to vector<1x1x2048xi32>
    %reduce_min3A_366 = arith.constant dense<2147483647> : vector<1xi32>
    %reduce_min3A_367 = vector.multi_reduction <minsi>, %reduce_min3A_365, %reduce_min3A_366 [1, 2] : vector<1x1x2048xi32> to vector<1xi32>
    %reduce_min3A_368 = vector.shape_cast %reduce_min3A_367 : vector<1xi32> to vector<1x1x1xi32>
    %reduce_min3A_369 = vector.extract %reduce_min3A_368[0, 0, 0] : i32 from vector<1x1x1xi32>
    %eq3A_370 = vector.broadcast %reduce_min3A_369 : i32 to vector<1x2048xi32>
    %eq3A_371 = arith.cmpi eq, %iota3A, %eq3A_370 : vector<1x2048xi32>
    %jit3A_372 = arith.constant -1.000000e+30 : f32
    %broadcast_in_dim3A_373 = vector.broadcast %jit3A_372 : f32 to vector<1x2048xf32>
    %select_n3A_374 = arith.select %eq3A_371, %broadcast_in_dim3A_373, %select_n3A_354 : vector<1x2048xi1>, vector<1x2048xf32>
    %reduce_max3A_375 = vector.shape_cast %select_n3A_374 : vector<1x2048xf32> to vector<1x1x2048xf32>
    %reduce_max3A_376 = arith.constant dense<0xFF800000> : vector<1xf32>
    %reduce_max3A_377 = vector.multi_reduction <maximumf>, %reduce_max3A_375, %reduce_max3A_376 [1, 2] : vector<1x1x2048xf32> to vector<1xf32>
    %reduce_max3A_378 = vector.shape_cast %reduce_max3A_377 : vector<1xf32> to vector<1x1x1xf32>
    %reduce_max3A_379 = vector.extract %reduce_max3A_378[0, 0, 0] : f32 from vector<1x1x1xf32>
    %ge3A_380 = vector.broadcast %reduce_max3A_379 : f32 to vector<1x2048xf32>
    %ge3A_381 = arith.cmpf oge, %select_n3A_374, %ge3A_380 : vector<1x2048xf32>
    %jit3A_382 = arith.constant 2048 : i32
    %broadcast_in_dim3A_383 = vector.broadcast %jit3A_382 : i32 to vector<1x2048xi32>
    %select_n3A_384 = arith.select %ge3A_381, %iota3A, %broadcast_in_dim3A_383 : vector<1x2048xi1>, vector<1x2048xi32>
    %reduce_min3A_385 = vector.shape_cast %select_n3A_384 : vector<1x2048xi32> to vector<1x1x2048xi32>
    %reduce_min3A_386 = arith.constant dense<2147483647> : vector<1xi32>
    %reduce_min3A_387 = vector.multi_reduction <minsi>, %reduce_min3A_385, %reduce_min3A_386 [1, 2] : vector<1x1x2048xi32> to vector<1xi32>
    %reduce_min3A_388 = vector.shape_cast %reduce_min3A_387 : vector<1xi32> to vector<1x1x1xi32>
    %reduce_min3A_389 = vector.extract %reduce_min3A_388[0, 0, 0] : i32 from vector<1x1x1xi32>
    %eq3A_390 = vector.broadcast %reduce_min3A_389 : i32 to vector<1x2048xi32>
    %eq3A_391 = arith.cmpi eq, %iota3A, %eq3A_390 : vector<1x2048xi32>
    %jit3A_392 = arith.constant -1.000000e+30 : f32
    %broadcast_in_dim3A_393 = vector.broadcast %jit3A_392 : f32 to vector<1x2048xf32>
    %select_n3A_394 = arith.select %eq3A_391, %broadcast_in_dim3A_393, %select_n3A_374 : vector<1x2048xi1>, vector<1x2048xf32>
    %reduce_max3A_395 = vector.shape_cast %select_n3A_394 : vector<1x2048xf32> to vector<1x1x2048xf32>
    %reduce_max3A_396 = arith.constant dense<0xFF800000> : vector<1xf32>
    %reduce_max3A_397 = vector.multi_reduction <maximumf>, %reduce_max3A_395, %reduce_max3A_396 [1, 2] : vector<1x1x2048xf32> to vector<1xf32>
    %reduce_max3A_398 = vector.shape_cast %reduce_max3A_397 : vector<1xf32> to vector<1x1x1xf32>
    %reduce_max3A_399 = vector.extract %reduce_max3A_398[0, 0, 0] : f32 from vector<1x1x1xf32>
    %ge3A_400 = vector.broadcast %reduce_max3A_399 : f32 to vector<1x2048xf32>
    %ge3A_401 = arith.cmpf oge, %select_n3A_394, %ge3A_400 : vector<1x2048xf32>
    %jit3A_402 = arith.constant 2048 : i32
    %broadcast_in_dim3A_403 = vector.broadcast %jit3A_402 : i32 to vector<1x2048xi32>
    %select_n3A_404 = arith.select %ge3A_401, %iota3A, %broadcast_in_dim3A_403 : vector<1x2048xi1>, vector<1x2048xi32>
    %reduce_min3A_405 = vector.shape_cast %select_n3A_404 : vector<1x2048xi32> to vector<1x1x2048xi32>
    %reduce_min3A_406 = arith.constant dense<2147483647> : vector<1xi32>
    %reduce_min3A_407 = vector.multi_reduction <minsi>, %reduce_min3A_405, %reduce_min3A_406 [1, 2] : vector<1x1x2048xi32> to vector<1xi32>
    %reduce_min3A_408 = vector.shape_cast %reduce_min3A_407 : vector<1xi32> to vector<1x1x1xi32>
    %reduce_min3A_409 = vector.extract %reduce_min3A_408[0, 0, 0] : i32 from vector<1x1x1xi32>
    %iota3A_410 = tpu.iota {dimensions = array<i32: 1>} : vector<1x64xi32>
    %jit3A_411 = arith.constant 4 : i32
    %eq3A_412 = arith.constant 0 : i32
    %eq3A_413 = arith.cmpi eq, %jit3A_411, %eq3A_412 : i32
    %jit3A_414 = arith.constant 1 : i32
    %select_n3A_415 = arith.select %eq3A_413, %jit3A_414, %jit3A_411 : i32
    %rem3A = vector.broadcast %select_n3A_415 : i32 to vector<1x64xi32>
    %rem3A_416 = arith.remsi %iota3A_410, %rem3A : vector<1x64xi32>
    %ne3A = arith.constant 0 : i32
    %ne3A_417 = vector.broadcast %ne3A : i32 to vector<1x64xi32>
    %ne3A_418 = arith.cmpi ne, %rem3A_416, %ne3A_417 : vector<1x64xi32>
    %lt3A = arith.constant 0 : i32
    %lt3A_419 = vector.broadcast %lt3A : i32 to vector<1x64xi32>
    %lt3A_420 = arith.cmpi slt, %rem3A_416, %lt3A_419 : vector<1x64xi32>
    %lt3A_421 = arith.constant 0 : i32
    %lt3A_422 = arith.cmpi slt, %select_n3A_415, %lt3A_421 : i32
    %ne3A_423 = vector.broadcast %lt3A_422 : i1 to vector<1x64xi1>
    %ne3A_424 = vector.broadcast %ne3A_423 : vector<1x64xi1> to vector<1x64xi1>
    %ne3A_425 = arith.xori %lt3A_420, %ne3A_424 : vector<1x64xi1>
    %and3A = arith.andi %ne3A_425, %ne3A_418 : vector<1x64xi1>
    %add3A_426 = vector.broadcast %select_n3A_415 : i32 to vector<1x64xi32>
    %add3A_427 = arith.addi %rem3A_416, %add3A_426 : vector<1x64xi32>
    %select_n3A_428 = arith.select %and3A, %add3A_427, %rem3A_416 : vector<1x64xi1>, vector<1x64xi32>
    %jit3A_429 = arith.constant 4 : i32
    %div3A_430 = vector.broadcast %jit3A_429 : i32 to vector<1x64xi32>
    %div3A_431 = arith.divsi %iota3A_410, %div3A_430 : vector<1x64xi32>
    %sign3A = arith.constant 0 : i32
    %sign3A_432 = vector.broadcast %sign3A : i32 to vector<1x64xi32>
    %sign3A_433 = arith.cmpi sgt, %iota3A_410, %sign3A_432 : vector<1x64xi32>
    %sign3A_434 = arith.extui %sign3A_433 : vector<1x64xi1> to vector<1x64xi32>
    %sign3A_435 = arith.constant 0 : i32
    %sign3A_436 = vector.broadcast %sign3A_435 : i32 to vector<1x64xi32>
    %sign3A_437 = arith.cmpi slt, %iota3A_410, %sign3A_436 : vector<1x64xi32>
    %sign3A_438 = arith.extui %sign3A_437 : vector<1x64xi1> to vector<1x64xi32>
    %sign3A_439 = arith.subi %sign3A_434, %sign3A_438 : vector<1x64xi32>
    %sign3A_440 = arith.constant 0 : i32
    %sign3A_441 = arith.cmpi sgt, %jit3A_429, %sign3A_440 : i32
    %sign3A_442 = arith.extui %sign3A_441 : i1 to i32
    %sign3A_443 = arith.constant 0 : i32
    %sign3A_444 = arith.cmpi slt, %jit3A_429, %sign3A_443 : i32
    %sign3A_445 = arith.extui %sign3A_444 : i1 to i32
    %sign3A_446 = arith.subi %sign3A_442, %sign3A_445 : i32
    %ne3A_447 = vector.broadcast %sign3A_446 : i32 to vector<1x64xi32>
    %ne3A_448 = arith.cmpi ne, %sign3A_439, %ne3A_447 : vector<1x64xi32>
    %rem3A_449 = vector.broadcast %jit3A_429 : i32 to vector<1x64xi32>
    %rem3A_450 = arith.remsi %iota3A_410, %rem3A_449 : vector<1x64xi32>
    %ne3A_451 = arith.constant 0 : i32
    %ne3A_452 = vector.broadcast %ne3A_451 : i32 to vector<1x64xi32>
    %ne3A_453 = arith.cmpi ne, %rem3A_450, %ne3A_452 : vector<1x64xi32>
    %and3A_454 = arith.andi %ne3A_448, %ne3A_453 : vector<1x64xi1>
    %sub3A_455 = arith.constant 1 : i32
    %sub3A_456 = vector.broadcast %sub3A_455 : i32 to vector<1x64xi32>
    %sub3A_457 = arith.subi %div3A_431, %sub3A_456 : vector<1x64xi32>
    %select_n3A_458 = arith.select %and3A_454, %sub3A_457, %div3A_431 : vector<1x64xi1>, vector<1x64xi32>
    %eq3A_459 = arith.constant 0 : i32
    %eq3A_460 = vector.broadcast %eq3A_459 : i32 to vector<1x64xi32>
    %eq3A_461 = arith.cmpi eq, %select_n3A_458, %eq3A_460 : vector<1x64xi32>
    %mul3A_462 = arith.constant 4 : i32
    %mul3A_463 = arith.muli %mul3A_462, %reduce_min3A_110 : i32
    %jit3A_464 = arith.constant 0 : i32
    %broadcast_in_dim3A_465 = vector.broadcast %mul3A_463 : i32 to vector<1x64xi32>
    %broadcast_in_dim3A_466 = vector.broadcast %jit3A_464 : i32 to vector<1x64xi32>
    %select_n3A_467 = arith.select %eq3A_461, %broadcast_in_dim3A_465, %broadcast_in_dim3A_466 : vector<1x64xi1>, vector<1x64xi32>
    %add3A_468 = arith.addi %select_n3A_428, %select_n3A_467 : vector<1x64xi32>
    %jit3A_469 = arith.constant 4 : i32
    %div3A_470 = vector.broadcast %jit3A_469 : i32 to vector<1x64xi32>
    %div3A_471 = arith.divsi %iota3A_410, %div3A_470 : vector<1x64xi32>
    %sign3A_472 = arith.constant 0 : i32
    %sign3A_473 = vector.broadcast %sign3A_472 : i32 to vector<1x64xi32>
    %sign3A_474 = arith.cmpi sgt, %iota3A_410, %sign3A_473 : vector<1x64xi32>
    %sign3A_475 = arith.extui %sign3A_474 : vector<1x64xi1> to vector<1x64xi32>
    %sign3A_476 = arith.constant 0 : i32
    %sign3A_477 = vector.broadcast %sign3A_476 : i32 to vector<1x64xi32>
    %sign3A_478 = arith.cmpi slt, %iota3A_410, %sign3A_477 : vector<1x64xi32>
    %sign3A_479 = arith.extui %sign3A_478 : vector<1x64xi1> to vector<1x64xi32>
    %sign3A_480 = arith.subi %sign3A_475, %sign3A_479 : vector<1x64xi32>
    %sign3A_481 = arith.constant 0 : i32
    %sign3A_482 = arith.cmpi sgt, %jit3A_469, %sign3A_481 : i32
    %sign3A_483 = arith.extui %sign3A_482 : i1 to i32
    %sign3A_484 = arith.constant 0 : i32
    %sign3A_485 = arith.cmpi slt, %jit3A_469, %sign3A_484 : i32
    %sign3A_486 = arith.extui %sign3A_485 : i1 to i32
    %sign3A_487 = arith.subi %sign3A_483, %sign3A_486 : i32
    %ne3A_488 = vector.broadcast %sign3A_487 : i32 to vector<1x64xi32>
    %ne3A_489 = arith.cmpi ne, %sign3A_480, %ne3A_488 : vector<1x64xi32>
    %rem3A_490 = vector.broadcast %jit3A_469 : i32 to vector<1x64xi32>
    %rem3A_491 = arith.remsi %iota3A_410, %rem3A_490 : vector<1x64xi32>
    %ne3A_492 = arith.constant 0 : i32
    %ne3A_493 = vector.broadcast %ne3A_492 : i32 to vector<1x64xi32>
    %ne3A_494 = arith.cmpi ne, %rem3A_491, %ne3A_493 : vector<1x64xi32>
    %and3A_495 = arith.andi %ne3A_489, %ne3A_494 : vector<1x64xi1>
    %sub3A_496 = arith.constant 1 : i32
    %sub3A_497 = vector.broadcast %sub3A_496 : i32 to vector<1x64xi32>
    %sub3A_498 = arith.subi %div3A_471, %sub3A_497 : vector<1x64xi32>
    %select_n3A_499 = arith.select %and3A_495, %sub3A_498, %div3A_471 : vector<1x64xi1>, vector<1x64xi32>
    %eq3A_500 = arith.constant 1 : i32
    %eq3A_501 = vector.broadcast %eq3A_500 : i32 to vector<1x64xi32>
    %eq3A_502 = arith.cmpi eq, %select_n3A_499, %eq3A_501 : vector<1x64xi32>
    %mul3A_503 = arith.constant 4 : i32
    %mul3A_504 = arith.muli %mul3A_503, %reduce_min3A_129 : i32
    %jit3A_505 = arith.constant 0 : i32
    %broadcast_in_dim3A_506 = vector.broadcast %mul3A_504 : i32 to vector<1x64xi32>
    %broadcast_in_dim3A_507 = vector.broadcast %jit3A_505 : i32 to vector<1x64xi32>
    %select_n3A_508 = arith.select %eq3A_502, %broadcast_in_dim3A_506, %broadcast_in_dim3A_507 : vector<1x64xi1>, vector<1x64xi32>
    %add3A_509 = arith.addi %add3A_468, %select_n3A_508 : vector<1x64xi32>
    %jit3A_510 = arith.constant 4 : i32
    %div3A_511 = vector.broadcast %jit3A_510 : i32 to vector<1x64xi32>
    %div3A_512 = arith.divsi %iota3A_410, %div3A_511 : vector<1x64xi32>
    %sign3A_513 = arith.constant 0 : i32
    %sign3A_514 = vector.broadcast %sign3A_513 : i32 to vector<1x64xi32>
    %sign3A_515 = arith.cmpi sgt, %iota3A_410, %sign3A_514 : vector<1x64xi32>
    %sign3A_516 = arith.extui %sign3A_515 : vector<1x64xi1> to vector<1x64xi32>
    %sign3A_517 = arith.constant 0 : i32
    %sign3A_518 = vector.broadcast %sign3A_517 : i32 to vector<1x64xi32>
    %sign3A_519 = arith.cmpi slt, %iota3A_410, %sign3A_518 : vector<1x64xi32>
    %sign3A_520 = arith.extui %sign3A_519 : vector<1x64xi1> to vector<1x64xi32>
    %sign3A_521 = arith.subi %sign3A_516, %sign3A_520 : vector<1x64xi32>
    %sign3A_522 = arith.constant 0 : i32
    %sign3A_523 = arith.cmpi sgt, %jit3A_510, %sign3A_522 : i32
    %sign3A_524 = arith.extui %sign3A_523 : i1 to i32
    %sign3A_525 = arith.constant 0 : i32
    %sign3A_526 = arith.cmpi slt, %jit3A_510, %sign3A_525 : i32
    %sign3A_527 = arith.extui %sign3A_526 : i1 to i32
    %sign3A_528 = arith.subi %sign3A_524, %sign3A_527 : i32
    %ne3A_529 = vector.broadcast %sign3A_528 : i32 to vector<1x64xi32>
    %ne3A_530 = arith.cmpi ne, %sign3A_521, %ne3A_529 : vector<1x64xi32>
    %rem3A_531 = vector.broadcast %jit3A_510 : i32 to vector<1x64xi32>
    %rem3A_532 = arith.remsi %iota3A_410, %rem3A_531 : vector<1x64xi32>
    %ne3A_533 = arith.constant 0 : i32
    %ne3A_534 = vector.broadcast %ne3A_533 : i32 to vector<1x64xi32>
    %ne3A_535 = arith.cmpi ne, %rem3A_532, %ne3A_534 : vector<1x64xi32>
    %and3A_536 = arith.andi %ne3A_530, %ne3A_535 : vector<1x64xi1>
    %sub3A_537 = arith.constant 1 : i32
    %sub3A_538 = vector.broadcast %sub3A_537 : i32 to vector<1x64xi32>
    %sub3A_539 = arith.subi %div3A_512, %sub3A_538 : vector<1x64xi32>
    %select_n3A_540 = arith.select %and3A_536, %sub3A_539, %div3A_512 : vector<1x64xi1>, vector<1x64xi32>
    %eq3A_541 = arith.constant 2 : i32
    %eq3A_542 = vector.broadcast %eq3A_541 : i32 to vector<1x64xi32>
    %eq3A_543 = arith.cmpi eq, %select_n3A_540, %eq3A_542 : vector<1x64xi32>
    %mul3A_544 = arith.constant 4 : i32
    %mul3A_545 = arith.muli %mul3A_544, %reduce_min3A_149 : i32
    %jit3A_546 = arith.constant 0 : i32
    %broadcast_in_dim3A_547 = vector.broadcast %mul3A_545 : i32 to vector<1x64xi32>
    %broadcast_in_dim3A_548 = vector.broadcast %jit3A_546 : i32 to vector<1x64xi32>
    %select_n3A_549 = arith.select %eq3A_543, %broadcast_in_dim3A_547, %broadcast_in_dim3A_548 : vector<1x64xi1>, vector<1x64xi32>
    %add3A_550 = arith.addi %add3A_509, %select_n3A_549 : vector<1x64xi32>
    %jit3A_551 = arith.constant 4 : i32
    %div3A_552 = vector.broadcast %jit3A_551 : i32 to vector<1x64xi32>
    %div3A_553 = arith.divsi %iota3A_410, %div3A_552 : vector<1x64xi32>
    %sign3A_554 = arith.constant 0 : i32
    %sign3A_555 = vector.broadcast %sign3A_554 : i32 to vector<1x64xi32>
    %sign3A_556 = arith.cmpi sgt, %iota3A_410, %sign3A_555 : vector<1x64xi32>
    %sign3A_557 = arith.extui %sign3A_556 : vector<1x64xi1> to vector<1x64xi32>
    %sign3A_558 = arith.constant 0 : i32
    %sign3A_559 = vector.broadcast %sign3A_558 : i32 to vector<1x64xi32>
    %sign3A_560 = arith.cmpi slt, %iota3A_410, %sign3A_559 : vector<1x64xi32>
    %sign3A_561 = arith.extui %sign3A_560 : vector<1x64xi1> to vector<1x64xi32>
    %sign3A_562 = arith.subi %sign3A_557, %sign3A_561 : vector<1x64xi32>
    %sign3A_563 = arith.constant 0 : i32
    %sign3A_564 = arith.cmpi sgt, %jit3A_551, %sign3A_563 : i32
    %sign3A_565 = arith.extui %sign3A_564 : i1 to i32
    %sign3A_566 = arith.constant 0 : i32
    %sign3A_567 = arith.cmpi slt, %jit3A_551, %sign3A_566 : i32
    %sign3A_568 = arith.extui %sign3A_567 : i1 to i32
    %sign3A_569 = arith.subi %sign3A_565, %sign3A_568 : i32
    %ne3A_570 = vector.broadcast %sign3A_569 : i32 to vector<1x64xi32>
    %ne3A_571 = arith.cmpi ne, %sign3A_562, %ne3A_570 : vector<1x64xi32>
    %rem3A_572 = vector.broadcast %jit3A_551 : i32 to vector<1x64xi32>
    %rem3A_573 = arith.remsi %iota3A_410, %rem3A_572 : vector<1x64xi32>
    %ne3A_574 = arith.constant 0 : i32
    %ne3A_575 = vector.broadcast %ne3A_574 : i32 to vector<1x64xi32>
    %ne3A_576 = arith.cmpi ne, %rem3A_573, %ne3A_575 : vector<1x64xi32>
    %and3A_577 = arith.andi %ne3A_571, %ne3A_576 : vector<1x64xi1>
    %sub3A_578 = arith.constant 1 : i32
    %sub3A_579 = vector.broadcast %sub3A_578 : i32 to vector<1x64xi32>
    %sub3A_580 = arith.subi %div3A_553, %sub3A_579 : vector<1x64xi32>
    %select_n3A_581 = arith.select %and3A_577, %sub3A_580, %div3A_553 : vector<1x64xi1>, vector<1x64xi32>
    %eq3A_582 = arith.constant 3 : i32
    %eq3A_583 = vector.broadcast %eq3A_582 : i32 to vector<1x64xi32>
    %eq3A_584 = arith.cmpi eq, %select_n3A_581, %eq3A_583 : vector<1x64xi32>
    %mul3A_585 = arith.constant 4 : i32
    %mul3A_586 = arith.muli %mul3A_585, %reduce_min3A_169 : i32
    %jit3A_587 = arith.constant 0 : i32
    %broadcast_in_dim3A_588 = vector.broadcast %mul3A_586 : i32 to vector<1x64xi32>
    %broadcast_in_dim3A_589 = vector.broadcast %jit3A_587 : i32 to vector<1x64xi32>
    %select_n3A_590 = arith.select %eq3A_584, %broadcast_in_dim3A_588, %broadcast_in_dim3A_589 : vector<1x64xi1>, vector<1x64xi32>
    %add3A_591 = arith.addi %add3A_550, %select_n3A_590 : vector<1x64xi32>
    %jit3A_592 = arith.constant 4 : i32
    %div3A_593 = vector.broadcast %jit3A_592 : i32 to vector<1x64xi32>
    %div3A_594 = arith.divsi %iota3A_410, %div3A_593 : vector<1x64xi32>
    %sign3A_595 = arith.constant 0 : i32
    %sign3A_596 = vector.broadcast %sign3A_595 : i32 to vector<1x64xi32>
    %sign3A_597 = arith.cmpi sgt, %iota3A_410, %sign3A_596 : vector<1x64xi32>
    %sign3A_598 = arith.extui %sign3A_597 : vector<1x64xi1> to vector<1x64xi32>
    %sign3A_599 = arith.constant 0 : i32
    %sign3A_600 = vector.broadcast %sign3A_599 : i32 to vector<1x64xi32>
    %sign3A_601 = arith.cmpi slt, %iota3A_410, %sign3A_600 : vector<1x64xi32>
    %sign3A_602 = arith.extui %sign3A_601 : vector<1x64xi1> to vector<1x64xi32>
    %sign3A_603 = arith.subi %sign3A_598, %sign3A_602 : vector<1x64xi32>
    %sign3A_604 = arith.constant 0 : i32
    %sign3A_605 = arith.cmpi sgt, %jit3A_592, %sign3A_604 : i32
    %sign3A_606 = arith.extui %sign3A_605 : i1 to i32
    %sign3A_607 = arith.constant 0 : i32
    %sign3A_608 = arith.cmpi slt, %jit3A_592, %sign3A_607 : i32
    %sign3A_609 = arith.extui %sign3A_608 : i1 to i32
    %sign3A_610 = arith.subi %sign3A_606, %sign3A_609 : i32
    %ne3A_611 = vector.broadcast %sign3A_610 : i32 to vector<1x64xi32>
    %ne3A_612 = arith.cmpi ne, %sign3A_603, %ne3A_611 : vector<1x64xi32>
    %rem3A_613 = vector.broadcast %jit3A_592 : i32 to vector<1x64xi32>
    %rem3A_614 = arith.remsi %iota3A_410, %rem3A_613 : vector<1x64xi32>
    %ne3A_615 = arith.constant 0 : i32
    %ne3A_616 = vector.broadcast %ne3A_615 : i32 to vector<1x64xi32>
    %ne3A_617 = arith.cmpi ne, %rem3A_614, %ne3A_616 : vector<1x64xi32>
    %and3A_618 = arith.andi %ne3A_612, %ne3A_617 : vector<1x64xi1>
    %sub3A_619 = arith.constant 1 : i32
    %sub3A_620 = vector.broadcast %sub3A_619 : i32 to vector<1x64xi32>
    %sub3A_621 = arith.subi %div3A_594, %sub3A_620 : vector<1x64xi32>
    %select_n3A_622 = arith.select %and3A_618, %sub3A_621, %div3A_594 : vector<1x64xi1>, vector<1x64xi32>
    %eq3A_623 = arith.constant 4 : i32
    %eq3A_624 = vector.broadcast %eq3A_623 : i32 to vector<1x64xi32>
    %eq3A_625 = arith.cmpi eq, %select_n3A_622, %eq3A_624 : vector<1x64xi32>
    %mul3A_626 = arith.constant 4 : i32
    %mul3A_627 = arith.muli %mul3A_626, %reduce_min3A_189 : i32
    %jit3A_628 = arith.constant 0 : i32
    %broadcast_in_dim3A_629 = vector.broadcast %mul3A_627 : i32 to vector<1x64xi32>
    %broadcast_in_dim3A_630 = vector.broadcast %jit3A_628 : i32 to vector<1x64xi32>
    %select_n3A_631 = arith.select %eq3A_625, %broadcast_in_dim3A_629, %broadcast_in_dim3A_630 : vector<1x64xi1>, vector<1x64xi32>
    %add3A_632 = arith.addi %add3A_591, %select_n3A_631 : vector<1x64xi32>
    %jit3A_633 = arith.constant 4 : i32
    %div3A_634 = vector.broadcast %jit3A_633 : i32 to vector<1x64xi32>
    %div3A_635 = arith.divsi %iota3A_410, %div3A_634 : vector<1x64xi32>
    %sign3A_636 = arith.constant 0 : i32
    %sign3A_637 = vector.broadcast %sign3A_636 : i32 to vector<1x64xi32>
    %sign3A_638 = arith.cmpi sgt, %iota3A_410, %sign3A_637 : vector<1x64xi32>
    %sign3A_639 = arith.extui %sign3A_638 : vector<1x64xi1> to vector<1x64xi32>
    %sign3A_640 = arith.constant 0 : i32
    %sign3A_641 = vector.broadcast %sign3A_640 : i32 to vector<1x64xi32>
    %sign3A_642 = arith.cmpi slt, %iota3A_410, %sign3A_641 : vector<1x64xi32>
    %sign3A_643 = arith.extui %sign3A_642 : vector<1x64xi1> to vector<1x64xi32>
    %sign3A_644 = arith.subi %sign3A_639, %sign3A_643 : vector<1x64xi32>
    %sign3A_645 = arith.constant 0 : i32
    %sign3A_646 = arith.cmpi sgt, %jit3A_633, %sign3A_645 : i32
    %sign3A_647 = arith.extui %sign3A_646 : i1 to i32
    %sign3A_648 = arith.constant 0 : i32
    %sign3A_649 = arith.cmpi slt, %jit3A_633, %sign3A_648 : i32
    %sign3A_650 = arith.extui %sign3A_649 : i1 to i32
    %sign3A_651 = arith.subi %sign3A_647, %sign3A_650 : i32
    %ne3A_652 = vector.broadcast %sign3A_651 : i32 to vector<1x64xi32>
    %ne3A_653 = arith.cmpi ne, %sign3A_644, %ne3A_652 : vector<1x64xi32>
    %rem3A_654 = vector.broadcast %jit3A_633 : i32 to vector<1x64xi32>
    %rem3A_655 = arith.remsi %iota3A_410, %rem3A_654 : vector<1x64xi32>
    %ne3A_656 = arith.constant 0 : i32
    %ne3A_657 = vector.broadcast %ne3A_656 : i32 to vector<1x64xi32>
    %ne3A_658 = arith.cmpi ne, %rem3A_655, %ne3A_657 : vector<1x64xi32>
    %and3A_659 = arith.andi %ne3A_653, %ne3A_658 : vector<1x64xi1>
    %sub3A_660 = arith.constant 1 : i32
    %sub3A_661 = vector.broadcast %sub3A_660 : i32 to vector<1x64xi32>
    %sub3A_662 = arith.subi %div3A_635, %sub3A_661 : vector<1x64xi32>
    %select_n3A_663 = arith.select %and3A_659, %sub3A_662, %div3A_635 : vector<1x64xi1>, vector<1x64xi32>
    %eq3A_664 = arith.constant 5 : i32
    %eq3A_665 = vector.broadcast %eq3A_664 : i32 to vector<1x64xi32>
    %eq3A_666 = arith.cmpi eq, %select_n3A_663, %eq3A_665 : vector<1x64xi32>
    %mul3A_667 = arith.constant 4 : i32
    %mul3A_668 = arith.muli %mul3A_667, %reduce_min3A_209 : i32
    %jit3A_669 = arith.constant 0 : i32
    %broadcast_in_dim3A_670 = vector.broadcast %mul3A_668 : i32 to vector<1x64xi32>
    %broadcast_in_dim3A_671 = vector.broadcast %jit3A_669 : i32 to vector<1x64xi32>
    %select_n3A_672 = arith.select %eq3A_666, %broadcast_in_dim3A_670, %broadcast_in_dim3A_671 : vector<1x64xi1>, vector<1x64xi32>
    %add3A_673 = arith.addi %add3A_632, %select_n3A_672 : vector<1x64xi32>
    %jit3A_674 = arith.constant 4 : i32
    %div3A_675 = vector.broadcast %jit3A_674 : i32 to vector<1x64xi32>
    %div3A_676 = arith.divsi %iota3A_410, %div3A_675 : vector<1x64xi32>
    %sign3A_677 = arith.constant 0 : i32
    %sign3A_678 = vector.broadcast %sign3A_677 : i32 to vector<1x64xi32>
    %sign3A_679 = arith.cmpi sgt, %iota3A_410, %sign3A_678 : vector<1x64xi32>
    %sign3A_680 = arith.extui %sign3A_679 : vector<1x64xi1> to vector<1x64xi32>
    %sign3A_681 = arith.constant 0 : i32
    %sign3A_682 = vector.broadcast %sign3A_681 : i32 to vector<1x64xi32>
    %sign3A_683 = arith.cmpi slt, %iota3A_410, %sign3A_682 : vector<1x64xi32>
    %sign3A_684 = arith.extui %sign3A_683 : vector<1x64xi1> to vector<1x64xi32>
    %sign3A_685 = arith.subi %sign3A_680, %sign3A_684 : vector<1x64xi32>
    %sign3A_686 = arith.constant 0 : i32
    %sign3A_687 = arith.cmpi sgt, %jit3A_674, %sign3A_686 : i32
    %sign3A_688 = arith.extui %sign3A_687 : i1 to i32
    %sign3A_689 = arith.constant 0 : i32
    %sign3A_690 = arith.cmpi slt, %jit3A_674, %sign3A_689 : i32
    %sign3A_691 = arith.extui %sign3A_690 : i1 to i32
    %sign3A_692 = arith.subi %sign3A_688, %sign3A_691 : i32
    %ne3A_693 = vector.broadcast %sign3A_692 : i32 to vector<1x64xi32>
    %ne3A_694 = arith.cmpi ne, %sign3A_685, %ne3A_693 : vector<1x64xi32>
    %rem3A_695 = vector.broadcast %jit3A_674 : i32 to vector<1x64xi32>
    %rem3A_696 = arith.remsi %iota3A_410, %rem3A_695 : vector<1x64xi32>
    %ne3A_697 = arith.constant 0 : i32
    %ne3A_698 = vector.broadcast %ne3A_697 : i32 to vector<1x64xi32>
    %ne3A_699 = arith.cmpi ne, %rem3A_696, %ne3A_698 : vector<1x64xi32>
    %and3A_700 = arith.andi %ne3A_694, %ne3A_699 : vector<1x64xi1>
    %sub3A_701 = arith.constant 1 : i32
    %sub3A_702 = vector.broadcast %sub3A_701 : i32 to vector<1x64xi32>
    %sub3A_703 = arith.subi %div3A_676, %sub3A_702 : vector<1x64xi32>
    %select_n3A_704 = arith.select %and3A_700, %sub3A_703, %div3A_676 : vector<1x64xi1>, vector<1x64xi32>
    %eq3A_705 = arith.constant 6 : i32
    %eq3A_706 = vector.broadcast %eq3A_705 : i32 to vector<1x64xi32>
    %eq3A_707 = arith.cmpi eq, %select_n3A_704, %eq3A_706 : vector<1x64xi32>
    %mul3A_708 = arith.constant 4 : i32
    %mul3A_709 = arith.muli %mul3A_708, %reduce_min3A_229 : i32
    %jit3A_710 = arith.constant 0 : i32
    %broadcast_in_dim3A_711 = vector.broadcast %mul3A_709 : i32 to vector<1x64xi32>
    %broadcast_in_dim3A_712 = vector.broadcast %jit3A_710 : i32 to vector<1x64xi32>
    %select_n3A_713 = arith.select %eq3A_707, %broadcast_in_dim3A_711, %broadcast_in_dim3A_712 : vector<1x64xi1>, vector<1x64xi32>
    %add3A_714 = arith.addi %add3A_673, %select_n3A_713 : vector<1x64xi32>
    %jit3A_715 = arith.constant 4 : i32
    %div3A_716 = vector.broadcast %jit3A_715 : i32 to vector<1x64xi32>
    %div3A_717 = arith.divsi %iota3A_410, %div3A_716 : vector<1x64xi32>
    %sign3A_718 = arith.constant 0 : i32
    %sign3A_719 = vector.broadcast %sign3A_718 : i32 to vector<1x64xi32>
    %sign3A_720 = arith.cmpi sgt, %iota3A_410, %sign3A_719 : vector<1x64xi32>
    %sign3A_721 = arith.extui %sign3A_720 : vector<1x64xi1> to vector<1x64xi32>
    %sign3A_722 = arith.constant 0 : i32
    %sign3A_723 = vector.broadcast %sign3A_722 : i32 to vector<1x64xi32>
    %sign3A_724 = arith.cmpi slt, %iota3A_410, %sign3A_723 : vector<1x64xi32>
    %sign3A_725 = arith.extui %sign3A_724 : vector<1x64xi1> to vector<1x64xi32>
    %sign3A_726 = arith.subi %sign3A_721, %sign3A_725 : vector<1x64xi32>
    %sign3A_727 = arith.constant 0 : i32
    %sign3A_728 = arith.cmpi sgt, %jit3A_715, %sign3A_727 : i32
    %sign3A_729 = arith.extui %sign3A_728 : i1 to i32
    %sign3A_730 = arith.constant 0 : i32
    %sign3A_731 = arith.cmpi slt, %jit3A_715, %sign3A_730 : i32
    %sign3A_732 = arith.extui %sign3A_731 : i1 to i32
    %sign3A_733 = arith.subi %sign3A_729, %sign3A_732 : i32
    %ne3A_734 = vector.broadcast %sign3A_733 : i32 to vector<1x64xi32>
    %ne3A_735 = arith.cmpi ne, %sign3A_726, %ne3A_734 : vector<1x64xi32>
    %rem3A_736 = vector.broadcast %jit3A_715 : i32 to vector<1x64xi32>
    %rem3A_737 = arith.remsi %iota3A_410, %rem3A_736 : vector<1x64xi32>
    %ne3A_738 = arith.constant 0 : i32
    %ne3A_739 = vector.broadcast %ne3A_738 : i32 to vector<1x64xi32>
    %ne3A_740 = arith.cmpi ne, %rem3A_737, %ne3A_739 : vector<1x64xi32>
    %and3A_741 = arith.andi %ne3A_735, %ne3A_740 : vector<1x64xi1>
    %sub3A_742 = arith.constant 1 : i32
    %sub3A_743 = vector.broadcast %sub3A_742 : i32 to vector<1x64xi32>
    %sub3A_744 = arith.subi %div3A_717, %sub3A_743 : vector<1x64xi32>
    %select_n3A_745 = arith.select %and3A_741, %sub3A_744, %div3A_717 : vector<1x64xi1>, vector<1x64xi32>
    %eq3A_746 = arith.constant 7 : i32
    %eq3A_747 = vector.broadcast %eq3A_746 : i32 to vector<1x64xi32>
    %eq3A_748 = arith.cmpi eq, %select_n3A_745, %eq3A_747 : vector<1x64xi32>
    %mul3A_749 = arith.constant 4 : i32
    %mul3A_750 = arith.muli %mul3A_749, %reduce_min3A_249 : i32
    %jit3A_751 = arith.constant 0 : i32
    %broadcast_in_dim3A_752 = vector.broadcast %mul3A_750 : i32 to vector<1x64xi32>
    %broadcast_in_dim3A_753 = vector.broadcast %jit3A_751 : i32 to vector<1x64xi32>
    %select_n3A_754 = arith.select %eq3A_748, %broadcast_in_dim3A_752, %broadcast_in_dim3A_753 : vector<1x64xi1>, vector<1x64xi32>
    %add3A_755 = arith.addi %add3A_714, %select_n3A_754 : vector<1x64xi32>
    %jit3A_756 = arith.constant 4 : i32
    %div3A_757 = vector.broadcast %jit3A_756 : i32 to vector<1x64xi32>
    %div3A_758 = arith.divsi %iota3A_410, %div3A_757 : vector<1x64xi32>
    %sign3A_759 = arith.constant 0 : i32
    %sign3A_760 = vector.broadcast %sign3A_759 : i32 to vector<1x64xi32>
    %sign3A_761 = arith.cmpi sgt, %iota3A_410, %sign3A_760 : vector<1x64xi32>
    %sign3A_762 = arith.extui %sign3A_761 : vector<1x64xi1> to vector<1x64xi32>
    %sign3A_763 = arith.constant 0 : i32
    %sign3A_764 = vector.broadcast %sign3A_763 : i32 to vector<1x64xi32>
    %sign3A_765 = arith.cmpi slt, %iota3A_410, %sign3A_764 : vector<1x64xi32>
    %sign3A_766 = arith.extui %sign3A_765 : vector<1x64xi1> to vector<1x64xi32>
    %sign3A_767 = arith.subi %sign3A_762, %sign3A_766 : vector<1x64xi32>
    %sign3A_768 = arith.constant 0 : i32
    %sign3A_769 = arith.cmpi sgt, %jit3A_756, %sign3A_768 : i32
    %sign3A_770 = arith.extui %sign3A_769 : i1 to i32
    %sign3A_771 = arith.constant 0 : i32
    %sign3A_772 = arith.cmpi slt, %jit3A_756, %sign3A_771 : i32
    %sign3A_773 = arith.extui %sign3A_772 : i1 to i32
    %sign3A_774 = arith.subi %sign3A_770, %sign3A_773 : i32
    %ne3A_775 = vector.broadcast %sign3A_774 : i32 to vector<1x64xi32>
    %ne3A_776 = arith.cmpi ne, %sign3A_767, %ne3A_775 : vector<1x64xi32>
    %rem3A_777 = vector.broadcast %jit3A_756 : i32 to vector<1x64xi32>
    %rem3A_778 = arith.remsi %iota3A_410, %rem3A_777 : vector<1x64xi32>
    %ne3A_779 = arith.constant 0 : i32
    %ne3A_780 = vector.broadcast %ne3A_779 : i32 to vector<1x64xi32>
    %ne3A_781 = arith.cmpi ne, %rem3A_778, %ne3A_780 : vector<1x64xi32>
    %and3A_782 = arith.andi %ne3A_776, %ne3A_781 : vector<1x64xi1>
    %sub3A_783 = arith.constant 1 : i32
    %sub3A_784 = vector.broadcast %sub3A_783 : i32 to vector<1x64xi32>
    %sub3A_785 = arith.subi %div3A_758, %sub3A_784 : vector<1x64xi32>
    %select_n3A_786 = arith.select %and3A_782, %sub3A_785, %div3A_758 : vector<1x64xi1>, vector<1x64xi32>
    %eq3A_787 = arith.constant 8 : i32
    %eq3A_788 = vector.broadcast %eq3A_787 : i32 to vector<1x64xi32>
    %eq3A_789 = arith.cmpi eq, %select_n3A_786, %eq3A_788 : vector<1x64xi32>
    %mul3A_790 = arith.constant 4 : i32
    %mul3A_791 = arith.muli %mul3A_790, %reduce_min3A_269 : i32
    %jit3A_792 = arith.constant 0 : i32
    %broadcast_in_dim3A_793 = vector.broadcast %mul3A_791 : i32 to vector<1x64xi32>
    %broadcast_in_dim3A_794 = vector.broadcast %jit3A_792 : i32 to vector<1x64xi32>
    %select_n3A_795 = arith.select %eq3A_789, %broadcast_in_dim3A_793, %broadcast_in_dim3A_794 : vector<1x64xi1>, vector<1x64xi32>
    %add3A_796 = arith.addi %add3A_755, %select_n3A_795 : vector<1x64xi32>
    %jit3A_797 = arith.constant 4 : i32
    %div3A_798 = vector.broadcast %jit3A_797 : i32 to vector<1x64xi32>
    %div3A_799 = arith.divsi %iota3A_410, %div3A_798 : vector<1x64xi32>
    %sign3A_800 = arith.constant 0 : i32
    %sign3A_801 = vector.broadcast %sign3A_800 : i32 to vector<1x64xi32>
    %sign3A_802 = arith.cmpi sgt, %iota3A_410, %sign3A_801 : vector<1x64xi32>
    %sign3A_803 = arith.extui %sign3A_802 : vector<1x64xi1> to vector<1x64xi32>
    %sign3A_804 = arith.constant 0 : i32
    %sign3A_805 = vector.broadcast %sign3A_804 : i32 to vector<1x64xi32>
    %sign3A_806 = arith.cmpi slt, %iota3A_410, %sign3A_805 : vector<1x64xi32>
    %sign3A_807 = arith.extui %sign3A_806 : vector<1x64xi1> to vector<1x64xi32>
    %sign3A_808 = arith.subi %sign3A_803, %sign3A_807 : vector<1x64xi32>
    %sign3A_809 = arith.constant 0 : i32
    %sign3A_810 = arith.cmpi sgt, %jit3A_797, %sign3A_809 : i32
    %sign3A_811 = arith.extui %sign3A_810 : i1 to i32
    %sign3A_812 = arith.constant 0 : i32
    %sign3A_813 = arith.cmpi slt, %jit3A_797, %sign3A_812 : i32
    %sign3A_814 = arith.extui %sign3A_813 : i1 to i32
    %sign3A_815 = arith.subi %sign3A_811, %sign3A_814 : i32
    %ne3A_816 = vector.broadcast %sign3A_815 : i32 to vector<1x64xi32>
    %ne3A_817 = arith.cmpi ne, %sign3A_808, %ne3A_816 : vector<1x64xi32>
    %rem3A_818 = vector.broadcast %jit3A_797 : i32 to vector<1x64xi32>
    %rem3A_819 = arith.remsi %iota3A_410, %rem3A_818 : vector<1x64xi32>
    %ne3A_820 = arith.constant 0 : i32
    %ne3A_821 = vector.broadcast %ne3A_820 : i32 to vector<1x64xi32>
    %ne3A_822 = arith.cmpi ne, %rem3A_819, %ne3A_821 : vector<1x64xi32>
    %and3A_823 = arith.andi %ne3A_817, %ne3A_822 : vector<1x64xi1>
    %sub3A_824 = arith.constant 1 : i32
    %sub3A_825 = vector.broadcast %sub3A_824 : i32 to vector<1x64xi32>
    %sub3A_826 = arith.subi %div3A_799, %sub3A_825 : vector<1x64xi32>
    %select_n3A_827 = arith.select %and3A_823, %sub3A_826, %div3A_799 : vector<1x64xi1>, vector<1x64xi32>
    %eq3A_828 = arith.constant 9 : i32
    %eq3A_829 = vector.broadcast %eq3A_828 : i32 to vector<1x64xi32>
    %eq3A_830 = arith.cmpi eq, %select_n3A_827, %eq3A_829 : vector<1x64xi32>
    %mul3A_831 = arith.constant 4 : i32
    %mul3A_832 = arith.muli %mul3A_831, %reduce_min3A_289 : i32
    %jit3A_833 = arith.constant 0 : i32
    %broadcast_in_dim3A_834 = vector.broadcast %mul3A_832 : i32 to vector<1x64xi32>
    %broadcast_in_dim3A_835 = vector.broadcast %jit3A_833 : i32 to vector<1x64xi32>
    %select_n3A_836 = arith.select %eq3A_830, %broadcast_in_dim3A_834, %broadcast_in_dim3A_835 : vector<1x64xi1>, vector<1x64xi32>
    %add3A_837 = arith.addi %add3A_796, %select_n3A_836 : vector<1x64xi32>
    %jit3A_838 = arith.constant 4 : i32
    %div3A_839 = vector.broadcast %jit3A_838 : i32 to vector<1x64xi32>
    %div3A_840 = arith.divsi %iota3A_410, %div3A_839 : vector<1x64xi32>
    %sign3A_841 = arith.constant 0 : i32
    %sign3A_842 = vector.broadcast %sign3A_841 : i32 to vector<1x64xi32>
    %sign3A_843 = arith.cmpi sgt, %iota3A_410, %sign3A_842 : vector<1x64xi32>
    %sign3A_844 = arith.extui %sign3A_843 : vector<1x64xi1> to vector<1x64xi32>
    %sign3A_845 = arith.constant 0 : i32
    %sign3A_846 = vector.broadcast %sign3A_845 : i32 to vector<1x64xi32>
    %sign3A_847 = arith.cmpi slt, %iota3A_410, %sign3A_846 : vector<1x64xi32>
    %sign3A_848 = arith.extui %sign3A_847 : vector<1x64xi1> to vector<1x64xi32>
    %sign3A_849 = arith.subi %sign3A_844, %sign3A_848 : vector<1x64xi32>
    %sign3A_850 = arith.constant 0 : i32
    %sign3A_851 = arith.cmpi sgt, %jit3A_838, %sign3A_850 : i32
    %sign3A_852 = arith.extui %sign3A_851 : i1 to i32
    %sign3A_853 = arith.constant 0 : i32
    %sign3A_854 = arith.cmpi slt, %jit3A_838, %sign3A_853 : i32
    %sign3A_855 = arith.extui %sign3A_854 : i1 to i32
    %sign3A_856 = arith.subi %sign3A_852, %sign3A_855 : i32
    %ne3A_857 = vector.broadcast %sign3A_856 : i32 to vector<1x64xi32>
    %ne3A_858 = arith.cmpi ne, %sign3A_849, %ne3A_857 : vector<1x64xi32>
    %rem3A_859 = vector.broadcast %jit3A_838 : i32 to vector<1x64xi32>
    %rem3A_860 = arith.remsi %iota3A_410, %rem3A_859 : vector<1x64xi32>
    %ne3A_861 = arith.constant 0 : i32
    %ne3A_862 = vector.broadcast %ne3A_861 : i32 to vector<1x64xi32>
    %ne3A_863 = arith.cmpi ne, %rem3A_860, %ne3A_862 : vector<1x64xi32>
    %and3A_864 = arith.andi %ne3A_858, %ne3A_863 : vector<1x64xi1>
    %sub3A_865 = arith.constant 1 : i32
    %sub3A_866 = vector.broadcast %sub3A_865 : i32 to vector<1x64xi32>
    %sub3A_867 = arith.subi %div3A_840, %sub3A_866 : vector<1x64xi32>
    %select_n3A_868 = arith.select %and3A_864, %sub3A_867, %div3A_840 : vector<1x64xi1>, vector<1x64xi32>
    %eq3A_869 = arith.constant 10 : i32
    %eq3A_870 = vector.broadcast %eq3A_869 : i32 to vector<1x64xi32>
    %eq3A_871 = arith.cmpi eq, %select_n3A_868, %eq3A_870 : vector<1x64xi32>
    %mul3A_872 = arith.constant 4 : i32
    %mul3A_873 = arith.muli %mul3A_872, %reduce_min3A_309 : i32
    %jit3A_874 = arith.constant 0 : i32
    %broadcast_in_dim3A_875 = vector.broadcast %mul3A_873 : i32 to vector<1x64xi32>
    %broadcast_in_dim3A_876 = vector.broadcast %jit3A_874 : i32 to vector<1x64xi32>
    %select_n3A_877 = arith.select %eq3A_871, %broadcast_in_dim3A_875, %broadcast_in_dim3A_876 : vector<1x64xi1>, vector<1x64xi32>
    %add3A_878 = arith.addi %add3A_837, %select_n3A_877 : vector<1x64xi32>
    %jit3A_879 = arith.constant 4 : i32
    %div3A_880 = vector.broadcast %jit3A_879 : i32 to vector<1x64xi32>
    %div3A_881 = arith.divsi %iota3A_410, %div3A_880 : vector<1x64xi32>
    %sign3A_882 = arith.constant 0 : i32
    %sign3A_883 = vector.broadcast %sign3A_882 : i32 to vector<1x64xi32>
    %sign3A_884 = arith.cmpi sgt, %iota3A_410, %sign3A_883 : vector<1x64xi32>
    %sign3A_885 = arith.extui %sign3A_884 : vector<1x64xi1> to vector<1x64xi32>
    %sign3A_886 = arith.constant 0 : i32
    %sign3A_887 = vector.broadcast %sign3A_886 : i32 to vector<1x64xi32>
    %sign3A_888 = arith.cmpi slt, %iota3A_410, %sign3A_887 : vector<1x64xi32>
    %sign3A_889 = arith.extui %sign3A_888 : vector<1x64xi1> to vector<1x64xi32>
    %sign3A_890 = arith.subi %sign3A_885, %sign3A_889 : vector<1x64xi32>
    %sign3A_891 = arith.constant 0 : i32
    %sign3A_892 = arith.cmpi sgt, %jit3A_879, %sign3A_891 : i32
    %sign3A_893 = arith.extui %sign3A_892 : i1 to i32
    %sign3A_894 = arith.constant 0 : i32
    %sign3A_895 = arith.cmpi slt, %jit3A_879, %sign3A_894 : i32
    %sign3A_896 = arith.extui %sign3A_895 : i1 to i32
    %sign3A_897 = arith.subi %sign3A_893, %sign3A_896 : i32
    %ne3A_898 = vector.broadcast %sign3A_897 : i32 to vector<1x64xi32>
    %ne3A_899 = arith.cmpi ne, %sign3A_890, %ne3A_898 : vector<1x64xi32>
    %rem3A_900 = vector.broadcast %jit3A_879 : i32 to vector<1x64xi32>
    %rem3A_901 = arith.remsi %iota3A_410, %rem3A_900 : vector<1x64xi32>
    %ne3A_902 = arith.constant 0 : i32
    %ne3A_903 = vector.broadcast %ne3A_902 : i32 to vector<1x64xi32>
    %ne3A_904 = arith.cmpi ne, %rem3A_901, %ne3A_903 : vector<1x64xi32>
    %and3A_905 = arith.andi %ne3A_899, %ne3A_904 : vector<1x64xi1>
    %sub3A_906 = arith.constant 1 : i32
    %sub3A_907 = vector.broadcast %sub3A_906 : i32 to vector<1x64xi32>
    %sub3A_908 = arith.subi %div3A_881, %sub3A_907 : vector<1x64xi32>
    %select_n3A_909 = arith.select %and3A_905, %sub3A_908, %div3A_881 : vector<1x64xi1>, vector<1x64xi32>
    %eq3A_910 = arith.constant 11 : i32
    %eq3A_911 = vector.broadcast %eq3A_910 : i32 to vector<1x64xi32>
    %eq3A_912 = arith.cmpi eq, %select_n3A_909, %eq3A_911 : vector<1x64xi32>
    %mul3A_913 = arith.constant 4 : i32
    %mul3A_914 = arith.muli %mul3A_913, %reduce_min3A_329 : i32
    %jit3A_915 = arith.constant 0 : i32
    %broadcast_in_dim3A_916 = vector.broadcast %mul3A_914 : i32 to vector<1x64xi32>
    %broadcast_in_dim3A_917 = vector.broadcast %jit3A_915 : i32 to vector<1x64xi32>
    %select_n3A_918 = arith.select %eq3A_912, %broadcast_in_dim3A_916, %broadcast_in_dim3A_917 : vector<1x64xi1>, vector<1x64xi32>
    %add3A_919 = arith.addi %add3A_878, %select_n3A_918 : vector<1x64xi32>
    %jit3A_920 = arith.constant 4 : i32
    %div3A_921 = vector.broadcast %jit3A_920 : i32 to vector<1x64xi32>
    %div3A_922 = arith.divsi %iota3A_410, %div3A_921 : vector<1x64xi32>
    %sign3A_923 = arith.constant 0 : i32
    %sign3A_924 = vector.broadcast %sign3A_923 : i32 to vector<1x64xi32>
    %sign3A_925 = arith.cmpi sgt, %iota3A_410, %sign3A_924 : vector<1x64xi32>
    %sign3A_926 = arith.extui %sign3A_925 : vector<1x64xi1> to vector<1x64xi32>
    %sign3A_927 = arith.constant 0 : i32
    %sign3A_928 = vector.broadcast %sign3A_927 : i32 to vector<1x64xi32>
    %sign3A_929 = arith.cmpi slt, %iota3A_410, %sign3A_928 : vector<1x64xi32>
    %sign3A_930 = arith.extui %sign3A_929 : vector<1x64xi1> to vector<1x64xi32>
    %sign3A_931 = arith.subi %sign3A_926, %sign3A_930 : vector<1x64xi32>
    %sign3A_932 = arith.constant 0 : i32
    %sign3A_933 = arith.cmpi sgt, %jit3A_920, %sign3A_932 : i32
    %sign3A_934 = arith.extui %sign3A_933 : i1 to i32
    %sign3A_935 = arith.constant 0 : i32
    %sign3A_936 = arith.cmpi slt, %jit3A_920, %sign3A_935 : i32
    %sign3A_937 = arith.extui %sign3A_936 : i1 to i32
    %sign3A_938 = arith.subi %sign3A_934, %sign3A_937 : i32
    %ne3A_939 = vector.broadcast %sign3A_938 : i32 to vector<1x64xi32>
    %ne3A_940 = arith.cmpi ne, %sign3A_931, %ne3A_939 : vector<1x64xi32>
    %rem3A_941 = vector.broadcast %jit3A_920 : i32 to vector<1x64xi32>
    %rem3A_942 = arith.remsi %iota3A_410, %rem3A_941 : vector<1x64xi32>
    %ne3A_943 = arith.constant 0 : i32
    %ne3A_944 = vector.broadcast %ne3A_943 : i32 to vector<1x64xi32>
    %ne3A_945 = arith.cmpi ne, %rem3A_942, %ne3A_944 : vector<1x64xi32>
    %and3A_946 = arith.andi %ne3A_940, %ne3A_945 : vector<1x64xi1>
    %sub3A_947 = arith.constant 1 : i32
    %sub3A_948 = vector.broadcast %sub3A_947 : i32 to vector<1x64xi32>
    %sub3A_949 = arith.subi %div3A_922, %sub3A_948 : vector<1x64xi32>
    %select_n3A_950 = arith.select %and3A_946, %sub3A_949, %div3A_922 : vector<1x64xi1>, vector<1x64xi32>
    %eq3A_951 = arith.constant 12 : i32
    %eq3A_952 = vector.broadcast %eq3A_951 : i32 to vector<1x64xi32>
    %eq3A_953 = arith.cmpi eq, %select_n3A_950, %eq3A_952 : vector<1x64xi32>
    %mul3A_954 = arith.constant 4 : i32
    %mul3A_955 = arith.muli %mul3A_954, %reduce_min3A_349 : i32
    %jit3A_956 = arith.constant 0 : i32
    %broadcast_in_dim3A_957 = vector.broadcast %mul3A_955 : i32 to vector<1x64xi32>
    %broadcast_in_dim3A_958 = vector.broadcast %jit3A_956 : i32 to vector<1x64xi32>
    %select_n3A_959 = arith.select %eq3A_953, %broadcast_in_dim3A_957, %broadcast_in_dim3A_958 : vector<1x64xi1>, vector<1x64xi32>
    %add3A_960 = arith.addi %add3A_919, %select_n3A_959 : vector<1x64xi32>
    %jit3A_961 = arith.constant 4 : i32
    %div3A_962 = vector.broadcast %jit3A_961 : i32 to vector<1x64xi32>
    %div3A_963 = arith.divsi %iota3A_410, %div3A_962 : vector<1x64xi32>
    %sign3A_964 = arith.constant 0 : i32
    %sign3A_965 = vector.broadcast %sign3A_964 : i32 to vector<1x64xi32>
    %sign3A_966 = arith.cmpi sgt, %iota3A_410, %sign3A_965 : vector<1x64xi32>
    %sign3A_967 = arith.extui %sign3A_966 : vector<1x64xi1> to vector<1x64xi32>
    %sign3A_968 = arith.constant 0 : i32
    %sign3A_969 = vector.broadcast %sign3A_968 : i32 to vector<1x64xi32>
    %sign3A_970 = arith.cmpi slt, %iota3A_410, %sign3A_969 : vector<1x64xi32>
    %sign3A_971 = arith.extui %sign3A_970 : vector<1x64xi1> to vector<1x64xi32>
    %sign3A_972 = arith.subi %sign3A_967, %sign3A_971 : vector<1x64xi32>
    %sign3A_973 = arith.constant 0 : i32
    %sign3A_974 = arith.cmpi sgt, %jit3A_961, %sign3A_973 : i32
    %sign3A_975 = arith.extui %sign3A_974 : i1 to i32
    %sign3A_976 = arith.constant 0 : i32
    %sign3A_977 = arith.cmpi slt, %jit3A_961, %sign3A_976 : i32
    %sign3A_978 = arith.extui %sign3A_977 : i1 to i32
    %sign3A_979 = arith.subi %sign3A_975, %sign3A_978 : i32
    %ne3A_980 = vector.broadcast %sign3A_979 : i32 to vector<1x64xi32>
    %ne3A_981 = arith.cmpi ne, %sign3A_972, %ne3A_980 : vector<1x64xi32>
    %rem3A_982 = vector.broadcast %jit3A_961 : i32 to vector<1x64xi32>
    %rem3A_983 = arith.remsi %iota3A_410, %rem3A_982 : vector<1x64xi32>
    %ne3A_984 = arith.constant 0 : i32
    %ne3A_985 = vector.broadcast %ne3A_984 : i32 to vector<1x64xi32>
    %ne3A_986 = arith.cmpi ne, %rem3A_983, %ne3A_985 : vector<1x64xi32>
    %and3A_987 = arith.andi %ne3A_981, %ne3A_986 : vector<1x64xi1>
    %sub3A_988 = arith.constant 1 : i32
    %sub3A_989 = vector.broadcast %sub3A_988 : i32 to vector<1x64xi32>
    %sub3A_990 = arith.subi %div3A_963, %sub3A_989 : vector<1x64xi32>
    %select_n3A_991 = arith.select %and3A_987, %sub3A_990, %div3A_963 : vector<1x64xi1>, vector<1x64xi32>
    %eq3A_992 = arith.constant 13 : i32
    %eq3A_993 = vector.broadcast %eq3A_992 : i32 to vector<1x64xi32>
    %eq3A_994 = arith.cmpi eq, %select_n3A_991, %eq3A_993 : vector<1x64xi32>
    %mul3A_995 = arith.constant 4 : i32
    %mul3A_996 = arith.muli %mul3A_995, %reduce_min3A_369 : i32
    %jit3A_997 = arith.constant 0 : i32
    %broadcast_in_dim3A_998 = vector.broadcast %mul3A_996 : i32 to vector<1x64xi32>
    %broadcast_in_dim3A_999 = vector.broadcast %jit3A_997 : i32 to vector<1x64xi32>
    %select_n3A_1000 = arith.select %eq3A_994, %broadcast_in_dim3A_998, %broadcast_in_dim3A_999 : vector<1x64xi1>, vector<1x64xi32>
    %add3A_1001 = arith.addi %add3A_960, %select_n3A_1000 : vector<1x64xi32>
    %jit3A_1002 = arith.constant 4 : i32
    %div3A_1003 = vector.broadcast %jit3A_1002 : i32 to vector<1x64xi32>
    %div3A_1004 = arith.divsi %iota3A_410, %div3A_1003 : vector<1x64xi32>
    %sign3A_1005 = arith.constant 0 : i32
    %sign3A_1006 = vector.broadcast %sign3A_1005 : i32 to vector<1x64xi32>
    %sign3A_1007 = arith.cmpi sgt, %iota3A_410, %sign3A_1006 : vector<1x64xi32>
    %sign3A_1008 = arith.extui %sign3A_1007 : vector<1x64xi1> to vector<1x64xi32>
    %sign3A_1009 = arith.constant 0 : i32
    %sign3A_1010 = vector.broadcast %sign3A_1009 : i32 to vector<1x64xi32>
    %sign3A_1011 = arith.cmpi slt, %iota3A_410, %sign3A_1010 : vector<1x64xi32>
    %sign3A_1012 = arith.extui %sign3A_1011 : vector<1x64xi1> to vector<1x64xi32>
    %sign3A_1013 = arith.subi %sign3A_1008, %sign3A_1012 : vector<1x64xi32>
    %sign3A_1014 = arith.constant 0 : i32
    %sign3A_1015 = arith.cmpi sgt, %jit3A_1002, %sign3A_1014 : i32
    %sign3A_1016 = arith.extui %sign3A_1015 : i1 to i32
    %sign3A_1017 = arith.constant 0 : i32
    %sign3A_1018 = arith.cmpi slt, %jit3A_1002, %sign3A_1017 : i32
    %sign3A_1019 = arith.extui %sign3A_1018 : i1 to i32
    %sign3A_1020 = arith.subi %sign3A_1016, %sign3A_1019 : i32
    %ne3A_1021 = vector.broadcast %sign3A_1020 : i32 to vector<1x64xi32>
    %ne3A_1022 = arith.cmpi ne, %sign3A_1013, %ne3A_1021 : vector<1x64xi32>
    %rem3A_1023 = vector.broadcast %jit3A_1002 : i32 to vector<1x64xi32>
    %rem3A_1024 = arith.remsi %iota3A_410, %rem3A_1023 : vector<1x64xi32>
    %ne3A_1025 = arith.constant 0 : i32
    %ne3A_1026 = vector.broadcast %ne3A_1025 : i32 to vector<1x64xi32>
    %ne3A_1027 = arith.cmpi ne, %rem3A_1024, %ne3A_1026 : vector<1x64xi32>
    %and3A_1028 = arith.andi %ne3A_1022, %ne3A_1027 : vector<1x64xi1>
    %sub3A_1029 = arith.constant 1 : i32
    %sub3A_1030 = vector.broadcast %sub3A_1029 : i32 to vector<1x64xi32>
    %sub3A_1031 = arith.subi %div3A_1004, %sub3A_1030 : vector<1x64xi32>
    %select_n3A_1032 = arith.select %and3A_1028, %sub3A_1031, %div3A_1004 : vector<1x64xi1>, vector<1x64xi32>
    %eq3A_1033 = arith.constant 14 : i32
    %eq3A_1034 = vector.broadcast %eq3A_1033 : i32 to vector<1x64xi32>
    %eq3A_1035 = arith.cmpi eq, %select_n3A_1032, %eq3A_1034 : vector<1x64xi32>
    %mul3A_1036 = arith.constant 4 : i32
    %mul3A_1037 = arith.muli %mul3A_1036, %reduce_min3A_389 : i32
    %jit3A_1038 = arith.constant 0 : i32
    %broadcast_in_dim3A_1039 = vector.broadcast %mul3A_1037 : i32 to vector<1x64xi32>
    %broadcast_in_dim3A_1040 = vector.broadcast %jit3A_1038 : i32 to vector<1x64xi32>
    %select_n3A_1041 = arith.select %eq3A_1035, %broadcast_in_dim3A_1039, %broadcast_in_dim3A_1040 : vector<1x64xi1>, vector<1x64xi32>
    %add3A_1042 = arith.addi %add3A_1001, %select_n3A_1041 : vector<1x64xi32>
    %jit3A_1043 = arith.constant 4 : i32
    %div3A_1044 = vector.broadcast %jit3A_1043 : i32 to vector<1x64xi32>
    %div3A_1045 = arith.divsi %iota3A_410, %div3A_1044 : vector<1x64xi32>
    %sign3A_1046 = arith.constant 0 : i32
    %sign3A_1047 = vector.broadcast %sign3A_1046 : i32 to vector<1x64xi32>
    %sign3A_1048 = arith.cmpi sgt, %iota3A_410, %sign3A_1047 : vector<1x64xi32>
    %sign3A_1049 = arith.extui %sign3A_1048 : vector<1x64xi1> to vector<1x64xi32>
    %sign3A_1050 = arith.constant 0 : i32
    %sign3A_1051 = vector.broadcast %sign3A_1050 : i32 to vector<1x64xi32>
    %sign3A_1052 = arith.cmpi slt, %iota3A_410, %sign3A_1051 : vector<1x64xi32>
    %sign3A_1053 = arith.extui %sign3A_1052 : vector<1x64xi1> to vector<1x64xi32>
    %sign3A_1054 = arith.subi %sign3A_1049, %sign3A_1053 : vector<1x64xi32>
    %sign3A_1055 = arith.constant 0 : i32
    %sign3A_1056 = arith.cmpi sgt, %jit3A_1043, %sign3A_1055 : i32
    %sign3A_1057 = arith.extui %sign3A_1056 : i1 to i32
    %sign3A_1058 = arith.constant 0 : i32
    %sign3A_1059 = arith.cmpi slt, %jit3A_1043, %sign3A_1058 : i32
    %sign3A_1060 = arith.extui %sign3A_1059 : i1 to i32
    %sign3A_1061 = arith.subi %sign3A_1057, %sign3A_1060 : i32
    %ne3A_1062 = vector.broadcast %sign3A_1061 : i32 to vector<1x64xi32>
    %ne3A_1063 = arith.cmpi ne, %sign3A_1054, %ne3A_1062 : vector<1x64xi32>
    %rem3A_1064 = vector.broadcast %jit3A_1043 : i32 to vector<1x64xi32>
    %rem3A_1065 = arith.remsi %iota3A_410, %rem3A_1064 : vector<1x64xi32>
    %ne3A_1066 = arith.constant 0 : i32
    %ne3A_1067 = vector.broadcast %ne3A_1066 : i32 to vector<1x64xi32>
    %ne3A_1068 = arith.cmpi ne, %rem3A_1065, %ne3A_1067 : vector<1x64xi32>
    %and3A_1069 = arith.andi %ne3A_1063, %ne3A_1068 : vector<1x64xi1>
    %sub3A_1070 = arith.constant 1 : i32
    %sub3A_1071 = vector.broadcast %sub3A_1070 : i32 to vector<1x64xi32>
    %sub3A_1072 = arith.subi %div3A_1045, %sub3A_1071 : vector<1x64xi32>
    %select_n3A_1073 = arith.select %and3A_1069, %sub3A_1072, %div3A_1045 : vector<1x64xi1>, vector<1x64xi32>
    %eq3A_1074 = arith.constant 15 : i32
    %eq3A_1075 = vector.broadcast %eq3A_1074 : i32 to vector<1x64xi32>
    %eq3A_1076 = arith.cmpi eq, %select_n3A_1073, %eq3A_1075 : vector<1x64xi32>
    %mul3A_1077 = arith.constant 4 : i32
    %mul3A_1078 = arith.muli %mul3A_1077, %reduce_min3A_409 : i32
    %jit3A_1079 = arith.constant 0 : i32
    %broadcast_in_dim3A_1080 = vector.broadcast %mul3A_1078 : i32 to vector<1x64xi32>
    %broadcast_in_dim3A_1081 = vector.broadcast %jit3A_1079 : i32 to vector<1x64xi32>
    %select_n3A_1082 = arith.select %eq3A_1076, %broadcast_in_dim3A_1080, %broadcast_in_dim3A_1081 : vector<1x64xi1>, vector<1x64xi32>
    %add3A_1083 = arith.addi %add3A_1042, %select_n3A_1082 : vector<1x64xi32>
    %swap3A_1084 = arith.constant 0 : index
    %swap3A_1085 = arith.constant 0 : index
    %swap3A_1086 = vector.load %arg16[%swap3A_1084, %swap3A_1085] : memref<1x64xi32, #tpu.memory_space<vmem>>, vector<1x64xi32>
    tpu.vector_store %arg16[%swap3A_1084, %swap3A_1085], %add3A_1083 {strides = array<i32>} : memref<1x64xi32, #tpu.memory_space<vmem>>, vector<1x64xi32>,
    return
  }
}

module attributes {stable_mosaic.version = 14 : i64} {
  func.func @_lvl2_kernel(%arg0: memref<64x1024xf32, #tpu.memory_space<vmem>>, %arg1: memref<1x64xi32, #tpu.memory_space<vmem>>, %arg2: memref<512x1024xf32, #tpu.memory_space<vmem>>, %arg3: memref<1x512xf32, #tpu.memory_space<vmem>>, %arg4: memref<256x512xf32, #tpu.memory_space<vmem>>, %arg5: memref<1x256xf32, #tpu.memory_space<vmem>>, %arg6: memref<256x512xf32, #tpu.memory_space<vmem>>, %arg7: memref<1x256xf32, #tpu.memory_space<vmem>>, %arg8: memref<1x256xf32, #tpu.memory_space<vmem>>, %arg9: memref<1x1xf32, #tpu.memory_space<vmem>>, %arg10: memref<256x512xf32, #tpu.memory_space<vmem>>, %arg11: memref<1x256xf32, #tpu.memory_space<vmem>>, %arg12: memref<256x512xf32, #tpu.memory_space<vmem>>, %arg13: memref<1x256xf32, #tpu.memory_space<vmem>>, %arg14: memref<1x256xf32, #tpu.memory_space<vmem>>, %arg15: memref<1x1xf32, #tpu.memory_space<vmem>>, %arg16: memref<1x512xf32, #tpu.memory_space<vmem>>, %arg17: memref<1x64xi32, #tpu.memory_space<vmem>>) attributes {dimension_semantics = [], scalar_prefetch = 0 : i64, scratch_operands = 0 : i64, tpu.core_type = #tpu.core_type<tc>} {
    %get3A = arith.constant 0 : index
    %get3A_0 = arith.constant 0 : index
    %get3A_1 = vector.load %arg0[%get3A, %get3A_0] : memref<64x1024xf32, #tpu.memory_space<vmem>>, vector<64x1024xf32>
    %get3A_2 = arith.constant 0 : index
    %get3A_3 = arith.constant 0 : index
    %get3A_4 = vector.load %arg2[%get3A_2, %get3A_3] : memref<512x1024xf32, #tpu.memory_space<vmem>>, vector<512x1024xf32>
    %dot_general3A = arith.constant dense<0.000000e+00> : vector<64x512xf32>
    %dot_general3A_5 = tpu.matmul %get3A_1, %get3A_4, %dot_general3A {dimension_numbers = #tpu.dot_dimension_numbers<[1], [1], [0], [0], [0, 0, 1, 0], [], []>, transpose_lhs_hint = false} : vector<64x1024xf32>, vector<512x1024xf32>, vector<64x512xf32> -> vector<64x512xf32>
    %get3A_6 = arith.constant 0 : index
    %get3A_7 = arith.constant 0 : index
    %get3A_8 = vector.load %arg3[%get3A_6, %get3A_7] : memref<1x512xf32, #tpu.memory_space<vmem>>, vector<1x512xf32>
    %add3A = vector.broadcast %get3A_8 : vector<1x512xf32> to vector<64x512xf32>
    %add3A_9 = arith.addf %dot_general3A_5, %add3A : vector<64x512xf32>
    %max3A = arith.constant 0.000000e+00 : f32
    %max3A_10 = vector.broadcast %max3A : f32 to vector<64x512xf32>
    %max3A_11 = arith.maximumf %add3A_9, %max3A_10 : vector<64x512xf32>
    %get3A_12 = arith.constant 0 : index
    %get3A_13 = arith.constant 0 : index
    %get3A_14 = vector.load %arg4[%get3A_12, %get3A_13] : memref<256x512xf32, #tpu.memory_space<vmem>>, vector<256x512xf32>
    %get3A_15 = arith.constant 0 : index
    %get3A_16 = arith.constant 0 : index
    %get3A_17 = vector.load %arg5[%get3A_15, %get3A_16] : memref<1x256xf32, #tpu.memory_space<vmem>>, vector<1x256xf32>
    %get3A_18 = arith.constant 0 : index
    %get3A_19 = arith.constant 0 : index
    %get3A_20 = vector.load %arg6[%get3A_18, %get3A_19] : memref<256x512xf32, #tpu.memory_space<vmem>>, vector<256x512xf32>
    %get3A_21 = arith.constant 0 : index
    %get3A_22 = arith.constant 0 : index
    %get3A_23 = vector.load %arg7[%get3A_21, %get3A_22] : memref<1x256xf32, #tpu.memory_space<vmem>>, vector<1x256xf32>
    %get3A_24 = arith.constant 0 : index
    %get3A_25 = arith.constant 0 : index
    %get3A_26 = vector.load %arg8[%get3A_24, %get3A_25] : memref<1x256xf32, #tpu.memory_space<vmem>>, vector<1x256xf32>
    %get3A_27 = arith.constant 0 : index
    %get3A_28 = arith.constant 0 : index
    %get3A_29 = vector.load %arg9[%get3A_27, %get3A_28] : memref<1x1xf32, #tpu.memory_space<vmem>>, vector<1x1xf32>
    %get3A_30 = vector.extract %get3A_29[0, 0] : f32 from vector<1x1xf32>
    %dot_general3A_31 = arith.constant dense<0.000000e+00> : vector<64x256xf32>
    %dot_general3A_32 = tpu.matmul %max3A_11, %get3A_14, %dot_general3A_31 {dimension_numbers = #tpu.dot_dimension_numbers<[1], [1], [0], [0], [0, 0, 1, 0], [], []>, transpose_lhs_hint = false} : vector<64x512xf32>, vector<256x512xf32>, vector<64x256xf32> -> vector<64x256xf32>
    %add3A_33 = vector.broadcast %get3A_17 : vector<1x256xf32> to vector<64x256xf32>
    %add3A_34 = arith.addf %dot_general3A_32, %add3A_33 : vector<64x256xf32>
    %tanh3A = math.tanh %add3A_34 : vector<64x256xf32>
    %dot_general3A_35 = arith.constant dense<0.000000e+00> : vector<64x256xf32>
    %dot_general3A_36 = tpu.matmul %max3A_11, %get3A_20, %dot_general3A_35 {dimension_numbers = #tpu.dot_dimension_numbers<[1], [1], [0], [0], [0, 0, 1, 0], [], []>, transpose_lhs_hint = false} : vector<64x512xf32>, vector<256x512xf32>, vector<64x256xf32> -> vector<64x256xf32>
    %add3A_37 = vector.broadcast %get3A_23 : vector<1x256xf32> to vector<64x256xf32>
    %add3A_38 = arith.addf %dot_general3A_36, %add3A_37 : vector<64x256xf32>
    %logistic3A = arith.negf %add3A_38 : vector<64x256xf32>
    %logistic3A_39 = math.exp %logistic3A : vector<64x256xf32>
    %logistic3A_40 = arith.constant 1.000000e+00 : f32
    %logistic3A_41 = vector.broadcast %logistic3A_40 : f32 to vector<64x256xf32>
    %logistic3A_42 = arith.addf %logistic3A_41, %logistic3A_39 : vector<64x256xf32>
    %logistic3A_43 = arith.divf %logistic3A_41, %logistic3A_42 : vector<64x256xf32>
    %mul3A = arith.mulf %tanh3A, %logistic3A_43 : vector<64x256xf32>
    %dot_general3A_44 = arith.constant dense<0.000000e+00> : vector<1x64xf32>
    %dot_general3A_45 = tpu.matmul %get3A_26, %mul3A, %dot_general3A_44 {dimension_numbers = #tpu.dot_dimension_numbers<[1], [1], [0], [0], [0, 0, 1, 0], [], []>, transpose_lhs_hint = false} : vector<1x256xf32>, vector<64x256xf32>, vector<1x64xf32> -> vector<1x64xf32>
    %add3A_46 = vector.broadcast %get3A_30 : f32 to vector<1x64xf32>
    %add3A_47 = arith.addf %dot_general3A_45, %add3A_46 : vector<1x64xf32>
    %reduce_max3A = vector.shape_cast %add3A_47 : vector<1x64xf32> to vector<1x1x64xf32>
    %reduce_max3A_48 = arith.constant dense<0xFF800000> : vector<1xf32>
    %reduce_max3A_49 = vector.multi_reduction <maximumf>, %reduce_max3A, %reduce_max3A_48 [1, 2] : vector<1x1x64xf32> to vector<1xf32>
    %reduce_max3A_50 = vector.shape_cast %reduce_max3A_49 : vector<1xf32> to vector<1x1x1xf32>
    %reduce_max3A_51 = vector.extract %reduce_max3A_50[0, 0, 0] : f32 from vector<1x1x1xf32>
    %sub3A = vector.broadcast %reduce_max3A_51 : f32 to vector<1x64xf32>
    %sub3A_52 = arith.subf %add3A_47, %sub3A : vector<1x64xf32>
    %exp3A = math.exp %sub3A_52 : vector<1x64xf32>
    %reduce_sum3A = vector.shape_cast %exp3A : vector<1x64xf32> to vector<1x1x64xf32>
    %reduce_sum3A_53 = arith.constant dense<0.000000e+00> : vector<1xf32>
    %reduce_sum3A_54 = vector.multi_reduction <add>, %reduce_sum3A, %reduce_sum3A_53 [1, 2] : vector<1x1x64xf32> to vector<1xf32>
    %reduce_sum3A_55 = vector.shape_cast %reduce_sum3A_54 : vector<1xf32> to vector<1x1x1xf32>
    %reduce_sum3A_56 = vector.extract %reduce_sum3A_55[0, 0, 0] : f32 from vector<1x1x1xf32>
    %div3A = vector.broadcast %reduce_sum3A_56 : f32 to vector<1x64xf32>
    %div3A_57 = arith.divf %exp3A, %div3A : vector<1x64xf32>
    %dot_general3A_58 = arith.constant dense<0.000000e+00> : vector<1x512xf32>
    %dot_general3A_59 = tpu.matmul %div3A_57, %max3A_11, %dot_general3A_58 {dimension_numbers = #tpu.dot_dimension_numbers<[1], [0], [0], [1], [0, 0, 1, 1], [], []>, transpose_lhs_hint = false} : vector<1x64xf32>, vector<64x512xf32>, vector<1x512xf32> -> vector<1x512xf32>
    %swap3A = arith.constant 0 : index
    %swap3A_60 = arith.constant 0 : index
    %swap3A_61 = vector.load %arg16[%swap3A, %swap3A_60] : memref<1x512xf32, #tpu.memory_space<vmem>>, vector<1x512xf32>
    tpu.vector_store %arg16[%swap3A, %swap3A_60], %dot_general3A_59 {strides = array<i32>} : memref<1x512xf32, #tpu.memory_space<vmem>>, vector<1x512xf32>,
    %get3A_62 = arith.constant 0 : index
    %get3A_63 = arith.constant 0 : index
    %get3A_64 = vector.load %arg10[%get3A_62, %get3A_63] : memref<256x512xf32, #tpu.memory_space<vmem>>, vector<256x512xf32>
    %get3A_65 = arith.constant 0 : index
    %get3A_66 = arith.constant 0 : index
    %get3A_67 = vector.load %arg11[%get3A_65, %get3A_66] : memref<1x256xf32, #tpu.memory_space<vmem>>, vector<1x256xf32>
    %get3A_68 = arith.constant 0 : index
    %get3A_69 = arith.constant 0 : index
    %get3A_70 = vector.load %arg12[%get3A_68, %get3A_69] : memref<256x512xf32, #tpu.memory_space<vmem>>, vector<256x512xf32>
    %get3A_71 = arith.constant 0 : index
    %get3A_72 = arith.constant 0 : index
    %get3A_73 = vector.load %arg13[%get3A_71, %get3A_72] : memref<1x256xf32, #tpu.memory_space<vmem>>, vector<1x256xf32>
    %get3A_74 = arith.constant 0 : index
    %get3A_75 = arith.constant 0 : index
    %get3A_76 = vector.load %arg14[%get3A_74, %get3A_75] : memref<1x256xf32, #tpu.memory_space<vmem>>, vector<1x256xf32>
    %get3A_77 = arith.constant 0 : index
    %get3A_78 = arith.constant 0 : index
    %get3A_79 = vector.load %arg15[%get3A_77, %get3A_78] : memref<1x1xf32, #tpu.memory_space<vmem>>, vector<1x1xf32>
    %get3A_80 = vector.extract %get3A_79[0, 0] : f32 from vector<1x1xf32>
    %dot_general3A_81 = arith.constant dense<0.000000e+00> : vector<64x256xf32>
    %dot_general3A_82 = tpu.matmul %max3A_11, %get3A_64, %dot_general3A_81 {dimension_numbers = #tpu.dot_dimension_numbers<[1], [1], [0], [0], [0, 0, 1, 0], [], []>, transpose_lhs_hint = false} : vector<64x512xf32>, vector<256x512xf32>, vector<64x256xf32> -> vector<64x256xf32>
    %add3A_83 = vector.broadcast %get3A_67 : vector<1x256xf32> to vector<64x256xf32>
    %add3A_84 = arith.addf %dot_general3A_82, %add3A_83 : vector<64x256xf32>
    %tanh3A_85 = math.tanh %add3A_84 : vector<64x256xf32>
    %dot_general3A_86 = arith.constant dense<0.000000e+00> : vector<64x256xf32>
    %dot_general3A_87 = tpu.matmul %max3A_11, %get3A_70, %dot_general3A_86 {dimension_numbers = #tpu.dot_dimension_numbers<[1], [1], [0], [0], [0, 0, 1, 0], [], []>, transpose_lhs_hint = false} : vector<64x512xf32>, vector<256x512xf32>, vector<64x256xf32> -> vector<64x256xf32>
    %add3A_88 = vector.broadcast %get3A_73 : vector<1x256xf32> to vector<64x256xf32>
    %add3A_89 = arith.addf %dot_general3A_87, %add3A_88 : vector<64x256xf32>
    %logistic3A_90 = arith.negf %add3A_89 : vector<64x256xf32>
    %logistic3A_91 = math.exp %logistic3A_90 : vector<64x256xf32>
    %logistic3A_92 = arith.constant 1.000000e+00 : f32
    %logistic3A_93 = vector.broadcast %logistic3A_92 : f32 to vector<64x256xf32>
    %logistic3A_94 = arith.addf %logistic3A_93, %logistic3A_91 : vector<64x256xf32>
    %logistic3A_95 = arith.divf %logistic3A_93, %logistic3A_94 : vector<64x256xf32>
    %mul3A_96 = arith.mulf %tanh3A_85, %logistic3A_95 : vector<64x256xf32>
    %dot_general3A_97 = arith.constant dense<0.000000e+00> : vector<1x64xf32>
    %dot_general3A_98 = tpu.matmul %get3A_76, %mul3A_96, %dot_general3A_97 {dimension_numbers = #tpu.dot_dimension_numbers<[1], [1], [0], [0], [0, 0, 1, 0], [], []>, transpose_lhs_hint = false} : vector<1x256xf32>, vector<64x256xf32>, vector<1x64xf32> -> vector<1x64xf32>
    %add3A_99 = vector.broadcast %get3A_80 : f32 to vector<1x64xf32>
    %add3A_100 = arith.addf %dot_general3A_98, %add3A_99 : vector<1x64xf32>
    %iota3A = tpu.iota {dimensions = array<i32: 1>} : vector<1x64xi32>
    %get3A_101 = arith.constant 0 : index
    %get3A_102 = arith.constant 0 : index
    %get3A_103 = vector.load %arg1[%get3A_101, %get3A_102] : memref<1x64xi32, #tpu.memory_space<vmem>>, vector<1x64xi32>
    %reduce_max3A_104 = vector.shape_cast %add3A_100 : vector<1x64xf32> to vector<1x1x64xf32>
    %reduce_max3A_105 = arith.constant dense<0xFF800000> : vector<1xf32>
    %reduce_max3A_106 = vector.multi_reduction <maximumf>, %reduce_max3A_104, %reduce_max3A_105 [1, 2] : vector<1x1x64xf32> to vector<1xf32>
    %reduce_max3A_107 = vector.shape_cast %reduce_max3A_106 : vector<1xf32> to vector<1x1x1xf32>
    %reduce_max3A_108 = vector.extract %reduce_max3A_107[0, 0, 0] : f32 from vector<1x1x1xf32>
    %ge3A = vector.broadcast %reduce_max3A_108 : f32 to vector<1x64xf32>
    %ge3A_109 = arith.cmpf oge, %add3A_100, %ge3A : vector<1x64xf32>
    %jit3A = arith.constant 64 : i32
    %broadcast_in_dim3A = vector.broadcast %jit3A : i32 to vector<1x64xi32>
    %select_n3A = arith.select %ge3A_109, %iota3A, %broadcast_in_dim3A : vector<1x64xi1>, vector<1x64xi32>
    %reduce_min3A = vector.shape_cast %select_n3A : vector<1x64xi32> to vector<1x1x64xi32>
    %reduce_min3A_110 = arith.constant dense<2147483647> : vector<1xi32>
    %reduce_min3A_111 = vector.multi_reduction <minsi>, %reduce_min3A, %reduce_min3A_110 [1, 2] : vector<1x1x64xi32> to vector<1xi32>
    %reduce_min3A_112 = vector.shape_cast %reduce_min3A_111 : vector<1xi32> to vector<1x1x1xi32>
    %reduce_min3A_113 = vector.extract %reduce_min3A_112[0, 0, 0] : i32 from vector<1x1x1xi32>
    %eq3A = vector.broadcast %reduce_min3A_113 : i32 to vector<1x64xi32>
    %eq3A_114 = arith.cmpi eq, %iota3A, %eq3A : vector<1x64xi32>
    %jit3A_115 = arith.constant -1.000000e+30 : f32
    %broadcast_in_dim3A_116 = vector.broadcast %jit3A_115 : f32 to vector<1x64xf32>
    %select_n3A_117 = arith.select %eq3A_114, %broadcast_in_dim3A_116, %add3A_100 : vector<1x64xi1>, vector<1x64xf32>
    %reduce_max3A_118 = vector.shape_cast %select_n3A_117 : vector<1x64xf32> to vector<1x1x64xf32>
    %reduce_max3A_119 = arith.constant dense<0xFF800000> : vector<1xf32>
    %reduce_max3A_120 = vector.multi_reduction <maximumf>, %reduce_max3A_118, %reduce_max3A_119 [1, 2] : vector<1x1x64xf32> to vector<1xf32>
    %reduce_max3A_121 = vector.shape_cast %reduce_max3A_120 : vector<1xf32> to vector<1x1x1xf32>
    %reduce_max3A_122 = vector.extract %reduce_max3A_121[0, 0, 0] : f32 from vector<1x1x1xf32>
    %ge3A_123 = vector.broadcast %reduce_max3A_122 : f32 to vector<1x64xf32>
    %ge3A_124 = arith.cmpf oge, %select_n3A_117, %ge3A_123 : vector<1x64xf32>
    %jit3A_125 = arith.constant 64 : i32
    %broadcast_in_dim3A_126 = vector.broadcast %jit3A_125 : i32 to vector<1x64xi32>
    %select_n3A_127 = arith.select %ge3A_124, %iota3A, %broadcast_in_dim3A_126 : vector<1x64xi1>, vector<1x64xi32>
    %reduce_min3A_128 = vector.shape_cast %select_n3A_127 : vector<1x64xi32> to vector<1x1x64xi32>
    %reduce_min3A_129 = arith.constant dense<2147483647> : vector<1xi32>
    %reduce_min3A_130 = vector.multi_reduction <minsi>, %reduce_min3A_128, %reduce_min3A_129 [1, 2] : vector<1x1x64xi32> to vector<1xi32>
    %reduce_min3A_131 = vector.shape_cast %reduce_min3A_130 : vector<1xi32> to vector<1x1x1xi32>
    %reduce_min3A_132 = vector.extract %reduce_min3A_131[0, 0, 0] : i32 from vector<1x1x1xi32>
    %eq3A_133 = vector.broadcast %reduce_min3A_132 : i32 to vector<1x64xi32>
    %eq3A_134 = arith.cmpi eq, %iota3A, %eq3A_133 : vector<1x64xi32>
    %jit3A_135 = arith.constant -1.000000e+30 : f32
    %broadcast_in_dim3A_136 = vector.broadcast %jit3A_135 : f32 to vector<1x64xf32>
    %select_n3A_137 = arith.select %eq3A_134, %broadcast_in_dim3A_136, %select_n3A_117 : vector<1x64xi1>, vector<1x64xf32>
    %reduce_max3A_138 = vector.shape_cast %select_n3A_137 : vector<1x64xf32> to vector<1x1x64xf32>
    %reduce_max3A_139 = arith.constant dense<0xFF800000> : vector<1xf32>
    %reduce_max3A_140 = vector.multi_reduction <maximumf>, %reduce_max3A_138, %reduce_max3A_139 [1, 2] : vector<1x1x64xf32> to vector<1xf32>
    %reduce_max3A_141 = vector.shape_cast %reduce_max3A_140 : vector<1xf32> to vector<1x1x1xf32>
    %reduce_max3A_142 = vector.extract %reduce_max3A_141[0, 0, 0] : f32 from vector<1x1x1xf32>
    %ge3A_143 = vector.broadcast %reduce_max3A_142 : f32 to vector<1x64xf32>
    %ge3A_144 = arith.cmpf oge, %select_n3A_137, %ge3A_143 : vector<1x64xf32>
    %jit3A_145 = arith.constant 64 : i32
    %broadcast_in_dim3A_146 = vector.broadcast %jit3A_145 : i32 to vector<1x64xi32>
    %select_n3A_147 = arith.select %ge3A_144, %iota3A, %broadcast_in_dim3A_146 : vector<1x64xi1>, vector<1x64xi32>
    %reduce_min3A_148 = vector.shape_cast %select_n3A_147 : vector<1x64xi32> to vector<1x1x64xi32>
    %reduce_min3A_149 = arith.constant dense<2147483647> : vector<1xi32>
    %reduce_min3A_150 = vector.multi_reduction <minsi>, %reduce_min3A_148, %reduce_min3A_149 [1, 2] : vector<1x1x64xi32> to vector<1xi32>
    %reduce_min3A_151 = vector.shape_cast %reduce_min3A_150 : vector<1xi32> to vector<1x1x1xi32>
    %reduce_min3A_152 = vector.extract %reduce_min3A_151[0, 0, 0] : i32 from vector<1x1x1xi32>
    %eq3A_153 = vector.broadcast %reduce_min3A_152 : i32 to vector<1x64xi32>
    %eq3A_154 = arith.cmpi eq, %iota3A, %eq3A_153 : vector<1x64xi32>
    %jit3A_155 = arith.constant -1.000000e+30 : f32
    %broadcast_in_dim3A_156 = vector.broadcast %jit3A_155 : f32 to vector<1x64xf32>
    %select_n3A_157 = arith.select %eq3A_154, %broadcast_in_dim3A_156, %select_n3A_137 : vector<1x64xi1>, vector<1x64xf32>
    %reduce_max3A_158 = vector.shape_cast %select_n3A_157 : vector<1x64xf32> to vector<1x1x64xf32>
    %reduce_max3A_159 = arith.constant dense<0xFF800000> : vector<1xf32>
    %reduce_max3A_160 = vector.multi_reduction <maximumf>, %reduce_max3A_158, %reduce_max3A_159 [1, 2] : vector<1x1x64xf32> to vector<1xf32>
    %reduce_max3A_161 = vector.shape_cast %reduce_max3A_160 : vector<1xf32> to vector<1x1x1xf32>
    %reduce_max3A_162 = vector.extract %reduce_max3A_161[0, 0, 0] : f32 from vector<1x1x1xf32>
    %ge3A_163 = vector.broadcast %reduce_max3A_162 : f32 to vector<1x64xf32>
    %ge3A_164 = arith.cmpf oge, %select_n3A_157, %ge3A_163 : vector<1x64xf32>
    %jit3A_165 = arith.constant 64 : i32
    %broadcast_in_dim3A_166 = vector.broadcast %jit3A_165 : i32 to vector<1x64xi32>
    %select_n3A_167 = arith.select %ge3A_164, %iota3A, %broadcast_in_dim3A_166 : vector<1x64xi1>, vector<1x64xi32>
    %reduce_min3A_168 = vector.shape_cast %select_n3A_167 : vector<1x64xi32> to vector<1x1x64xi32>
    %reduce_min3A_169 = arith.constant dense<2147483647> : vector<1xi32>
    %reduce_min3A_170 = vector.multi_reduction <minsi>, %reduce_min3A_168, %reduce_min3A_169 [1, 2] : vector<1x1x64xi32> to vector<1xi32>
    %reduce_min3A_171 = vector.shape_cast %reduce_min3A_170 : vector<1xi32> to vector<1x1x1xi32>
    %reduce_min3A_172 = vector.extract %reduce_min3A_171[0, 0, 0] : i32 from vector<1x1x1xi32>
    %eq3A_173 = vector.broadcast %reduce_min3A_172 : i32 to vector<1x64xi32>
    %eq3A_174 = arith.cmpi eq, %iota3A, %eq3A_173 : vector<1x64xi32>
    %jit3A_175 = arith.constant -1.000000e+30 : f32
    %broadcast_in_dim3A_176 = vector.broadcast %jit3A_175 : f32 to vector<1x64xf32>
    %select_n3A_177 = arith.select %eq3A_174, %broadcast_in_dim3A_176, %select_n3A_157 : vector<1x64xi1>, vector<1x64xf32>
    %reduce_max3A_178 = vector.shape_cast %select_n3A_177 : vector<1x64xf32> to vector<1x1x64xf32>
    %reduce_max3A_179 = arith.constant dense<0xFF800000> : vector<1xf32>
    %reduce_max3A_180 = vector.multi_reduction <maximumf>, %reduce_max3A_178, %reduce_max3A_179 [1, 2] : vector<1x1x64xf32> to vector<1xf32>
    %reduce_max3A_181 = vector.shape_cast %reduce_max3A_180 : vector<1xf32> to vector<1x1x1xf32>
    %reduce_max3A_182 = vector.extract %reduce_max3A_181[0, 0, 0] : f32 from vector<1x1x1xf32>
    %ge3A_183 = vector.broadcast %reduce_max3A_182 : f32 to vector<1x64xf32>
    %ge3A_184 = arith.cmpf oge, %select_n3A_177, %ge3A_183 : vector<1x64xf32>
    %jit3A_185 = arith.constant 64 : i32
    %broadcast_in_dim3A_186 = vector.broadcast %jit3A_185 : i32 to vector<1x64xi32>
    %select_n3A_187 = arith.select %ge3A_184, %iota3A, %broadcast_in_dim3A_186 : vector<1x64xi1>, vector<1x64xi32>
    %reduce_min3A_188 = vector.shape_cast %select_n3A_187 : vector<1x64xi32> to vector<1x1x64xi32>
    %reduce_min3A_189 = arith.constant dense<2147483647> : vector<1xi32>
    %reduce_min3A_190 = vector.multi_reduction <minsi>, %reduce_min3A_188, %reduce_min3A_189 [1, 2] : vector<1x1x64xi32> to vector<1xi32>
    %reduce_min3A_191 = vector.shape_cast %reduce_min3A_190 : vector<1xi32> to vector<1x1x1xi32>
    %reduce_min3A_192 = vector.extract %reduce_min3A_191[0, 0, 0] : i32 from vector<1x1x1xi32>
    %eq3A_193 = vector.broadcast %reduce_min3A_192 : i32 to vector<1x64xi32>
    %eq3A_194 = arith.cmpi eq, %iota3A, %eq3A_193 : vector<1x64xi32>
    %jit3A_195 = arith.constant -1.000000e+30 : f32
    %broadcast_in_dim3A_196 = vector.broadcast %jit3A_195 : f32 to vector<1x64xf32>
    %select_n3A_197 = arith.select %eq3A_194, %broadcast_in_dim3A_196, %select_n3A_177 : vector<1x64xi1>, vector<1x64xf32>
    %reduce_max3A_198 = vector.shape_cast %select_n3A_197 : vector<1x64xf32> to vector<1x1x64xf32>
    %reduce_max3A_199 = arith.constant dense<0xFF800000> : vector<1xf32>
    %reduce_max3A_200 = vector.multi_reduction <maximumf>, %reduce_max3A_198, %reduce_max3A_199 [1, 2] : vector<1x1x64xf32> to vector<1xf32>
    %reduce_max3A_201 = vector.shape_cast %reduce_max3A_200 : vector<1xf32> to vector<1x1x1xf32>
    %reduce_max3A_202 = vector.extract %reduce_max3A_201[0, 0, 0] : f32 from vector<1x1x1xf32>
    %ge3A_203 = vector.broadcast %reduce_max3A_202 : f32 to vector<1x64xf32>
    %ge3A_204 = arith.cmpf oge, %select_n3A_197, %ge3A_203 : vector<1x64xf32>
    %jit3A_205 = arith.constant 64 : i32
    %broadcast_in_dim3A_206 = vector.broadcast %jit3A_205 : i32 to vector<1x64xi32>
    %select_n3A_207 = arith.select %ge3A_204, %iota3A, %broadcast_in_dim3A_206 : vector<1x64xi1>, vector<1x64xi32>
    %reduce_min3A_208 = vector.shape_cast %select_n3A_207 : vector<1x64xi32> to vector<1x1x64xi32>
    %reduce_min3A_209 = arith.constant dense<2147483647> : vector<1xi32>
    %reduce_min3A_210 = vector.multi_reduction <minsi>, %reduce_min3A_208, %reduce_min3A_209 [1, 2] : vector<1x1x64xi32> to vector<1xi32>
    %reduce_min3A_211 = vector.shape_cast %reduce_min3A_210 : vector<1xi32> to vector<1x1x1xi32>
    %reduce_min3A_212 = vector.extract %reduce_min3A_211[0, 0, 0] : i32 from vector<1x1x1xi32>
    %eq3A_213 = vector.broadcast %reduce_min3A_212 : i32 to vector<1x64xi32>
    %eq3A_214 = arith.cmpi eq, %iota3A, %eq3A_213 : vector<1x64xi32>
    %jit3A_215 = arith.constant -1.000000e+30 : f32
    %broadcast_in_dim3A_216 = vector.broadcast %jit3A_215 : f32 to vector<1x64xf32>
    %select_n3A_217 = arith.select %eq3A_214, %broadcast_in_dim3A_216, %select_n3A_197 : vector<1x64xi1>, vector<1x64xf32>
    %reduce_max3A_218 = vector.shape_cast %select_n3A_217 : vector<1x64xf32> to vector<1x1x64xf32>
    %reduce_max3A_219 = arith.constant dense<0xFF800000> : vector<1xf32>
    %reduce_max3A_220 = vector.multi_reduction <maximumf>, %reduce_max3A_218, %reduce_max3A_219 [1, 2] : vector<1x1x64xf32> to vector<1xf32>
    %reduce_max3A_221 = vector.shape_cast %reduce_max3A_220 : vector<1xf32> to vector<1x1x1xf32>
    %reduce_max3A_222 = vector.extract %reduce_max3A_221[0, 0, 0] : f32 from vector<1x1x1xf32>
    %ge3A_223 = vector.broadcast %reduce_max3A_222 : f32 to vector<1x64xf32>
    %ge3A_224 = arith.cmpf oge, %select_n3A_217, %ge3A_223 : vector<1x64xf32>
    %jit3A_225 = arith.constant 64 : i32
    %broadcast_in_dim3A_226 = vector.broadcast %jit3A_225 : i32 to vector<1x64xi32>
    %select_n3A_227 = arith.select %ge3A_224, %iota3A, %broadcast_in_dim3A_226 : vector<1x64xi1>, vector<1x64xi32>
    %reduce_min3A_228 = vector.shape_cast %select_n3A_227 : vector<1x64xi32> to vector<1x1x64xi32>
    %reduce_min3A_229 = arith.constant dense<2147483647> : vector<1xi32>
    %reduce_min3A_230 = vector.multi_reduction <minsi>, %reduce_min3A_228, %reduce_min3A_229 [1, 2] : vector<1x1x64xi32> to vector<1xi32>
    %reduce_min3A_231 = vector.shape_cast %reduce_min3A_230 : vector<1xi32> to vector<1x1x1xi32>
    %reduce_min3A_232 = vector.extract %reduce_min3A_231[0, 0, 0] : i32 from vector<1x1x1xi32>
    %eq3A_233 = vector.broadcast %reduce_min3A_232 : i32 to vector<1x64xi32>
    %eq3A_234 = arith.cmpi eq, %iota3A, %eq3A_233 : vector<1x64xi32>
    %jit3A_235 = arith.constant -1.000000e+30 : f32
    %broadcast_in_dim3A_236 = vector.broadcast %jit3A_235 : f32 to vector<1x64xf32>
    %select_n3A_237 = arith.select %eq3A_234, %broadcast_in_dim3A_236, %select_n3A_217 : vector<1x64xi1>, vector<1x64xf32>
    %reduce_max3A_238 = vector.shape_cast %select_n3A_237 : vector<1x64xf32> to vector<1x1x64xf32>
    %reduce_max3A_239 = arith.constant dense<0xFF800000> : vector<1xf32>
    %reduce_max3A_240 = vector.multi_reduction <maximumf>, %reduce_max3A_238, %reduce_max3A_239 [1, 2] : vector<1x1x64xf32> to vector<1xf32>
    %reduce_max3A_241 = vector.shape_cast %reduce_max3A_240 : vector<1xf32> to vector<1x1x1xf32>
    %reduce_max3A_242 = vector.extract %reduce_max3A_241[0, 0, 0] : f32 from vector<1x1x1xf32>
    %ge3A_243 = vector.broadcast %reduce_max3A_242 : f32 to vector<1x64xf32>
    %ge3A_244 = arith.cmpf oge, %select_n3A_237, %ge3A_243 : vector<1x64xf32>
    %jit3A_245 = arith.constant 64 : i32
    %broadcast_in_dim3A_246 = vector.broadcast %jit3A_245 : i32 to vector<1x64xi32>
    %select_n3A_247 = arith.select %ge3A_244, %iota3A, %broadcast_in_dim3A_246 : vector<1x64xi1>, vector<1x64xi32>
    %reduce_min3A_248 = vector.shape_cast %select_n3A_247 : vector<1x64xi32> to vector<1x1x64xi32>
    %reduce_min3A_249 = arith.constant dense<2147483647> : vector<1xi32>
    %reduce_min3A_250 = vector.multi_reduction <minsi>, %reduce_min3A_248, %reduce_min3A_249 [1, 2] : vector<1x1x64xi32> to vector<1xi32>
    %reduce_min3A_251 = vector.shape_cast %reduce_min3A_250 : vector<1xi32> to vector<1x1x1xi32>
    %reduce_min3A_252 = vector.extract %reduce_min3A_251[0, 0, 0] : i32 from vector<1x1x1xi32>
    %eq3A_253 = vector.broadcast %reduce_min3A_252 : i32 to vector<1x64xi32>
    %eq3A_254 = arith.cmpi eq, %iota3A, %eq3A_253 : vector<1x64xi32>
    %jit3A_255 = arith.constant -1.000000e+30 : f32
    %broadcast_in_dim3A_256 = vector.broadcast %jit3A_255 : f32 to vector<1x64xf32>
    %select_n3A_257 = arith.select %eq3A_254, %broadcast_in_dim3A_256, %select_n3A_237 : vector<1x64xi1>, vector<1x64xf32>
    %reduce_max3A_258 = vector.shape_cast %select_n3A_257 : vector<1x64xf32> to vector<1x1x64xf32>
    %reduce_max3A_259 = arith.constant dense<0xFF800000> : vector<1xf32>
    %reduce_max3A_260 = vector.multi_reduction <maximumf>, %reduce_max3A_258, %reduce_max3A_259 [1, 2] : vector<1x1x64xf32> to vector<1xf32>
    %reduce_max3A_261 = vector.shape_cast %reduce_max3A_260 : vector<1xf32> to vector<1x1x1xf32>
    %reduce_max3A_262 = vector.extract %reduce_max3A_261[0, 0, 0] : f32 from vector<1x1x1xf32>
    %ge3A_263 = vector.broadcast %reduce_max3A_262 : f32 to vector<1x64xf32>
    %ge3A_264 = arith.cmpf oge, %select_n3A_257, %ge3A_263 : vector<1x64xf32>
    %jit3A_265 = arith.constant 64 : i32
    %broadcast_in_dim3A_266 = vector.broadcast %jit3A_265 : i32 to vector<1x64xi32>
    %select_n3A_267 = arith.select %ge3A_264, %iota3A, %broadcast_in_dim3A_266 : vector<1x64xi1>, vector<1x64xi32>
    %reduce_min3A_268 = vector.shape_cast %select_n3A_267 : vector<1x64xi32> to vector<1x1x64xi32>
    %reduce_min3A_269 = arith.constant dense<2147483647> : vector<1xi32>
    %reduce_min3A_270 = vector.multi_reduction <minsi>, %reduce_min3A_268, %reduce_min3A_269 [1, 2] : vector<1x1x64xi32> to vector<1xi32>
    %reduce_min3A_271 = vector.shape_cast %reduce_min3A_270 : vector<1xi32> to vector<1x1x1xi32>
    %reduce_min3A_272 = vector.extract %reduce_min3A_271[0, 0, 0] : i32 from vector<1x1x1xi32>
    %eq3A_273 = vector.broadcast %reduce_min3A_272 : i32 to vector<1x64xi32>
    %eq3A_274 = arith.cmpi eq, %iota3A, %eq3A_273 : vector<1x64xi32>
    %jit3A_275 = arith.constant -1.000000e+30 : f32
    %broadcast_in_dim3A_276 = vector.broadcast %jit3A_275 : f32 to vector<1x64xf32>
    %select_n3A_277 = arith.select %eq3A_274, %broadcast_in_dim3A_276, %select_n3A_257 : vector<1x64xi1>, vector<1x64xf32>
    %reduce_max3A_278 = vector.shape_cast %select_n3A_277 : vector<1x64xf32> to vector<1x1x64xf32>
    %reduce_max3A_279 = arith.constant dense<0xFF800000> : vector<1xf32>
    %reduce_max3A_280 = vector.multi_reduction <maximumf>, %reduce_max3A_278, %reduce_max3A_279 [1, 2] : vector<1x1x64xf32> to vector<1xf32>
    %reduce_max3A_281 = vector.shape_cast %reduce_max3A_280 : vector<1xf32> to vector<1x1x1xf32>
    %reduce_max3A_282 = vector.extract %reduce_max3A_281[0, 0, 0] : f32 from vector<1x1x1xf32>
    %ge3A_283 = vector.broadcast %reduce_max3A_282 : f32 to vector<1x64xf32>
    %ge3A_284 = arith.cmpf oge, %select_n3A_277, %ge3A_283 : vector<1x64xf32>
    %jit3A_285 = arith.constant 64 : i32
    %broadcast_in_dim3A_286 = vector.broadcast %jit3A_285 : i32 to vector<1x64xi32>
    %select_n3A_287 = arith.select %ge3A_284, %iota3A, %broadcast_in_dim3A_286 : vector<1x64xi1>, vector<1x64xi32>
    %reduce_min3A_288 = vector.shape_cast %select_n3A_287 : vector<1x64xi32> to vector<1x1x64xi32>
    %reduce_min3A_289 = arith.constant dense<2147483647> : vector<1xi32>
    %reduce_min3A_290 = vector.multi_reduction <minsi>, %reduce_min3A_288, %reduce_min3A_289 [1, 2] : vector<1x1x64xi32> to vector<1xi32>
    %reduce_min3A_291 = vector.shape_cast %reduce_min3A_290 : vector<1xi32> to vector<1x1x1xi32>
    %reduce_min3A_292 = vector.extract %reduce_min3A_291[0, 0, 0] : i32 from vector<1x1x1xi32>
    %eq3A_293 = vector.broadcast %reduce_min3A_292 : i32 to vector<1x64xi32>
    %eq3A_294 = arith.cmpi eq, %iota3A, %eq3A_293 : vector<1x64xi32>
    %jit3A_295 = arith.constant -1.000000e+30 : f32
    %broadcast_in_dim3A_296 = vector.broadcast %jit3A_295 : f32 to vector<1x64xf32>
    %select_n3A_297 = arith.select %eq3A_294, %broadcast_in_dim3A_296, %select_n3A_277 : vector<1x64xi1>, vector<1x64xf32>
    %reduce_max3A_298 = vector.shape_cast %select_n3A_297 : vector<1x64xf32> to vector<1x1x64xf32>
    %reduce_max3A_299 = arith.constant dense<0xFF800000> : vector<1xf32>
    %reduce_max3A_300 = vector.multi_reduction <maximumf>, %reduce_max3A_298, %reduce_max3A_299 [1, 2] : vector<1x1x64xf32> to vector<1xf32>
    %reduce_max3A_301 = vector.shape_cast %reduce_max3A_300 : vector<1xf32> to vector<1x1x1xf32>
    %reduce_max3A_302 = vector.extract %reduce_max3A_301[0, 0, 0] : f32 from vector<1x1x1xf32>
    %ge3A_303 = vector.broadcast %reduce_max3A_302 : f32 to vector<1x64xf32>
    %ge3A_304 = arith.cmpf oge, %select_n3A_297, %ge3A_303 : vector<1x64xf32>
    %jit3A_305 = arith.constant 64 : i32
    %broadcast_in_dim3A_306 = vector.broadcast %jit3A_305 : i32 to vector<1x64xi32>
    %select_n3A_307 = arith.select %ge3A_304, %iota3A, %broadcast_in_dim3A_306 : vector<1x64xi1>, vector<1x64xi32>
    %reduce_min3A_308 = vector.shape_cast %select_n3A_307 : vector<1x64xi32> to vector<1x1x64xi32>
    %reduce_min3A_309 = arith.constant dense<2147483647> : vector<1xi32>
    %reduce_min3A_310 = vector.multi_reduction <minsi>, %reduce_min3A_308, %reduce_min3A_309 [1, 2] : vector<1x1x64xi32> to vector<1xi32>
    %reduce_min3A_311 = vector.shape_cast %reduce_min3A_310 : vector<1xi32> to vector<1x1x1xi32>
    %reduce_min3A_312 = vector.extract %reduce_min3A_311[0, 0, 0] : i32 from vector<1x1x1xi32>
    %eq3A_313 = vector.broadcast %reduce_min3A_312 : i32 to vector<1x64xi32>
    %eq3A_314 = arith.cmpi eq, %iota3A, %eq3A_313 : vector<1x64xi32>
    %jit3A_315 = arith.constant -1.000000e+30 : f32
    %broadcast_in_dim3A_316 = vector.broadcast %jit3A_315 : f32 to vector<1x64xf32>
    %select_n3A_317 = arith.select %eq3A_314, %broadcast_in_dim3A_316, %select_n3A_297 : vector<1x64xi1>, vector<1x64xf32>
    %reduce_max3A_318 = vector.shape_cast %select_n3A_317 : vector<1x64xf32> to vector<1x1x64xf32>
    %reduce_max3A_319 = arith.constant dense<0xFF800000> : vector<1xf32>
    %reduce_max3A_320 = vector.multi_reduction <maximumf>, %reduce_max3A_318, %reduce_max3A_319 [1, 2] : vector<1x1x64xf32> to vector<1xf32>
    %reduce_max3A_321 = vector.shape_cast %reduce_max3A_320 : vector<1xf32> to vector<1x1x1xf32>
    %reduce_max3A_322 = vector.extract %reduce_max3A_321[0, 0, 0] : f32 from vector<1x1x1xf32>
    %ge3A_323 = vector.broadcast %reduce_max3A_322 : f32 to vector<1x64xf32>
    %ge3A_324 = arith.cmpf oge, %select_n3A_317, %ge3A_323 : vector<1x64xf32>
    %jit3A_325 = arith.constant 64 : i32
    %broadcast_in_dim3A_326 = vector.broadcast %jit3A_325 : i32 to vector<1x64xi32>
    %select_n3A_327 = arith.select %ge3A_324, %iota3A, %broadcast_in_dim3A_326 : vector<1x64xi1>, vector<1x64xi32>
    %reduce_min3A_328 = vector.shape_cast %select_n3A_327 : vector<1x64xi32> to vector<1x1x64xi32>
    %reduce_min3A_329 = arith.constant dense<2147483647> : vector<1xi32>
    %reduce_min3A_330 = vector.multi_reduction <minsi>, %reduce_min3A_328, %reduce_min3A_329 [1, 2] : vector<1x1x64xi32> to vector<1xi32>
    %reduce_min3A_331 = vector.shape_cast %reduce_min3A_330 : vector<1xi32> to vector<1x1x1xi32>
    %reduce_min3A_332 = vector.extract %reduce_min3A_331[0, 0, 0] : i32 from vector<1x1x1xi32>
    %eq3A_333 = vector.broadcast %reduce_min3A_332 : i32 to vector<1x64xi32>
    %eq3A_334 = arith.cmpi eq, %iota3A, %eq3A_333 : vector<1x64xi32>
    %jit3A_335 = arith.constant -1.000000e+30 : f32
    %broadcast_in_dim3A_336 = vector.broadcast %jit3A_335 : f32 to vector<1x64xf32>
    %select_n3A_337 = arith.select %eq3A_334, %broadcast_in_dim3A_336, %select_n3A_317 : vector<1x64xi1>, vector<1x64xf32>
    %reduce_max3A_338 = vector.shape_cast %select_n3A_337 : vector<1x64xf32> to vector<1x1x64xf32>
    %reduce_max3A_339 = arith.constant dense<0xFF800000> : vector<1xf32>
    %reduce_max3A_340 = vector.multi_reduction <maximumf>, %reduce_max3A_338, %reduce_max3A_339 [1, 2] : vector<1x1x64xf32> to vector<1xf32>
    %reduce_max3A_341 = vector.shape_cast %reduce_max3A_340 : vector<1xf32> to vector<1x1x1xf32>
    %reduce_max3A_342 = vector.extract %reduce_max3A_341[0, 0, 0] : f32 from vector<1x1x1xf32>
    %ge3A_343 = vector.broadcast %reduce_max3A_342 : f32 to vector<1x64xf32>
    %ge3A_344 = arith.cmpf oge, %select_n3A_337, %ge3A_343 : vector<1x64xf32>
    %jit3A_345 = arith.constant 64 : i32
    %broadcast_in_dim3A_346 = vector.broadcast %jit3A_345 : i32 to vector<1x64xi32>
    %select_n3A_347 = arith.select %ge3A_344, %iota3A, %broadcast_in_dim3A_346 : vector<1x64xi1>, vector<1x64xi32>
    %reduce_min3A_348 = vector.shape_cast %select_n3A_347 : vector<1x64xi32> to vector<1x1x64xi32>
    %reduce_min3A_349 = arith.constant dense<2147483647> : vector<1xi32>
    %reduce_min3A_350 = vector.multi_reduction <minsi>, %reduce_min3A_348, %reduce_min3A_349 [1, 2] : vector<1x1x64xi32> to vector<1xi32>
    %reduce_min3A_351 = vector.shape_cast %reduce_min3A_350 : vector<1xi32> to vector<1x1x1xi32>
    %reduce_min3A_352 = vector.extract %reduce_min3A_351[0, 0, 0] : i32 from vector<1x1x1xi32>
    %eq3A_353 = vector.broadcast %reduce_min3A_352 : i32 to vector<1x64xi32>
    %eq3A_354 = arith.cmpi eq, %iota3A, %eq3A_353 : vector<1x64xi32>
    %jit3A_355 = arith.constant -1.000000e+30 : f32
    %broadcast_in_dim3A_356 = vector.broadcast %jit3A_355 : f32 to vector<1x64xf32>
    %select_n3A_357 = arith.select %eq3A_354, %broadcast_in_dim3A_356, %select_n3A_337 : vector<1x64xi1>, vector<1x64xf32>
    %reduce_max3A_358 = vector.shape_cast %select_n3A_357 : vector<1x64xf32> to vector<1x1x64xf32>
    %reduce_max3A_359 = arith.constant dense<0xFF800000> : vector<1xf32>
    %reduce_max3A_360 = vector.multi_reduction <maximumf>, %reduce_max3A_358, %reduce_max3A_359 [1, 2] : vector<1x1x64xf32> to vector<1xf32>
    %reduce_max3A_361 = vector.shape_cast %reduce_max3A_360 : vector<1xf32> to vector<1x1x1xf32>
    %reduce_max3A_362 = vector.extract %reduce_max3A_361[0, 0, 0] : f32 from vector<1x1x1xf32>
    %ge3A_363 = vector.broadcast %reduce_max3A_362 : f32 to vector<1x64xf32>
    %ge3A_364 = arith.cmpf oge, %select_n3A_357, %ge3A_363 : vector<1x64xf32>
    %jit3A_365 = arith.constant 64 : i32
    %broadcast_in_dim3A_366 = vector.broadcast %jit3A_365 : i32 to vector<1x64xi32>
    %select_n3A_367 = arith.select %ge3A_364, %iota3A, %broadcast_in_dim3A_366 : vector<1x64xi1>, vector<1x64xi32>
    %reduce_min3A_368 = vector.shape_cast %select_n3A_367 : vector<1x64xi32> to vector<1x1x64xi32>
    %reduce_min3A_369 = arith.constant dense<2147483647> : vector<1xi32>
    %reduce_min3A_370 = vector.multi_reduction <minsi>, %reduce_min3A_368, %reduce_min3A_369 [1, 2] : vector<1x1x64xi32> to vector<1xi32>
    %reduce_min3A_371 = vector.shape_cast %reduce_min3A_370 : vector<1xi32> to vector<1x1x1xi32>
    %reduce_min3A_372 = vector.extract %reduce_min3A_371[0, 0, 0] : i32 from vector<1x1x1xi32>
    %eq3A_373 = vector.broadcast %reduce_min3A_372 : i32 to vector<1x64xi32>
    %eq3A_374 = arith.cmpi eq, %iota3A, %eq3A_373 : vector<1x64xi32>
    %jit3A_375 = arith.constant -1.000000e+30 : f32
    %broadcast_in_dim3A_376 = vector.broadcast %jit3A_375 : f32 to vector<1x64xf32>
    %select_n3A_377 = arith.select %eq3A_374, %broadcast_in_dim3A_376, %select_n3A_357 : vector<1x64xi1>, vector<1x64xf32>
    %reduce_max3A_378 = vector.shape_cast %select_n3A_377 : vector<1x64xf32> to vector<1x1x64xf32>
    %reduce_max3A_379 = arith.constant dense<0xFF800000> : vector<1xf32>
    %reduce_max3A_380 = vector.multi_reduction <maximumf>, %reduce_max3A_378, %reduce_max3A_379 [1, 2] : vector<1x1x64xf32> to vector<1xf32>
    %reduce_max3A_381 = vector.shape_cast %reduce_max3A_380 : vector<1xf32> to vector<1x1x1xf32>
    %reduce_max3A_382 = vector.extract %reduce_max3A_381[0, 0, 0] : f32 from vector<1x1x1xf32>
    %ge3A_383 = vector.broadcast %reduce_max3A_382 : f32 to vector<1x64xf32>
    %ge3A_384 = arith.cmpf oge, %select_n3A_377, %ge3A_383 : vector<1x64xf32>
    %jit3A_385 = arith.constant 64 : i32
    %broadcast_in_dim3A_386 = vector.broadcast %jit3A_385 : i32 to vector<1x64xi32>
    %select_n3A_387 = arith.select %ge3A_384, %iota3A, %broadcast_in_dim3A_386 : vector<1x64xi1>, vector<1x64xi32>
    %reduce_min3A_388 = vector.shape_cast %select_n3A_387 : vector<1x64xi32> to vector<1x1x64xi32>
    %reduce_min3A_389 = arith.constant dense<2147483647> : vector<1xi32>
    %reduce_min3A_390 = vector.multi_reduction <minsi>, %reduce_min3A_388, %reduce_min3A_389 [1, 2] : vector<1x1x64xi32> to vector<1xi32>
    %reduce_min3A_391 = vector.shape_cast %reduce_min3A_390 : vector<1xi32> to vector<1x1x1xi32>
    %reduce_min3A_392 = vector.extract %reduce_min3A_391[0, 0, 0] : i32 from vector<1x1x1xi32>
    %eq3A_393 = vector.broadcast %reduce_min3A_392 : i32 to vector<1x64xi32>
    %eq3A_394 = arith.cmpi eq, %iota3A, %eq3A_393 : vector<1x64xi32>
    %jit3A_395 = arith.constant -1.000000e+30 : f32
    %broadcast_in_dim3A_396 = vector.broadcast %jit3A_395 : f32 to vector<1x64xf32>
    %select_n3A_397 = arith.select %eq3A_394, %broadcast_in_dim3A_396, %select_n3A_377 : vector<1x64xi1>, vector<1x64xf32>
    %reduce_max3A_398 = vector.shape_cast %select_n3A_397 : vector<1x64xf32> to vector<1x1x64xf32>
    %reduce_max3A_399 = arith.constant dense<0xFF800000> : vector<1xf32>
    %reduce_max3A_400 = vector.multi_reduction <maximumf>, %reduce_max3A_398, %reduce_max3A_399 [1, 2] : vector<1x1x64xf32> to vector<1xf32>
    %reduce_max3A_401 = vector.shape_cast %reduce_max3A_400 : vector<1xf32> to vector<1x1x1xf32>
    %reduce_max3A_402 = vector.extract %reduce_max3A_401[0, 0, 0] : f32 from vector<1x1x1xf32>
    %ge3A_403 = vector.broadcast %reduce_max3A_402 : f32 to vector<1x64xf32>
    %ge3A_404 = arith.cmpf oge, %select_n3A_397, %ge3A_403 : vector<1x64xf32>
    %jit3A_405 = arith.constant 64 : i32
    %broadcast_in_dim3A_406 = vector.broadcast %jit3A_405 : i32 to vector<1x64xi32>
    %select_n3A_407 = arith.select %ge3A_404, %iota3A, %broadcast_in_dim3A_406 : vector<1x64xi1>, vector<1x64xi32>
    %reduce_min3A_408 = vector.shape_cast %select_n3A_407 : vector<1x64xi32> to vector<1x1x64xi32>
    %reduce_min3A_409 = arith.constant dense<2147483647> : vector<1xi32>
    %reduce_min3A_410 = vector.multi_reduction <minsi>, %reduce_min3A_408, %reduce_min3A_409 [1, 2] : vector<1x1x64xi32> to vector<1xi32>
    %reduce_min3A_411 = vector.shape_cast %reduce_min3A_410 : vector<1xi32> to vector<1x1x1xi32>
    %reduce_min3A_412 = vector.extract %reduce_min3A_411[0, 0, 0] : i32 from vector<1x1x1xi32>
    %eq3A_413 = vector.broadcast %reduce_min3A_113 : i32 to vector<1x64xi32>
    %eq3A_414 = arith.cmpi eq, %iota3A, %eq3A_413 : vector<1x64xi32>
    %jit3A_415 = arith.constant 0 : i32
    %broadcast_in_dim3A_416 = vector.broadcast %jit3A_415 : i32 to vector<1x64xi32>
    %select_n3A_417 = arith.select %eq3A_414, %get3A_103, %broadcast_in_dim3A_416 : vector<1x64xi1>, vector<1x64xi32>
    %reduce_sum3A_418 = vector.shape_cast %select_n3A_417 : vector<1x64xi32> to vector<1x1x64xi32>
    %reduce_sum3A_419 = arith.constant dense<0> : vector<1xi32>
    %reduce_sum3A_420 = vector.multi_reduction <add>, %reduce_sum3A_418, %reduce_sum3A_419 [1, 2] : vector<1x1x64xi32> to vector<1xi32>
    %reduce_sum3A_421 = vector.shape_cast %reduce_sum3A_420 : vector<1xi32> to vector<1x1x1xi32>
    %reduce_sum3A_422 = vector.extract %reduce_sum3A_421[0, 0, 0] : i32 from vector<1x1x1xi32>
    %eq3A_423 = vector.broadcast %reduce_min3A_132 : i32 to vector<1x64xi32>
    %eq3A_424 = arith.cmpi eq, %iota3A, %eq3A_423 : vector<1x64xi32>
    %jit3A_425 = arith.constant 0 : i32
    %broadcast_in_dim3A_426 = vector.broadcast %jit3A_425 : i32 to vector<1x64xi32>
    %select_n3A_427 = arith.select %eq3A_424, %get3A_103, %broadcast_in_dim3A_426 : vector<1x64xi1>, vector<1x64xi32>
    %reduce_sum3A_428 = vector.shape_cast %select_n3A_427 : vector<1x64xi32> to vector<1x1x64xi32>
    %reduce_sum3A_429 = arith.constant dense<0> : vector<1xi32>
    %reduce_sum3A_430 = vector.multi_reduction <add>, %reduce_sum3A_428, %reduce_sum3A_429 [1, 2] : vector<1x1x64xi32> to vector<1xi32>
    %reduce_sum3A_431 = vector.shape_cast %reduce_sum3A_430 : vector<1xi32> to vector<1x1x1xi32>
    %reduce_sum3A_432 = vector.extract %reduce_sum3A_431[0, 0, 0] : i32 from vector<1x1x1xi32>
    %eq3A_433 = vector.broadcast %reduce_min3A_152 : i32 to vector<1x64xi32>
    %eq3A_434 = arith.cmpi eq, %iota3A, %eq3A_433 : vector<1x64xi32>
    %jit3A_435 = arith.constant 0 : i32
    %broadcast_in_dim3A_436 = vector.broadcast %jit3A_435 : i32 to vector<1x64xi32>
    %select_n3A_437 = arith.select %eq3A_434, %get3A_103, %broadcast_in_dim3A_436 : vector<1x64xi1>, vector<1x64xi32>
    %reduce_sum3A_438 = vector.shape_cast %select_n3A_437 : vector<1x64xi32> to vector<1x1x64xi32>
    %reduce_sum3A_439 = arith.constant dense<0> : vector<1xi32>
    %reduce_sum3A_440 = vector.multi_reduction <add>, %reduce_sum3A_438, %reduce_sum3A_439 [1, 2] : vector<1x1x64xi32> to vector<1xi32>
    %reduce_sum3A_441 = vector.shape_cast %reduce_sum3A_440 : vector<1xi32> to vector<1x1x1xi32>
    %reduce_sum3A_442 = vector.extract %reduce_sum3A_441[0, 0, 0] : i32 from vector<1x1x1xi32>
    %eq3A_443 = vector.broadcast %reduce_min3A_172 : i32 to vector<1x64xi32>
    %eq3A_444 = arith.cmpi eq, %iota3A, %eq3A_443 : vector<1x64xi32>
    %jit3A_445 = arith.constant 0 : i32
    %broadcast_in_dim3A_446 = vector.broadcast %jit3A_445 : i32 to vector<1x64xi32>
    %select_n3A_447 = arith.select %eq3A_444, %get3A_103, %broadcast_in_dim3A_446 : vector<1x64xi1>, vector<1x64xi32>
    %reduce_sum3A_448 = vector.shape_cast %select_n3A_447 : vector<1x64xi32> to vector<1x1x64xi32>
    %reduce_sum3A_449 = arith.constant dense<0> : vector<1xi32>
    %reduce_sum3A_450 = vector.multi_reduction <add>, %reduce_sum3A_448, %reduce_sum3A_449 [1, 2] : vector<1x1x64xi32> to vector<1xi32>
    %reduce_sum3A_451 = vector.shape_cast %reduce_sum3A_450 : vector<1xi32> to vector<1x1x1xi32>
    %reduce_sum3A_452 = vector.extract %reduce_sum3A_451[0, 0, 0] : i32 from vector<1x1x1xi32>
    %eq3A_453 = vector.broadcast %reduce_min3A_192 : i32 to vector<1x64xi32>
    %eq3A_454 = arith.cmpi eq, %iota3A, %eq3A_453 : vector<1x64xi32>
    %jit3A_455 = arith.constant 0 : i32
    %broadcast_in_dim3A_456 = vector.broadcast %jit3A_455 : i32 to vector<1x64xi32>
    %select_n3A_457 = arith.select %eq3A_454, %get3A_103, %broadcast_in_dim3A_456 : vector<1x64xi1>, vector<1x64xi32>
    %reduce_sum3A_458 = vector.shape_cast %select_n3A_457 : vector<1x64xi32> to vector<1x1x64xi32>
    %reduce_sum3A_459 = arith.constant dense<0> : vector<1xi32>
    %reduce_sum3A_460 = vector.multi_reduction <add>, %reduce_sum3A_458, %reduce_sum3A_459 [1, 2] : vector<1x1x64xi32> to vector<1xi32>
    %reduce_sum3A_461 = vector.shape_cast %reduce_sum3A_460 : vector<1xi32> to vector<1x1x1xi32>
    %reduce_sum3A_462 = vector.extract %reduce_sum3A_461[0, 0, 0] : i32 from vector<1x1x1xi32>
    %eq3A_463 = vector.broadcast %reduce_min3A_212 : i32 to vector<1x64xi32>
    %eq3A_464 = arith.cmpi eq, %iota3A, %eq3A_463 : vector<1x64xi32>
    %jit3A_465 = arith.constant 0 : i32
    %broadcast_in_dim3A_466 = vector.broadcast %jit3A_465 : i32 to vector<1x64xi32>
    %select_n3A_467 = arith.select %eq3A_464, %get3A_103, %broadcast_in_dim3A_466 : vector<1x64xi1>, vector<1x64xi32>
    %reduce_sum3A_468 = vector.shape_cast %select_n3A_467 : vector<1x64xi32> to vector<1x1x64xi32>
    %reduce_sum3A_469 = arith.constant dense<0> : vector<1xi32>
    %reduce_sum3A_470 = vector.multi_reduction <add>, %reduce_sum3A_468, %reduce_sum3A_469 [1, 2] : vector<1x1x64xi32> to vector<1xi32>
    %reduce_sum3A_471 = vector.shape_cast %reduce_sum3A_470 : vector<1xi32> to vector<1x1x1xi32>
    %reduce_sum3A_472 = vector.extract %reduce_sum3A_471[0, 0, 0] : i32 from vector<1x1x1xi32>
    %eq3A_473 = vector.broadcast %reduce_min3A_232 : i32 to vector<1x64xi32>
    %eq3A_474 = arith.cmpi eq, %iota3A, %eq3A_473 : vector<1x64xi32>
    %jit3A_475 = arith.constant 0 : i32
    %broadcast_in_dim3A_476 = vector.broadcast %jit3A_475 : i32 to vector<1x64xi32>
    %select_n3A_477 = arith.select %eq3A_474, %get3A_103, %broadcast_in_dim3A_476 : vector<1x64xi1>, vector<1x64xi32>
    %reduce_sum3A_478 = vector.shape_cast %select_n3A_477 : vector<1x64xi32> to vector<1x1x64xi32>
    %reduce_sum3A_479 = arith.constant dense<0> : vector<1xi32>
    %reduce_sum3A_480 = vector.multi_reduction <add>, %reduce_sum3A_478, %reduce_sum3A_479 [1, 2] : vector<1x1x64xi32> to vector<1xi32>
    %reduce_sum3A_481 = vector.shape_cast %reduce_sum3A_480 : vector<1xi32> to vector<1x1x1xi32>
    %reduce_sum3A_482 = vector.extract %reduce_sum3A_481[0, 0, 0] : i32 from vector<1x1x1xi32>
    %eq3A_483 = vector.broadcast %reduce_min3A_252 : i32 to vector<1x64xi32>
    %eq3A_484 = arith.cmpi eq, %iota3A, %eq3A_483 : vector<1x64xi32>
    %jit3A_485 = arith.constant 0 : i32
    %broadcast_in_dim3A_486 = vector.broadcast %jit3A_485 : i32 to vector<1x64xi32>
    %select_n3A_487 = arith.select %eq3A_484, %get3A_103, %broadcast_in_dim3A_486 : vector<1x64xi1>, vector<1x64xi32>
    %reduce_sum3A_488 = vector.shape_cast %select_n3A_487 : vector<1x64xi32> to vector<1x1x64xi32>
    %reduce_sum3A_489 = arith.constant dense<0> : vector<1xi32>
    %reduce_sum3A_490 = vector.multi_reduction <add>, %reduce_sum3A_488, %reduce_sum3A_489 [1, 2] : vector<1x1x64xi32> to vector<1xi32>
    %reduce_sum3A_491 = vector.shape_cast %reduce_sum3A_490 : vector<1xi32> to vector<1x1x1xi32>
    %reduce_sum3A_492 = vector.extract %reduce_sum3A_491[0, 0, 0] : i32 from vector<1x1x1xi32>
    %eq3A_493 = vector.broadcast %reduce_min3A_272 : i32 to vector<1x64xi32>
    %eq3A_494 = arith.cmpi eq, %iota3A, %eq3A_493 : vector<1x64xi32>
    %jit3A_495 = arith.constant 0 : i32
    %broadcast_in_dim3A_496 = vector.broadcast %jit3A_495 : i32 to vector<1x64xi32>
    %select_n3A_497 = arith.select %eq3A_494, %get3A_103, %broadcast_in_dim3A_496 : vector<1x64xi1>, vector<1x64xi32>
    %reduce_sum3A_498 = vector.shape_cast %select_n3A_497 : vector<1x64xi32> to vector<1x1x64xi32>
    %reduce_sum3A_499 = arith.constant dense<0> : vector<1xi32>
    %reduce_sum3A_500 = vector.multi_reduction <add>, %reduce_sum3A_498, %reduce_sum3A_499 [1, 2] : vector<1x1x64xi32> to vector<1xi32>
    %reduce_sum3A_501 = vector.shape_cast %reduce_sum3A_500 : vector<1xi32> to vector<1x1x1xi32>
    %reduce_sum3A_502 = vector.extract %reduce_sum3A_501[0, 0, 0] : i32 from vector<1x1x1xi32>
    %eq3A_503 = vector.broadcast %reduce_min3A_292 : i32 to vector<1x64xi32>
    %eq3A_504 = arith.cmpi eq, %iota3A, %eq3A_503 : vector<1x64xi32>
    %jit3A_505 = arith.constant 0 : i32
    %broadcast_in_dim3A_506 = vector.broadcast %jit3A_505 : i32 to vector<1x64xi32>
    %select_n3A_507 = arith.select %eq3A_504, %get3A_103, %broadcast_in_dim3A_506 : vector<1x64xi1>, vector<1x64xi32>
    %reduce_sum3A_508 = vector.shape_cast %select_n3A_507 : vector<1x64xi32> to vector<1x1x64xi32>
    %reduce_sum3A_509 = arith.constant dense<0> : vector<1xi32>
    %reduce_sum3A_510 = vector.multi_reduction <add>, %reduce_sum3A_508, %reduce_sum3A_509 [1, 2] : vector<1x1x64xi32> to vector<1xi32>
    %reduce_sum3A_511 = vector.shape_cast %reduce_sum3A_510 : vector<1xi32> to vector<1x1x1xi32>
    %reduce_sum3A_512 = vector.extract %reduce_sum3A_511[0, 0, 0] : i32 from vector<1x1x1xi32>
    %eq3A_513 = vector.broadcast %reduce_min3A_312 : i32 to vector<1x64xi32>
    %eq3A_514 = arith.cmpi eq, %iota3A, %eq3A_513 : vector<1x64xi32>
    %jit3A_515 = arith.constant 0 : i32
    %broadcast_in_dim3A_516 = vector.broadcast %jit3A_515 : i32 to vector<1x64xi32>
    %select_n3A_517 = arith.select %eq3A_514, %get3A_103, %broadcast_in_dim3A_516 : vector<1x64xi1>, vector<1x64xi32>
    %reduce_sum3A_518 = vector.shape_cast %select_n3A_517 : vector<1x64xi32> to vector<1x1x64xi32>
    %reduce_sum3A_519 = arith.constant dense<0> : vector<1xi32>
    %reduce_sum3A_520 = vector.multi_reduction <add>, %reduce_sum3A_518, %reduce_sum3A_519 [1, 2] : vector<1x1x64xi32> to vector<1xi32>
    %reduce_sum3A_521 = vector.shape_cast %reduce_sum3A_520 : vector<1xi32> to vector<1x1x1xi32>
    %reduce_sum3A_522 = vector.extract %reduce_sum3A_521[0, 0, 0] : i32 from vector<1x1x1xi32>
    %eq3A_523 = vector.broadcast %reduce_min3A_332 : i32 to vector<1x64xi32>
    %eq3A_524 = arith.cmpi eq, %iota3A, %eq3A_523 : vector<1x64xi32>
    %jit3A_525 = arith.constant 0 : i32
    %broadcast_in_dim3A_526 = vector.broadcast %jit3A_525 : i32 to vector<1x64xi32>
    %select_n3A_527 = arith.select %eq3A_524, %get3A_103, %broadcast_in_dim3A_526 : vector<1x64xi1>, vector<1x64xi32>
    %reduce_sum3A_528 = vector.shape_cast %select_n3A_527 : vector<1x64xi32> to vector<1x1x64xi32>
    %reduce_sum3A_529 = arith.constant dense<0> : vector<1xi32>
    %reduce_sum3A_530 = vector.multi_reduction <add>, %reduce_sum3A_528, %reduce_sum3A_529 [1, 2] : vector<1x1x64xi32> to vector<1xi32>
    %reduce_sum3A_531 = vector.shape_cast %reduce_sum3A_530 : vector<1xi32> to vector<1x1x1xi32>
    %reduce_sum3A_532 = vector.extract %reduce_sum3A_531[0, 0, 0] : i32 from vector<1x1x1xi32>
    %eq3A_533 = vector.broadcast %reduce_min3A_352 : i32 to vector<1x64xi32>
    %eq3A_534 = arith.cmpi eq, %iota3A, %eq3A_533 : vector<1x64xi32>
    %jit3A_535 = arith.constant 0 : i32
    %broadcast_in_dim3A_536 = vector.broadcast %jit3A_535 : i32 to vector<1x64xi32>
    %select_n3A_537 = arith.select %eq3A_534, %get3A_103, %broadcast_in_dim3A_536 : vector<1x64xi1>, vector<1x64xi32>
    %reduce_sum3A_538 = vector.shape_cast %select_n3A_537 : vector<1x64xi32> to vector<1x1x64xi32>
    %reduce_sum3A_539 = arith.constant dense<0> : vector<1xi32>
    %reduce_sum3A_540 = vector.multi_reduction <add>, %reduce_sum3A_538, %reduce_sum3A_539 [1, 2] : vector<1x1x64xi32> to vector<1xi32>
    %reduce_sum3A_541 = vector.shape_cast %reduce_sum3A_540 : vector<1xi32> to vector<1x1x1xi32>
    %reduce_sum3A_542 = vector.extract %reduce_sum3A_541[0, 0, 0] : i32 from vector<1x1x1xi32>
    %eq3A_543 = vector.broadcast %reduce_min3A_372 : i32 to vector<1x64xi32>
    %eq3A_544 = arith.cmpi eq, %iota3A, %eq3A_543 : vector<1x64xi32>
    %jit3A_545 = arith.constant 0 : i32
    %broadcast_in_dim3A_546 = vector.broadcast %jit3A_545 : i32 to vector<1x64xi32>
    %select_n3A_547 = arith.select %eq3A_544, %get3A_103, %broadcast_in_dim3A_546 : vector<1x64xi1>, vector<1x64xi32>
    %reduce_sum3A_548 = vector.shape_cast %select_n3A_547 : vector<1x64xi32> to vector<1x1x64xi32>
    %reduce_sum3A_549 = arith.constant dense<0> : vector<1xi32>
    %reduce_sum3A_550 = vector.multi_reduction <add>, %reduce_sum3A_548, %reduce_sum3A_549 [1, 2] : vector<1x1x64xi32> to vector<1xi32>
    %reduce_sum3A_551 = vector.shape_cast %reduce_sum3A_550 : vector<1xi32> to vector<1x1x1xi32>
    %reduce_sum3A_552 = vector.extract %reduce_sum3A_551[0, 0, 0] : i32 from vector<1x1x1xi32>
    %eq3A_553 = vector.broadcast %reduce_min3A_392 : i32 to vector<1x64xi32>
    %eq3A_554 = arith.cmpi eq, %iota3A, %eq3A_553 : vector<1x64xi32>
    %jit3A_555 = arith.constant 0 : i32
    %broadcast_in_dim3A_556 = vector.broadcast %jit3A_555 : i32 to vector<1x64xi32>
    %select_n3A_557 = arith.select %eq3A_554, %get3A_103, %broadcast_in_dim3A_556 : vector<1x64xi1>, vector<1x64xi32>
    %reduce_sum3A_558 = vector.shape_cast %select_n3A_557 : vector<1x64xi32> to vector<1x1x64xi32>
    %reduce_sum3A_559 = arith.constant dense<0> : vector<1xi32>
    %reduce_sum3A_560 = vector.multi_reduction <add>, %reduce_sum3A_558, %reduce_sum3A_559 [1, 2] : vector<1x1x64xi32> to vector<1xi32>
    %reduce_sum3A_561 = vector.shape_cast %reduce_sum3A_560 : vector<1xi32> to vector<1x1x1xi32>
    %reduce_sum3A_562 = vector.extract %reduce_sum3A_561[0, 0, 0] : i32 from vector<1x1x1xi32>
    %eq3A_563 = vector.broadcast %reduce_min3A_412 : i32 to vector<1x64xi32>
    %eq3A_564 = arith.cmpi eq, %iota3A, %eq3A_563 : vector<1x64xi32>
    %jit3A_565 = arith.constant 0 : i32
    %broadcast_in_dim3A_566 = vector.broadcast %jit3A_565 : i32 to vector<1x64xi32>
    %select_n3A_567 = arith.select %eq3A_564, %get3A_103, %broadcast_in_dim3A_566 : vector<1x64xi1>, vector<1x64xi32>
    %reduce_sum3A_568 = vector.shape_cast %select_n3A_567 : vector<1x64xi32> to vector<1x1x64xi32>
    %reduce_sum3A_569 = arith.constant dense<0> : vector<1xi32>
    %reduce_sum3A_570 = vector.multi_reduction <add>, %reduce_sum3A_568, %reduce_sum3A_569 [1, 2] : vector<1x1x64xi32> to vector<1xi32>
    %reduce_sum3A_571 = vector.shape_cast %reduce_sum3A_570 : vector<1xi32> to vector<1x1x1xi32>
    %reduce_sum3A_572 = vector.extract %reduce_sum3A_571[0, 0, 0] : i32 from vector<1x1x1xi32>
    %jit3A_573 = arith.constant 4 : i32
    %eq3A_574 = arith.constant 0 : i32
    %eq3A_575 = arith.cmpi eq, %jit3A_573, %eq3A_574 : i32
    %jit3A_576 = arith.constant 1 : i32
    %select_n3A_577 = arith.select %eq3A_575, %jit3A_576, %jit3A_573 : i32
    %rem3A = vector.broadcast %select_n3A_577 : i32 to vector<1x64xi32>
    %rem3A_578 = arith.remsi %iota3A, %rem3A : vector<1x64xi32>
    %ne3A = arith.constant 0 : i32
    %ne3A_579 = vector.broadcast %ne3A : i32 to vector<1x64xi32>
    %ne3A_580 = arith.cmpi ne, %rem3A_578, %ne3A_579 : vector<1x64xi32>
    %lt3A = arith.constant 0 : i32
    %lt3A_581 = vector.broadcast %lt3A : i32 to vector<1x64xi32>
    %lt3A_582 = arith.cmpi slt, %rem3A_578, %lt3A_581 : vector<1x64xi32>
    %lt3A_583 = arith.constant 0 : i32
    %lt3A_584 = arith.cmpi slt, %select_n3A_577, %lt3A_583 : i32
    %ne3A_585 = vector.broadcast %lt3A_584 : i1 to vector<1x64xi1>
    %ne3A_586 = vector.broadcast %ne3A_585 : vector<1x64xi1> to vector<1x64xi1>
    %ne3A_587 = arith.xori %lt3A_582, %ne3A_586 : vector<1x64xi1>
    %and3A = arith.andi %ne3A_587, %ne3A_580 : vector<1x64xi1>
    %add3A_588 = vector.broadcast %select_n3A_577 : i32 to vector<1x64xi32>
    %add3A_589 = arith.addi %rem3A_578, %add3A_588 : vector<1x64xi32>
    %select_n3A_590 = arith.select %and3A, %add3A_589, %rem3A_578 : vector<1x64xi1>, vector<1x64xi32>
    %jit3A_591 = arith.constant 4 : i32
    %div3A_592 = vector.broadcast %jit3A_591 : i32 to vector<1x64xi32>
    %div3A_593 = arith.divsi %iota3A, %div3A_592 : vector<1x64xi32>
    %sign3A = arith.constant 0 : i32
    %sign3A_594 = vector.broadcast %sign3A : i32 to vector<1x64xi32>
    %sign3A_595 = arith.cmpi sgt, %iota3A, %sign3A_594 : vector<1x64xi32>
    %sign3A_596 = arith.extui %sign3A_595 : vector<1x64xi1> to vector<1x64xi32>
    %sign3A_597 = arith.constant 0 : i32
    %sign3A_598 = vector.broadcast %sign3A_597 : i32 to vector<1x64xi32>
    %sign3A_599 = arith.cmpi slt, %iota3A, %sign3A_598 : vector<1x64xi32>
    %sign3A_600 = arith.extui %sign3A_599 : vector<1x64xi1> to vector<1x64xi32>
    %sign3A_601 = arith.subi %sign3A_596, %sign3A_600 : vector<1x64xi32>
    %sign3A_602 = arith.constant 0 : i32
    %sign3A_603 = arith.cmpi sgt, %jit3A_591, %sign3A_602 : i32
    %sign3A_604 = arith.extui %sign3A_603 : i1 to i32
    %sign3A_605 = arith.constant 0 : i32
    %sign3A_606 = arith.cmpi slt, %jit3A_591, %sign3A_605 : i32
    %sign3A_607 = arith.extui %sign3A_606 : i1 to i32
    %sign3A_608 = arith.subi %sign3A_604, %sign3A_607 : i32
    %ne3A_609 = vector.broadcast %sign3A_608 : i32 to vector<1x64xi32>
    %ne3A_610 = arith.cmpi ne, %sign3A_601, %ne3A_609 : vector<1x64xi32>
    %rem3A_611 = vector.broadcast %jit3A_591 : i32 to vector<1x64xi32>
    %rem3A_612 = arith.remsi %iota3A, %rem3A_611 : vector<1x64xi32>
    %ne3A_613 = arith.constant 0 : i32
    %ne3A_614 = vector.broadcast %ne3A_613 : i32 to vector<1x64xi32>
    %ne3A_615 = arith.cmpi ne, %rem3A_612, %ne3A_614 : vector<1x64xi32>
    %and3A_616 = arith.andi %ne3A_610, %ne3A_615 : vector<1x64xi1>
    %sub3A_617 = arith.constant 1 : i32
    %sub3A_618 = vector.broadcast %sub3A_617 : i32 to vector<1x64xi32>
    %sub3A_619 = arith.subi %div3A_593, %sub3A_618 : vector<1x64xi32>
    %select_n3A_620 = arith.select %and3A_616, %sub3A_619, %div3A_593 : vector<1x64xi1>, vector<1x64xi32>
    %eq3A_621 = arith.constant 0 : i32
    %eq3A_622 = vector.broadcast %eq3A_621 : i32 to vector<1x64xi32>
    %eq3A_623 = arith.cmpi eq, %select_n3A_620, %eq3A_622 : vector<1x64xi32>
    %mul3A_624 = arith.constant 4 : i32
    %mul3A_625 = arith.muli %mul3A_624, %reduce_sum3A_422 : i32
    %jit3A_626 = arith.constant 0 : i32
    %broadcast_in_dim3A_627 = vector.broadcast %mul3A_625 : i32 to vector<1x64xi32>
    %broadcast_in_dim3A_628 = vector.broadcast %jit3A_626 : i32 to vector<1x64xi32>
    %select_n3A_629 = arith.select %eq3A_623, %broadcast_in_dim3A_627, %broadcast_in_dim3A_628 : vector<1x64xi1>, vector<1x64xi32>
    %add3A_630 = arith.addi %select_n3A_590, %select_n3A_629 : vector<1x64xi32>
    %jit3A_631 = arith.constant 4 : i32
    %div3A_632 = vector.broadcast %jit3A_631 : i32 to vector<1x64xi32>
    %div3A_633 = arith.divsi %iota3A, %div3A_632 : vector<1x64xi32>
    %sign3A_634 = arith.constant 0 : i32
    %sign3A_635 = vector.broadcast %sign3A_634 : i32 to vector<1x64xi32>
    %sign3A_636 = arith.cmpi sgt, %iota3A, %sign3A_635 : vector<1x64xi32>
    %sign3A_637 = arith.extui %sign3A_636 : vector<1x64xi1> to vector<1x64xi32>
    %sign3A_638 = arith.constant 0 : i32
    %sign3A_639 = vector.broadcast %sign3A_638 : i32 to vector<1x64xi32>
    %sign3A_640 = arith.cmpi slt, %iota3A, %sign3A_639 : vector<1x64xi32>
    %sign3A_641 = arith.extui %sign3A_640 : vector<1x64xi1> to vector<1x64xi32>
    %sign3A_642 = arith.subi %sign3A_637, %sign3A_641 : vector<1x64xi32>
    %sign3A_643 = arith.constant 0 : i32
    %sign3A_644 = arith.cmpi sgt, %jit3A_631, %sign3A_643 : i32
    %sign3A_645 = arith.extui %sign3A_644 : i1 to i32
    %sign3A_646 = arith.constant 0 : i32
    %sign3A_647 = arith.cmpi slt, %jit3A_631, %sign3A_646 : i32
    %sign3A_648 = arith.extui %sign3A_647 : i1 to i32
    %sign3A_649 = arith.subi %sign3A_645, %sign3A_648 : i32
    %ne3A_650 = vector.broadcast %sign3A_649 : i32 to vector<1x64xi32>
    %ne3A_651 = arith.cmpi ne, %sign3A_642, %ne3A_650 : vector<1x64xi32>
    %rem3A_652 = vector.broadcast %jit3A_631 : i32 to vector<1x64xi32>
    %rem3A_653 = arith.remsi %iota3A, %rem3A_652 : vector<1x64xi32>
    %ne3A_654 = arith.constant 0 : i32
    %ne3A_655 = vector.broadcast %ne3A_654 : i32 to vector<1x64xi32>
    %ne3A_656 = arith.cmpi ne, %rem3A_653, %ne3A_655 : vector<1x64xi32>
    %and3A_657 = arith.andi %ne3A_651, %ne3A_656 : vector<1x64xi1>
    %sub3A_658 = arith.constant 1 : i32
    %sub3A_659 = vector.broadcast %sub3A_658 : i32 to vector<1x64xi32>
    %sub3A_660 = arith.subi %div3A_633, %sub3A_659 : vector<1x64xi32>
    %select_n3A_661 = arith.select %and3A_657, %sub3A_660, %div3A_633 : vector<1x64xi1>, vector<1x64xi32>
    %eq3A_662 = arith.constant 1 : i32
    %eq3A_663 = vector.broadcast %eq3A_662 : i32 to vector<1x64xi32>
    %eq3A_664 = arith.cmpi eq, %select_n3A_661, %eq3A_663 : vector<1x64xi32>
    %mul3A_665 = arith.constant 4 : i32
    %mul3A_666 = arith.muli %mul3A_665, %reduce_sum3A_432 : i32
    %jit3A_667 = arith.constant 0 : i32
    %broadcast_in_dim3A_668 = vector.broadcast %mul3A_666 : i32 to vector<1x64xi32>
    %broadcast_in_dim3A_669 = vector.broadcast %jit3A_667 : i32 to vector<1x64xi32>
    %select_n3A_670 = arith.select %eq3A_664, %broadcast_in_dim3A_668, %broadcast_in_dim3A_669 : vector<1x64xi1>, vector<1x64xi32>
    %add3A_671 = arith.addi %add3A_630, %select_n3A_670 : vector<1x64xi32>
    %jit3A_672 = arith.constant 4 : i32
    %div3A_673 = vector.broadcast %jit3A_672 : i32 to vector<1x64xi32>
    %div3A_674 = arith.divsi %iota3A, %div3A_673 : vector<1x64xi32>
    %sign3A_675 = arith.constant 0 : i32
    %sign3A_676 = vector.broadcast %sign3A_675 : i32 to vector<1x64xi32>
    %sign3A_677 = arith.cmpi sgt, %iota3A, %sign3A_676 : vector<1x64xi32>
    %sign3A_678 = arith.extui %sign3A_677 : vector<1x64xi1> to vector<1x64xi32>
    %sign3A_679 = arith.constant 0 : i32
    %sign3A_680 = vector.broadcast %sign3A_679 : i32 to vector<1x64xi32>
    %sign3A_681 = arith.cmpi slt, %iota3A, %sign3A_680 : vector<1x64xi32>
    %sign3A_682 = arith.extui %sign3A_681 : vector<1x64xi1> to vector<1x64xi32>
    %sign3A_683 = arith.subi %sign3A_678, %sign3A_682 : vector<1x64xi32>
    %sign3A_684 = arith.constant 0 : i32
    %sign3A_685 = arith.cmpi sgt, %jit3A_672, %sign3A_684 : i32
    %sign3A_686 = arith.extui %sign3A_685 : i1 to i32
    %sign3A_687 = arith.constant 0 : i32
    %sign3A_688 = arith.cmpi slt, %jit3A_672, %sign3A_687 : i32
    %sign3A_689 = arith.extui %sign3A_688 : i1 to i32
    %sign3A_690 = arith.subi %sign3A_686, %sign3A_689 : i32
    %ne3A_691 = vector.broadcast %sign3A_690 : i32 to vector<1x64xi32>
    %ne3A_692 = arith.cmpi ne, %sign3A_683, %ne3A_691 : vector<1x64xi32>
    %rem3A_693 = vector.broadcast %jit3A_672 : i32 to vector<1x64xi32>
    %rem3A_694 = arith.remsi %iota3A, %rem3A_693 : vector<1x64xi32>
    %ne3A_695 = arith.constant 0 : i32
    %ne3A_696 = vector.broadcast %ne3A_695 : i32 to vector<1x64xi32>
    %ne3A_697 = arith.cmpi ne, %rem3A_694, %ne3A_696 : vector<1x64xi32>
    %and3A_698 = arith.andi %ne3A_692, %ne3A_697 : vector<1x64xi1>
    %sub3A_699 = arith.constant 1 : i32
    %sub3A_700 = vector.broadcast %sub3A_699 : i32 to vector<1x64xi32>
    %sub3A_701 = arith.subi %div3A_674, %sub3A_700 : vector<1x64xi32>
    %select_n3A_702 = arith.select %and3A_698, %sub3A_701, %div3A_674 : vector<1x64xi1>, vector<1x64xi32>
    %eq3A_703 = arith.constant 2 : i32
    %eq3A_704 = vector.broadcast %eq3A_703 : i32 to vector<1x64xi32>
    %eq3A_705 = arith.cmpi eq, %select_n3A_702, %eq3A_704 : vector<1x64xi32>
    %mul3A_706 = arith.constant 4 : i32
    %mul3A_707 = arith.muli %mul3A_706, %reduce_sum3A_442 : i32
    %jit3A_708 = arith.constant 0 : i32
    %broadcast_in_dim3A_709 = vector.broadcast %mul3A_707 : i32 to vector<1x64xi32>
    %broadcast_in_dim3A_710 = vector.broadcast %jit3A_708 : i32 to vector<1x64xi32>
    %select_n3A_711 = arith.select %eq3A_705, %broadcast_in_dim3A_709, %broadcast_in_dim3A_710 : vector<1x64xi1>, vector<1x64xi32>
    %add3A_712 = arith.addi %add3A_671, %select_n3A_711 : vector<1x64xi32>
    %jit3A_713 = arith.constant 4 : i32
    %div3A_714 = vector.broadcast %jit3A_713 : i32 to vector<1x64xi32>
    %div3A_715 = arith.divsi %iota3A, %div3A_714 : vector<1x64xi32>
    %sign3A_716 = arith.constant 0 : i32
    %sign3A_717 = vector.broadcast %sign3A_716 : i32 to vector<1x64xi32>
    %sign3A_718 = arith.cmpi sgt, %iota3A, %sign3A_717 : vector<1x64xi32>
    %sign3A_719 = arith.extui %sign3A_718 : vector<1x64xi1> to vector<1x64xi32>
    %sign3A_720 = arith.constant 0 : i32
    %sign3A_721 = vector.broadcast %sign3A_720 : i32 to vector<1x64xi32>
    %sign3A_722 = arith.cmpi slt, %iota3A, %sign3A_721 : vector<1x64xi32>
    %sign3A_723 = arith.extui %sign3A_722 : vector<1x64xi1> to vector<1x64xi32>
    %sign3A_724 = arith.subi %sign3A_719, %sign3A_723 : vector<1x64xi32>
    %sign3A_725 = arith.constant 0 : i32
    %sign3A_726 = arith.cmpi sgt, %jit3A_713, %sign3A_725 : i32
    %sign3A_727 = arith.extui %sign3A_726 : i1 to i32
    %sign3A_728 = arith.constant 0 : i32
    %sign3A_729 = arith.cmpi slt, %jit3A_713, %sign3A_728 : i32
    %sign3A_730 = arith.extui %sign3A_729 : i1 to i32
    %sign3A_731 = arith.subi %sign3A_727, %sign3A_730 : i32
    %ne3A_732 = vector.broadcast %sign3A_731 : i32 to vector<1x64xi32>
    %ne3A_733 = arith.cmpi ne, %sign3A_724, %ne3A_732 : vector<1x64xi32>
    %rem3A_734 = vector.broadcast %jit3A_713 : i32 to vector<1x64xi32>
    %rem3A_735 = arith.remsi %iota3A, %rem3A_734 : vector<1x64xi32>
    %ne3A_736 = arith.constant 0 : i32
    %ne3A_737 = vector.broadcast %ne3A_736 : i32 to vector<1x64xi32>
    %ne3A_738 = arith.cmpi ne, %rem3A_735, %ne3A_737 : vector<1x64xi32>
    %and3A_739 = arith.andi %ne3A_733, %ne3A_738 : vector<1x64xi1>
    %sub3A_740 = arith.constant 1 : i32
    %sub3A_741 = vector.broadcast %sub3A_740 : i32 to vector<1x64xi32>
    %sub3A_742 = arith.subi %div3A_715, %sub3A_741 : vector<1x64xi32>
    %select_n3A_743 = arith.select %and3A_739, %sub3A_742, %div3A_715 : vector<1x64xi1>, vector<1x64xi32>
    %eq3A_744 = arith.constant 3 : i32
    %eq3A_745 = vector.broadcast %eq3A_744 : i32 to vector<1x64xi32>
    %eq3A_746 = arith.cmpi eq, %select_n3A_743, %eq3A_745 : vector<1x64xi32>
    %mul3A_747 = arith.constant 4 : i32
    %mul3A_748 = arith.muli %mul3A_747, %reduce_sum3A_452 : i32
    %jit3A_749 = arith.constant 0 : i32
    %broadcast_in_dim3A_750 = vector.broadcast %mul3A_748 : i32 to vector<1x64xi32>
    %broadcast_in_dim3A_751 = vector.broadcast %jit3A_749 : i32 to vector<1x64xi32>
    %select_n3A_752 = arith.select %eq3A_746, %broadcast_in_dim3A_750, %broadcast_in_dim3A_751 : vector<1x64xi1>, vector<1x64xi32>
    %add3A_753 = arith.addi %add3A_712, %select_n3A_752 : vector<1x64xi32>
    %jit3A_754 = arith.constant 4 : i32
    %div3A_755 = vector.broadcast %jit3A_754 : i32 to vector<1x64xi32>
    %div3A_756 = arith.divsi %iota3A, %div3A_755 : vector<1x64xi32>
    %sign3A_757 = arith.constant 0 : i32
    %sign3A_758 = vector.broadcast %sign3A_757 : i32 to vector<1x64xi32>
    %sign3A_759 = arith.cmpi sgt, %iota3A, %sign3A_758 : vector<1x64xi32>
    %sign3A_760 = arith.extui %sign3A_759 : vector<1x64xi1> to vector<1x64xi32>
    %sign3A_761 = arith.constant 0 : i32
    %sign3A_762 = vector.broadcast %sign3A_761 : i32 to vector<1x64xi32>
    %sign3A_763 = arith.cmpi slt, %iota3A, %sign3A_762 : vector<1x64xi32>
    %sign3A_764 = arith.extui %sign3A_763 : vector<1x64xi1> to vector<1x64xi32>
    %sign3A_765 = arith.subi %sign3A_760, %sign3A_764 : vector<1x64xi32>
    %sign3A_766 = arith.constant 0 : i32
    %sign3A_767 = arith.cmpi sgt, %jit3A_754, %sign3A_766 : i32
    %sign3A_768 = arith.extui %sign3A_767 : i1 to i32
    %sign3A_769 = arith.constant 0 : i32
    %sign3A_770 = arith.cmpi slt, %jit3A_754, %sign3A_769 : i32
    %sign3A_771 = arith.extui %sign3A_770 : i1 to i32
    %sign3A_772 = arith.subi %sign3A_768, %sign3A_771 : i32
    %ne3A_773 = vector.broadcast %sign3A_772 : i32 to vector<1x64xi32>
    %ne3A_774 = arith.cmpi ne, %sign3A_765, %ne3A_773 : vector<1x64xi32>
    %rem3A_775 = vector.broadcast %jit3A_754 : i32 to vector<1x64xi32>
    %rem3A_776 = arith.remsi %iota3A, %rem3A_775 : vector<1x64xi32>
    %ne3A_777 = arith.constant 0 : i32
    %ne3A_778 = vector.broadcast %ne3A_777 : i32 to vector<1x64xi32>
    %ne3A_779 = arith.cmpi ne, %rem3A_776, %ne3A_778 : vector<1x64xi32>
    %and3A_780 = arith.andi %ne3A_774, %ne3A_779 : vector<1x64xi1>
    %sub3A_781 = arith.constant 1 : i32
    %sub3A_782 = vector.broadcast %sub3A_781 : i32 to vector<1x64xi32>
    %sub3A_783 = arith.subi %div3A_756, %sub3A_782 : vector<1x64xi32>
    %select_n3A_784 = arith.select %and3A_780, %sub3A_783, %div3A_756 : vector<1x64xi1>, vector<1x64xi32>
    %eq3A_785 = arith.constant 4 : i32
    %eq3A_786 = vector.broadcast %eq3A_785 : i32 to vector<1x64xi32>
    %eq3A_787 = arith.cmpi eq, %select_n3A_784, %eq3A_786 : vector<1x64xi32>
    %mul3A_788 = arith.constant 4 : i32
    %mul3A_789 = arith.muli %mul3A_788, %reduce_sum3A_462 : i32
    %jit3A_790 = arith.constant 0 : i32
    %broadcast_in_dim3A_791 = vector.broadcast %mul3A_789 : i32 to vector<1x64xi32>
    %broadcast_in_dim3A_792 = vector.broadcast %jit3A_790 : i32 to vector<1x64xi32>
    %select_n3A_793 = arith.select %eq3A_787, %broadcast_in_dim3A_791, %broadcast_in_dim3A_792 : vector<1x64xi1>, vector<1x64xi32>
    %add3A_794 = arith.addi %add3A_753, %select_n3A_793 : vector<1x64xi32>
    %jit3A_795 = arith.constant 4 : i32
    %div3A_796 = vector.broadcast %jit3A_795 : i32 to vector<1x64xi32>
    %div3A_797 = arith.divsi %iota3A, %div3A_796 : vector<1x64xi32>
    %sign3A_798 = arith.constant 0 : i32
    %sign3A_799 = vector.broadcast %sign3A_798 : i32 to vector<1x64xi32>
    %sign3A_800 = arith.cmpi sgt, %iota3A, %sign3A_799 : vector<1x64xi32>
    %sign3A_801 = arith.extui %sign3A_800 : vector<1x64xi1> to vector<1x64xi32>
    %sign3A_802 = arith.constant 0 : i32
    %sign3A_803 = vector.broadcast %sign3A_802 : i32 to vector<1x64xi32>
    %sign3A_804 = arith.cmpi slt, %iota3A, %sign3A_803 : vector<1x64xi32>
    %sign3A_805 = arith.extui %sign3A_804 : vector<1x64xi1> to vector<1x64xi32>
    %sign3A_806 = arith.subi %sign3A_801, %sign3A_805 : vector<1x64xi32>
    %sign3A_807 = arith.constant 0 : i32
    %sign3A_808 = arith.cmpi sgt, %jit3A_795, %sign3A_807 : i32
    %sign3A_809 = arith.extui %sign3A_808 : i1 to i32
    %sign3A_810 = arith.constant 0 : i32
    %sign3A_811 = arith.cmpi slt, %jit3A_795, %sign3A_810 : i32
    %sign3A_812 = arith.extui %sign3A_811 : i1 to i32
    %sign3A_813 = arith.subi %sign3A_809, %sign3A_812 : i32
    %ne3A_814 = vector.broadcast %sign3A_813 : i32 to vector<1x64xi32>
    %ne3A_815 = arith.cmpi ne, %sign3A_806, %ne3A_814 : vector<1x64xi32>
    %rem3A_816 = vector.broadcast %jit3A_795 : i32 to vector<1x64xi32>
    %rem3A_817 = arith.remsi %iota3A, %rem3A_816 : vector<1x64xi32>
    %ne3A_818 = arith.constant 0 : i32
    %ne3A_819 = vector.broadcast %ne3A_818 : i32 to vector<1x64xi32>
    %ne3A_820 = arith.cmpi ne, %rem3A_817, %ne3A_819 : vector<1x64xi32>
    %and3A_821 = arith.andi %ne3A_815, %ne3A_820 : vector<1x64xi1>
    %sub3A_822 = arith.constant 1 : i32
    %sub3A_823 = vector.broadcast %sub3A_822 : i32 to vector<1x64xi32>
    %sub3A_824 = arith.subi %div3A_797, %sub3A_823 : vector<1x64xi32>
    %select_n3A_825 = arith.select %and3A_821, %sub3A_824, %div3A_797 : vector<1x64xi1>, vector<1x64xi32>
    %eq3A_826 = arith.constant 5 : i32
    %eq3A_827 = vector.broadcast %eq3A_826 : i32 to vector<1x64xi32>
    %eq3A_828 = arith.cmpi eq, %select_n3A_825, %eq3A_827 : vector<1x64xi32>
    %mul3A_829 = arith.constant 4 : i32
    %mul3A_830 = arith.muli %mul3A_829, %reduce_sum3A_472 : i32
    %jit3A_831 = arith.constant 0 : i32
    %broadcast_in_dim3A_832 = vector.broadcast %mul3A_830 : i32 to vector<1x64xi32>
    %broadcast_in_dim3A_833 = vector.broadcast %jit3A_831 : i32 to vector<1x64xi32>
    %select_n3A_834 = arith.select %eq3A_828, %broadcast_in_dim3A_832, %broadcast_in_dim3A_833 : vector<1x64xi1>, vector<1x64xi32>
    %add3A_835 = arith.addi %add3A_794, %select_n3A_834 : vector<1x64xi32>
    %jit3A_836 = arith.constant 4 : i32
    %div3A_837 = vector.broadcast %jit3A_836 : i32 to vector<1x64xi32>
    %div3A_838 = arith.divsi %iota3A, %div3A_837 : vector<1x64xi32>
    %sign3A_839 = arith.constant 0 : i32
    %sign3A_840 = vector.broadcast %sign3A_839 : i32 to vector<1x64xi32>
    %sign3A_841 = arith.cmpi sgt, %iota3A, %sign3A_840 : vector<1x64xi32>
    %sign3A_842 = arith.extui %sign3A_841 : vector<1x64xi1> to vector<1x64xi32>
    %sign3A_843 = arith.constant 0 : i32
    %sign3A_844 = vector.broadcast %sign3A_843 : i32 to vector<1x64xi32>
    %sign3A_845 = arith.cmpi slt, %iota3A, %sign3A_844 : vector<1x64xi32>
    %sign3A_846 = arith.extui %sign3A_845 : vector<1x64xi1> to vector<1x64xi32>
    %sign3A_847 = arith.subi %sign3A_842, %sign3A_846 : vector<1x64xi32>
    %sign3A_848 = arith.constant 0 : i32
    %sign3A_849 = arith.cmpi sgt, %jit3A_836, %sign3A_848 : i32
    %sign3A_850 = arith.extui %sign3A_849 : i1 to i32
    %sign3A_851 = arith.constant 0 : i32
    %sign3A_852 = arith.cmpi slt, %jit3A_836, %sign3A_851 : i32
    %sign3A_853 = arith.extui %sign3A_852 : i1 to i32
    %sign3A_854 = arith.subi %sign3A_850, %sign3A_853 : i32
    %ne3A_855 = vector.broadcast %sign3A_854 : i32 to vector<1x64xi32>
    %ne3A_856 = arith.cmpi ne, %sign3A_847, %ne3A_855 : vector<1x64xi32>
    %rem3A_857 = vector.broadcast %jit3A_836 : i32 to vector<1x64xi32>
    %rem3A_858 = arith.remsi %iota3A, %rem3A_857 : vector<1x64xi32>
    %ne3A_859 = arith.constant 0 : i32
    %ne3A_860 = vector.broadcast %ne3A_859 : i32 to vector<1x64xi32>
    %ne3A_861 = arith.cmpi ne, %rem3A_858, %ne3A_860 : vector<1x64xi32>
    %and3A_862 = arith.andi %ne3A_856, %ne3A_861 : vector<1x64xi1>
    %sub3A_863 = arith.constant 1 : i32
    %sub3A_864 = vector.broadcast %sub3A_863 : i32 to vector<1x64xi32>
    %sub3A_865 = arith.subi %div3A_838, %sub3A_864 : vector<1x64xi32>
    %select_n3A_866 = arith.select %and3A_862, %sub3A_865, %div3A_838 : vector<1x64xi1>, vector<1x64xi32>
    %eq3A_867 = arith.constant 6 : i32
    %eq3A_868 = vector.broadcast %eq3A_867 : i32 to vector<1x64xi32>
    %eq3A_869 = arith.cmpi eq, %select_n3A_866, %eq3A_868 : vector<1x64xi32>
    %mul3A_870 = arith.constant 4 : i32
    %mul3A_871 = arith.muli %mul3A_870, %reduce_sum3A_482 : i32
    %jit3A_872 = arith.constant 0 : i32
    %broadcast_in_dim3A_873 = vector.broadcast %mul3A_871 : i32 to vector<1x64xi32>
    %broadcast_in_dim3A_874 = vector.broadcast %jit3A_872 : i32 to vector<1x64xi32>
    %select_n3A_875 = arith.select %eq3A_869, %broadcast_in_dim3A_873, %broadcast_in_dim3A_874 : vector<1x64xi1>, vector<1x64xi32>
    %add3A_876 = arith.addi %add3A_835, %select_n3A_875 : vector<1x64xi32>
    %jit3A_877 = arith.constant 4 : i32
    %div3A_878 = vector.broadcast %jit3A_877 : i32 to vector<1x64xi32>
    %div3A_879 = arith.divsi %iota3A, %div3A_878 : vector<1x64xi32>
    %sign3A_880 = arith.constant 0 : i32
    %sign3A_881 = vector.broadcast %sign3A_880 : i32 to vector<1x64xi32>
    %sign3A_882 = arith.cmpi sgt, %iota3A, %sign3A_881 : vector<1x64xi32>
    %sign3A_883 = arith.extui %sign3A_882 : vector<1x64xi1> to vector<1x64xi32>
    %sign3A_884 = arith.constant 0 : i32
    %sign3A_885 = vector.broadcast %sign3A_884 : i32 to vector<1x64xi32>
    %sign3A_886 = arith.cmpi slt, %iota3A, %sign3A_885 : vector<1x64xi32>
    %sign3A_887 = arith.extui %sign3A_886 : vector<1x64xi1> to vector<1x64xi32>
    %sign3A_888 = arith.subi %sign3A_883, %sign3A_887 : vector<1x64xi32>
    %sign3A_889 = arith.constant 0 : i32
    %sign3A_890 = arith.cmpi sgt, %jit3A_877, %sign3A_889 : i32
    %sign3A_891 = arith.extui %sign3A_890 : i1 to i32
    %sign3A_892 = arith.constant 0 : i32
    %sign3A_893 = arith.cmpi slt, %jit3A_877, %sign3A_892 : i32
    %sign3A_894 = arith.extui %sign3A_893 : i1 to i32
    %sign3A_895 = arith.subi %sign3A_891, %sign3A_894 : i32
    %ne3A_896 = vector.broadcast %sign3A_895 : i32 to vector<1x64xi32>
    %ne3A_897 = arith.cmpi ne, %sign3A_888, %ne3A_896 : vector<1x64xi32>
    %rem3A_898 = vector.broadcast %jit3A_877 : i32 to vector<1x64xi32>
    %rem3A_899 = arith.remsi %iota3A, %rem3A_898 : vector<1x64xi32>
    %ne3A_900 = arith.constant 0 : i32
    %ne3A_901 = vector.broadcast %ne3A_900 : i32 to vector<1x64xi32>
    %ne3A_902 = arith.cmpi ne, %rem3A_899, %ne3A_901 : vector<1x64xi32>
    %and3A_903 = arith.andi %ne3A_897, %ne3A_902 : vector<1x64xi1>
    %sub3A_904 = arith.constant 1 : i32
    %sub3A_905 = vector.broadcast %sub3A_904 : i32 to vector<1x64xi32>
    %sub3A_906 = arith.subi %div3A_879, %sub3A_905 : vector<1x64xi32>
    %select_n3A_907 = arith.select %and3A_903, %sub3A_906, %div3A_879 : vector<1x64xi1>, vector<1x64xi32>
    %eq3A_908 = arith.constant 7 : i32
    %eq3A_909 = vector.broadcast %eq3A_908 : i32 to vector<1x64xi32>
    %eq3A_910 = arith.cmpi eq, %select_n3A_907, %eq3A_909 : vector<1x64xi32>
    %mul3A_911 = arith.constant 4 : i32
    %mul3A_912 = arith.muli %mul3A_911, %reduce_sum3A_492 : i32
    %jit3A_913 = arith.constant 0 : i32
    %broadcast_in_dim3A_914 = vector.broadcast %mul3A_912 : i32 to vector<1x64xi32>
    %broadcast_in_dim3A_915 = vector.broadcast %jit3A_913 : i32 to vector<1x64xi32>
    %select_n3A_916 = arith.select %eq3A_910, %broadcast_in_dim3A_914, %broadcast_in_dim3A_915 : vector<1x64xi1>, vector<1x64xi32>
    %add3A_917 = arith.addi %add3A_876, %select_n3A_916 : vector<1x64xi32>
    %jit3A_918 = arith.constant 4 : i32
    %div3A_919 = vector.broadcast %jit3A_918 : i32 to vector<1x64xi32>
    %div3A_920 = arith.divsi %iota3A, %div3A_919 : vector<1x64xi32>
    %sign3A_921 = arith.constant 0 : i32
    %sign3A_922 = vector.broadcast %sign3A_921 : i32 to vector<1x64xi32>
    %sign3A_923 = arith.cmpi sgt, %iota3A, %sign3A_922 : vector<1x64xi32>
    %sign3A_924 = arith.extui %sign3A_923 : vector<1x64xi1> to vector<1x64xi32>
    %sign3A_925 = arith.constant 0 : i32
    %sign3A_926 = vector.broadcast %sign3A_925 : i32 to vector<1x64xi32>
    %sign3A_927 = arith.cmpi slt, %iota3A, %sign3A_926 : vector<1x64xi32>
    %sign3A_928 = arith.extui %sign3A_927 : vector<1x64xi1> to vector<1x64xi32>
    %sign3A_929 = arith.subi %sign3A_924, %sign3A_928 : vector<1x64xi32>
    %sign3A_930 = arith.constant 0 : i32
    %sign3A_931 = arith.cmpi sgt, %jit3A_918, %sign3A_930 : i32
    %sign3A_932 = arith.extui %sign3A_931 : i1 to i32
    %sign3A_933 = arith.constant 0 : i32
    %sign3A_934 = arith.cmpi slt, %jit3A_918, %sign3A_933 : i32
    %sign3A_935 = arith.extui %sign3A_934 : i1 to i32
    %sign3A_936 = arith.subi %sign3A_932, %sign3A_935 : i32
    %ne3A_937 = vector.broadcast %sign3A_936 : i32 to vector<1x64xi32>
    %ne3A_938 = arith.cmpi ne, %sign3A_929, %ne3A_937 : vector<1x64xi32>
    %rem3A_939 = vector.broadcast %jit3A_918 : i32 to vector<1x64xi32>
    %rem3A_940 = arith.remsi %iota3A, %rem3A_939 : vector<1x64xi32>
    %ne3A_941 = arith.constant 0 : i32
    %ne3A_942 = vector.broadcast %ne3A_941 : i32 to vector<1x64xi32>
    %ne3A_943 = arith.cmpi ne, %rem3A_940, %ne3A_942 : vector<1x64xi32>
    %and3A_944 = arith.andi %ne3A_938, %ne3A_943 : vector<1x64xi1>
    %sub3A_945 = arith.constant 1 : i32
    %sub3A_946 = vector.broadcast %sub3A_945 : i32 to vector<1x64xi32>
    %sub3A_947 = arith.subi %div3A_920, %sub3A_946 : vector<1x64xi32>
    %select_n3A_948 = arith.select %and3A_944, %sub3A_947, %div3A_920 : vector<1x64xi1>, vector<1x64xi32>
    %eq3A_949 = arith.constant 8 : i32
    %eq3A_950 = vector.broadcast %eq3A_949 : i32 to vector<1x64xi32>
    %eq3A_951 = arith.cmpi eq, %select_n3A_948, %eq3A_950 : vector<1x64xi32>
    %mul3A_952 = arith.constant 4 : i32
    %mul3A_953 = arith.muli %mul3A_952, %reduce_sum3A_502 : i32
    %jit3A_954 = arith.constant 0 : i32
    %broadcast_in_dim3A_955 = vector.broadcast %mul3A_953 : i32 to vector<1x64xi32>
    %broadcast_in_dim3A_956 = vector.broadcast %jit3A_954 : i32 to vector<1x64xi32>
    %select_n3A_957 = arith.select %eq3A_951, %broadcast_in_dim3A_955, %broadcast_in_dim3A_956 : vector<1x64xi1>, vector<1x64xi32>
    %add3A_958 = arith.addi %add3A_917, %select_n3A_957 : vector<1x64xi32>
    %jit3A_959 = arith.constant 4 : i32
    %div3A_960 = vector.broadcast %jit3A_959 : i32 to vector<1x64xi32>
    %div3A_961 = arith.divsi %iota3A, %div3A_960 : vector<1x64xi32>
    %sign3A_962 = arith.constant 0 : i32
    %sign3A_963 = vector.broadcast %sign3A_962 : i32 to vector<1x64xi32>
    %sign3A_964 = arith.cmpi sgt, %iota3A, %sign3A_963 : vector<1x64xi32>
    %sign3A_965 = arith.extui %sign3A_964 : vector<1x64xi1> to vector<1x64xi32>
    %sign3A_966 = arith.constant 0 : i32
    %sign3A_967 = vector.broadcast %sign3A_966 : i32 to vector<1x64xi32>
    %sign3A_968 = arith.cmpi slt, %iota3A, %sign3A_967 : vector<1x64xi32>
    %sign3A_969 = arith.extui %sign3A_968 : vector<1x64xi1> to vector<1x64xi32>
    %sign3A_970 = arith.subi %sign3A_965, %sign3A_969 : vector<1x64xi32>
    %sign3A_971 = arith.constant 0 : i32
    %sign3A_972 = arith.cmpi sgt, %jit3A_959, %sign3A_971 : i32
    %sign3A_973 = arith.extui %sign3A_972 : i1 to i32
    %sign3A_974 = arith.constant 0 : i32
    %sign3A_975 = arith.cmpi slt, %jit3A_959, %sign3A_974 : i32
    %sign3A_976 = arith.extui %sign3A_975 : i1 to i32
    %sign3A_977 = arith.subi %sign3A_973, %sign3A_976 : i32
    %ne3A_978 = vector.broadcast %sign3A_977 : i32 to vector<1x64xi32>
    %ne3A_979 = arith.cmpi ne, %sign3A_970, %ne3A_978 : vector<1x64xi32>
    %rem3A_980 = vector.broadcast %jit3A_959 : i32 to vector<1x64xi32>
    %rem3A_981 = arith.remsi %iota3A, %rem3A_980 : vector<1x64xi32>
    %ne3A_982 = arith.constant 0 : i32
    %ne3A_983 = vector.broadcast %ne3A_982 : i32 to vector<1x64xi32>
    %ne3A_984 = arith.cmpi ne, %rem3A_981, %ne3A_983 : vector<1x64xi32>
    %and3A_985 = arith.andi %ne3A_979, %ne3A_984 : vector<1x64xi1>
    %sub3A_986 = arith.constant 1 : i32
    %sub3A_987 = vector.broadcast %sub3A_986 : i32 to vector<1x64xi32>
    %sub3A_988 = arith.subi %div3A_961, %sub3A_987 : vector<1x64xi32>
    %select_n3A_989 = arith.select %and3A_985, %sub3A_988, %div3A_961 : vector<1x64xi1>, vector<1x64xi32>
    %eq3A_990 = arith.constant 9 : i32
    %eq3A_991 = vector.broadcast %eq3A_990 : i32 to vector<1x64xi32>
    %eq3A_992 = arith.cmpi eq, %select_n3A_989, %eq3A_991 : vector<1x64xi32>
    %mul3A_993 = arith.constant 4 : i32
    %mul3A_994 = arith.muli %mul3A_993, %reduce_sum3A_512 : i32
    %jit3A_995 = arith.constant 0 : i32
    %broadcast_in_dim3A_996 = vector.broadcast %mul3A_994 : i32 to vector<1x64xi32>
    %broadcast_in_dim3A_997 = vector.broadcast %jit3A_995 : i32 to vector<1x64xi32>
    %select_n3A_998 = arith.select %eq3A_992, %broadcast_in_dim3A_996, %broadcast_in_dim3A_997 : vector<1x64xi1>, vector<1x64xi32>
    %add3A_999 = arith.addi %add3A_958, %select_n3A_998 : vector<1x64xi32>
    %jit3A_1000 = arith.constant 4 : i32
    %div3A_1001 = vector.broadcast %jit3A_1000 : i32 to vector<1x64xi32>
    %div3A_1002 = arith.divsi %iota3A, %div3A_1001 : vector<1x64xi32>
    %sign3A_1003 = arith.constant 0 : i32
    %sign3A_1004 = vector.broadcast %sign3A_1003 : i32 to vector<1x64xi32>
    %sign3A_1005 = arith.cmpi sgt, %iota3A, %sign3A_1004 : vector<1x64xi32>
    %sign3A_1006 = arith.extui %sign3A_1005 : vector<1x64xi1> to vector<1x64xi32>
    %sign3A_1007 = arith.constant 0 : i32
    %sign3A_1008 = vector.broadcast %sign3A_1007 : i32 to vector<1x64xi32>
    %sign3A_1009 = arith.cmpi slt, %iota3A, %sign3A_1008 : vector<1x64xi32>
    %sign3A_1010 = arith.extui %sign3A_1009 : vector<1x64xi1> to vector<1x64xi32>
    %sign3A_1011 = arith.subi %sign3A_1006, %sign3A_1010 : vector<1x64xi32>
    %sign3A_1012 = arith.constant 0 : i32
    %sign3A_1013 = arith.cmpi sgt, %jit3A_1000, %sign3A_1012 : i32
    %sign3A_1014 = arith.extui %sign3A_1013 : i1 to i32
    %sign3A_1015 = arith.constant 0 : i32
    %sign3A_1016 = arith.cmpi slt, %jit3A_1000, %sign3A_1015 : i32
    %sign3A_1017 = arith.extui %sign3A_1016 : i1 to i32
    %sign3A_1018 = arith.subi %sign3A_1014, %sign3A_1017 : i32
    %ne3A_1019 = vector.broadcast %sign3A_1018 : i32 to vector<1x64xi32>
    %ne3A_1020 = arith.cmpi ne, %sign3A_1011, %ne3A_1019 : vector<1x64xi32>
    %rem3A_1021 = vector.broadcast %jit3A_1000 : i32 to vector<1x64xi32>
    %rem3A_1022 = arith.remsi %iota3A, %rem3A_1021 : vector<1x64xi32>
    %ne3A_1023 = arith.constant 0 : i32
    %ne3A_1024 = vector.broadcast %ne3A_1023 : i32 to vector<1x64xi32>
    %ne3A_1025 = arith.cmpi ne, %rem3A_1022, %ne3A_1024 : vector<1x64xi32>
    %and3A_1026 = arith.andi %ne3A_1020, %ne3A_1025 : vector<1x64xi1>
    %sub3A_1027 = arith.constant 1 : i32
    %sub3A_1028 = vector.broadcast %sub3A_1027 : i32 to vector<1x64xi32>
    %sub3A_1029 = arith.subi %div3A_1002, %sub3A_1028 : vector<1x64xi32>
    %select_n3A_1030 = arith.select %and3A_1026, %sub3A_1029, %div3A_1002 : vector<1x64xi1>, vector<1x64xi32>
    %eq3A_1031 = arith.constant 10 : i32
    %eq3A_1032 = vector.broadcast %eq3A_1031 : i32 to vector<1x64xi32>
    %eq3A_1033 = arith.cmpi eq, %select_n3A_1030, %eq3A_1032 : vector<1x64xi32>
    %mul3A_1034 = arith.constant 4 : i32
    %mul3A_1035 = arith.muli %mul3A_1034, %reduce_sum3A_522 : i32
    %jit3A_1036 = arith.constant 0 : i32
    %broadcast_in_dim3A_1037 = vector.broadcast %mul3A_1035 : i32 to vector<1x64xi32>
    %broadcast_in_dim3A_1038 = vector.broadcast %jit3A_1036 : i32 to vector<1x64xi32>
    %select_n3A_1039 = arith.select %eq3A_1033, %broadcast_in_dim3A_1037, %broadcast_in_dim3A_1038 : vector<1x64xi1>, vector<1x64xi32>
    %add3A_1040 = arith.addi %add3A_999, %select_n3A_1039 : vector<1x64xi32>
    %jit3A_1041 = arith.constant 4 : i32
    %div3A_1042 = vector.broadcast %jit3A_1041 : i32 to vector<1x64xi32>
    %div3A_1043 = arith.divsi %iota3A, %div3A_1042 : vector<1x64xi32>
    %sign3A_1044 = arith.constant 0 : i32
    %sign3A_1045 = vector.broadcast %sign3A_1044 : i32 to vector<1x64xi32>
    %sign3A_1046 = arith.cmpi sgt, %iota3A, %sign3A_1045 : vector<1x64xi32>
    %sign3A_1047 = arith.extui %sign3A_1046 : vector<1x64xi1> to vector<1x64xi32>
    %sign3A_1048 = arith.constant 0 : i32
    %sign3A_1049 = vector.broadcast %sign3A_1048 : i32 to vector<1x64xi32>
    %sign3A_1050 = arith.cmpi slt, %iota3A, %sign3A_1049 : vector<1x64xi32>
    %sign3A_1051 = arith.extui %sign3A_1050 : vector<1x64xi1> to vector<1x64xi32>
    %sign3A_1052 = arith.subi %sign3A_1047, %sign3A_1051 : vector<1x64xi32>
    %sign3A_1053 = arith.constant 0 : i32
    %sign3A_1054 = arith.cmpi sgt, %jit3A_1041, %sign3A_1053 : i32
    %sign3A_1055 = arith.extui %sign3A_1054 : i1 to i32
    %sign3A_1056 = arith.constant 0 : i32
    %sign3A_1057 = arith.cmpi slt, %jit3A_1041, %sign3A_1056 : i32
    %sign3A_1058 = arith.extui %sign3A_1057 : i1 to i32
    %sign3A_1059 = arith.subi %sign3A_1055, %sign3A_1058 : i32
    %ne3A_1060 = vector.broadcast %sign3A_1059 : i32 to vector<1x64xi32>
    %ne3A_1061 = arith.cmpi ne, %sign3A_1052, %ne3A_1060 : vector<1x64xi32>
    %rem3A_1062 = vector.broadcast %jit3A_1041 : i32 to vector<1x64xi32>
    %rem3A_1063 = arith.remsi %iota3A, %rem3A_1062 : vector<1x64xi32>
    %ne3A_1064 = arith.constant 0 : i32
    %ne3A_1065 = vector.broadcast %ne3A_1064 : i32 to vector<1x64xi32>
    %ne3A_1066 = arith.cmpi ne, %rem3A_1063, %ne3A_1065 : vector<1x64xi32>
    %and3A_1067 = arith.andi %ne3A_1061, %ne3A_1066 : vector<1x64xi1>
    %sub3A_1068 = arith.constant 1 : i32
    %sub3A_1069 = vector.broadcast %sub3A_1068 : i32 to vector<1x64xi32>
    %sub3A_1070 = arith.subi %div3A_1043, %sub3A_1069 : vector<1x64xi32>
    %select_n3A_1071 = arith.select %and3A_1067, %sub3A_1070, %div3A_1043 : vector<1x64xi1>, vector<1x64xi32>
    %eq3A_1072 = arith.constant 11 : i32
    %eq3A_1073 = vector.broadcast %eq3A_1072 : i32 to vector<1x64xi32>
    %eq3A_1074 = arith.cmpi eq, %select_n3A_1071, %eq3A_1073 : vector<1x64xi32>
    %mul3A_1075 = arith.constant 4 : i32
    %mul3A_1076 = arith.muli %mul3A_1075, %reduce_sum3A_532 : i32
    %jit3A_1077 = arith.constant 0 : i32
    %broadcast_in_dim3A_1078 = vector.broadcast %mul3A_1076 : i32 to vector<1x64xi32>
    %broadcast_in_dim3A_1079 = vector.broadcast %jit3A_1077 : i32 to vector<1x64xi32>
    %select_n3A_1080 = arith.select %eq3A_1074, %broadcast_in_dim3A_1078, %broadcast_in_dim3A_1079 : vector<1x64xi1>, vector<1x64xi32>
    %add3A_1081 = arith.addi %add3A_1040, %select_n3A_1080 : vector<1x64xi32>
    %jit3A_1082 = arith.constant 4 : i32
    %div3A_1083 = vector.broadcast %jit3A_1082 : i32 to vector<1x64xi32>
    %div3A_1084 = arith.divsi %iota3A, %div3A_1083 : vector<1x64xi32>
    %sign3A_1085 = arith.constant 0 : i32
    %sign3A_1086 = vector.broadcast %sign3A_1085 : i32 to vector<1x64xi32>
    %sign3A_1087 = arith.cmpi sgt, %iota3A, %sign3A_1086 : vector<1x64xi32>
    %sign3A_1088 = arith.extui %sign3A_1087 : vector<1x64xi1> to vector<1x64xi32>
    %sign3A_1089 = arith.constant 0 : i32
    %sign3A_1090 = vector.broadcast %sign3A_1089 : i32 to vector<1x64xi32>
    %sign3A_1091 = arith.cmpi slt, %iota3A, %sign3A_1090 : vector<1x64xi32>
    %sign3A_1092 = arith.extui %sign3A_1091 : vector<1x64xi1> to vector<1x64xi32>
    %sign3A_1093 = arith.subi %sign3A_1088, %sign3A_1092 : vector<1x64xi32>
    %sign3A_1094 = arith.constant 0 : i32
    %sign3A_1095 = arith.cmpi sgt, %jit3A_1082, %sign3A_1094 : i32
    %sign3A_1096 = arith.extui %sign3A_1095 : i1 to i32
    %sign3A_1097 = arith.constant 0 : i32
    %sign3A_1098 = arith.cmpi slt, %jit3A_1082, %sign3A_1097 : i32
    %sign3A_1099 = arith.extui %sign3A_1098 : i1 to i32
    %sign3A_1100 = arith.subi %sign3A_1096, %sign3A_1099 : i32
    %ne3A_1101 = vector.broadcast %sign3A_1100 : i32 to vector<1x64xi32>
    %ne3A_1102 = arith.cmpi ne, %sign3A_1093, %ne3A_1101 : vector<1x64xi32>
    %rem3A_1103 = vector.broadcast %jit3A_1082 : i32 to vector<1x64xi32>
    %rem3A_1104 = arith.remsi %iota3A, %rem3A_1103 : vector<1x64xi32>
    %ne3A_1105 = arith.constant 0 : i32
    %ne3A_1106 = vector.broadcast %ne3A_1105 : i32 to vector<1x64xi32>
    %ne3A_1107 = arith.cmpi ne, %rem3A_1104, %ne3A_1106 : vector<1x64xi32>
    %and3A_1108 = arith.andi %ne3A_1102, %ne3A_1107 : vector<1x64xi1>
    %sub3A_1109 = arith.constant 1 : i32
    %sub3A_1110 = vector.broadcast %sub3A_1109 : i32 to vector<1x64xi32>
    %sub3A_1111 = arith.subi %div3A_1084, %sub3A_1110 : vector<1x64xi32>
    %select_n3A_1112 = arith.select %and3A_1108, %sub3A_1111, %div3A_1084 : vector<1x64xi1>, vector<1x64xi32>
    %eq3A_1113 = arith.constant 12 : i32
    %eq3A_1114 = vector.broadcast %eq3A_1113 : i32 to vector<1x64xi32>
    %eq3A_1115 = arith.cmpi eq, %select_n3A_1112, %eq3A_1114 : vector<1x64xi32>
    %mul3A_1116 = arith.constant 4 : i32
    %mul3A_1117 = arith.muli %mul3A_1116, %reduce_sum3A_542 : i32
    %jit3A_1118 = arith.constant 0 : i32
    %broadcast_in_dim3A_1119 = vector.broadcast %mul3A_1117 : i32 to vector<1x64xi32>
    %broadcast_in_dim3A_1120 = vector.broadcast %jit3A_1118 : i32 to vector<1x64xi32>
    %select_n3A_1121 = arith.select %eq3A_1115, %broadcast_in_dim3A_1119, %broadcast_in_dim3A_1120 : vector<1x64xi1>, vector<1x64xi32>
    %add3A_1122 = arith.addi %add3A_1081, %select_n3A_1121 : vector<1x64xi32>
    %jit3A_1123 = arith.constant 4 : i32
    %div3A_1124 = vector.broadcast %jit3A_1123 : i32 to vector<1x64xi32>
    %div3A_1125 = arith.divsi %iota3A, %div3A_1124 : vector<1x64xi32>
    %sign3A_1126 = arith.constant 0 : i32
    %sign3A_1127 = vector.broadcast %sign3A_1126 : i32 to vector<1x64xi32>
    %sign3A_1128 = arith.cmpi sgt, %iota3A, %sign3A_1127 : vector<1x64xi32>
    %sign3A_1129 = arith.extui %sign3A_1128 : vector<1x64xi1> to vector<1x64xi32>
    %sign3A_1130 = arith.constant 0 : i32
    %sign3A_1131 = vector.broadcast %sign3A_1130 : i32 to vector<1x64xi32>
    %sign3A_1132 = arith.cmpi slt, %iota3A, %sign3A_1131 : vector<1x64xi32>
    %sign3A_1133 = arith.extui %sign3A_1132 : vector<1x64xi1> to vector<1x64xi32>
    %sign3A_1134 = arith.subi %sign3A_1129, %sign3A_1133 : vector<1x64xi32>
    %sign3A_1135 = arith.constant 0 : i32
    %sign3A_1136 = arith.cmpi sgt, %jit3A_1123, %sign3A_1135 : i32
    %sign3A_1137 = arith.extui %sign3A_1136 : i1 to i32
    %sign3A_1138 = arith.constant 0 : i32
    %sign3A_1139 = arith.cmpi slt, %jit3A_1123, %sign3A_1138 : i32
    %sign3A_1140 = arith.extui %sign3A_1139 : i1 to i32
    %sign3A_1141 = arith.subi %sign3A_1137, %sign3A_1140 : i32
    %ne3A_1142 = vector.broadcast %sign3A_1141 : i32 to vector<1x64xi32>
    %ne3A_1143 = arith.cmpi ne, %sign3A_1134, %ne3A_1142 : vector<1x64xi32>
    %rem3A_1144 = vector.broadcast %jit3A_1123 : i32 to vector<1x64xi32>
    %rem3A_1145 = arith.remsi %iota3A, %rem3A_1144 : vector<1x64xi32>
    %ne3A_1146 = arith.constant 0 : i32
    %ne3A_1147 = vector.broadcast %ne3A_1146 : i32 to vector<1x64xi32>
    %ne3A_1148 = arith.cmpi ne, %rem3A_1145, %ne3A_1147 : vector<1x64xi32>
    %and3A_1149 = arith.andi %ne3A_1143, %ne3A_1148 : vector<1x64xi1>
    %sub3A_1150 = arith.constant 1 : i32
    %sub3A_1151 = vector.broadcast %sub3A_1150 : i32 to vector<1x64xi32>
    %sub3A_1152 = arith.subi %div3A_1125, %sub3A_1151 : vector<1x64xi32>
    %select_n3A_1153 = arith.select %and3A_1149, %sub3A_1152, %div3A_1125 : vector<1x64xi1>, vector<1x64xi32>
    %eq3A_1154 = arith.constant 13 : i32
    %eq3A_1155 = vector.broadcast %eq3A_1154 : i32 to vector<1x64xi32>
    %eq3A_1156 = arith.cmpi eq, %select_n3A_1153, %eq3A_1155 : vector<1x64xi32>
    %mul3A_1157 = arith.constant 4 : i32
    %mul3A_1158 = arith.muli %mul3A_1157, %reduce_sum3A_552 : i32
    %jit3A_1159 = arith.constant 0 : i32
    %broadcast_in_dim3A_1160 = vector.broadcast %mul3A_1158 : i32 to vector<1x64xi32>
    %broadcast_in_dim3A_1161 = vector.broadcast %jit3A_1159 : i32 to vector<1x64xi32>
    %select_n3A_1162 = arith.select %eq3A_1156, %broadcast_in_dim3A_1160, %broadcast_in_dim3A_1161 : vector<1x64xi1>, vector<1x64xi32>
    %add3A_1163 = arith.addi %add3A_1122, %select_n3A_1162 : vector<1x64xi32>
    %jit3A_1164 = arith.constant 4 : i32
    %div3A_1165 = vector.broadcast %jit3A_1164 : i32 to vector<1x64xi32>
    %div3A_1166 = arith.divsi %iota3A, %div3A_1165 : vector<1x64xi32>
    %sign3A_1167 = arith.constant 0 : i32
    %sign3A_1168 = vector.broadcast %sign3A_1167 : i32 to vector<1x64xi32>
    %sign3A_1169 = arith.cmpi sgt, %iota3A, %sign3A_1168 : vector<1x64xi32>
    %sign3A_1170 = arith.extui %sign3A_1169 : vector<1x64xi1> to vector<1x64xi32>
    %sign3A_1171 = arith.constant 0 : i32
    %sign3A_1172 = vector.broadcast %sign3A_1171 : i32 to vector<1x64xi32>
    %sign3A_1173 = arith.cmpi slt, %iota3A, %sign3A_1172 : vector<1x64xi32>
    %sign3A_1174 = arith.extui %sign3A_1173 : vector<1x64xi1> to vector<1x64xi32>
    %sign3A_1175 = arith.subi %sign3A_1170, %sign3A_1174 : vector<1x64xi32>
    %sign3A_1176 = arith.constant 0 : i32
    %sign3A_1177 = arith.cmpi sgt, %jit3A_1164, %sign3A_1176 : i32
    %sign3A_1178 = arith.extui %sign3A_1177 : i1 to i32
    %sign3A_1179 = arith.constant 0 : i32
    %sign3A_1180 = arith.cmpi slt, %jit3A_1164, %sign3A_1179 : i32
    %sign3A_1181 = arith.extui %sign3A_1180 : i1 to i32
    %sign3A_1182 = arith.subi %sign3A_1178, %sign3A_1181 : i32
    %ne3A_1183 = vector.broadcast %sign3A_1182 : i32 to vector<1x64xi32>
    %ne3A_1184 = arith.cmpi ne, %sign3A_1175, %ne3A_1183 : vector<1x64xi32>
    %rem3A_1185 = vector.broadcast %jit3A_1164 : i32 to vector<1x64xi32>
    %rem3A_1186 = arith.remsi %iota3A, %rem3A_1185 : vector<1x64xi32>
    %ne3A_1187 = arith.constant 0 : i32
    %ne3A_1188 = vector.broadcast %ne3A_1187 : i32 to vector<1x64xi32>
    %ne3A_1189 = arith.cmpi ne, %rem3A_1186, %ne3A_1188 : vector<1x64xi32>
    %and3A_1190 = arith.andi %ne3A_1184, %ne3A_1189 : vector<1x64xi1>
    %sub3A_1191 = arith.constant 1 : i32
    %sub3A_1192 = vector.broadcast %sub3A_1191 : i32 to vector<1x64xi32>
    %sub3A_1193 = arith.subi %div3A_1166, %sub3A_1192 : vector<1x64xi32>
    %select_n3A_1194 = arith.select %and3A_1190, %sub3A_1193, %div3A_1166 : vector<1x64xi1>, vector<1x64xi32>
    %eq3A_1195 = arith.constant 14 : i32
    %eq3A_1196 = vector.broadcast %eq3A_1195 : i32 to vector<1x64xi32>
    %eq3A_1197 = arith.cmpi eq, %select_n3A_1194, %eq3A_1196 : vector<1x64xi32>
    %mul3A_1198 = arith.constant 4 : i32
    %mul3A_1199 = arith.muli %mul3A_1198, %reduce_sum3A_562 : i32
    %jit3A_1200 = arith.constant 0 : i32
    %broadcast_in_dim3A_1201 = vector.broadcast %mul3A_1199 : i32 to vector<1x64xi32>
    %broadcast_in_dim3A_1202 = vector.broadcast %jit3A_1200 : i32 to vector<1x64xi32>
    %select_n3A_1203 = arith.select %eq3A_1197, %broadcast_in_dim3A_1201, %broadcast_in_dim3A_1202 : vector<1x64xi1>, vector<1x64xi32>
    %add3A_1204 = arith.addi %add3A_1163, %select_n3A_1203 : vector<1x64xi32>
    %jit3A_1205 = arith.constant 4 : i32
    %div3A_1206 = vector.broadcast %jit3A_1205 : i32 to vector<1x64xi32>
    %div3A_1207 = arith.divsi %iota3A, %div3A_1206 : vector<1x64xi32>
    %sign3A_1208 = arith.constant 0 : i32
    %sign3A_1209 = vector.broadcast %sign3A_1208 : i32 to vector<1x64xi32>
    %sign3A_1210 = arith.cmpi sgt, %iota3A, %sign3A_1209 : vector<1x64xi32>
    %sign3A_1211 = arith.extui %sign3A_1210 : vector<1x64xi1> to vector<1x64xi32>
    %sign3A_1212 = arith.constant 0 : i32
    %sign3A_1213 = vector.broadcast %sign3A_1212 : i32 to vector<1x64xi32>
    %sign3A_1214 = arith.cmpi slt, %iota3A, %sign3A_1213 : vector<1x64xi32>
    %sign3A_1215 = arith.extui %sign3A_1214 : vector<1x64xi1> to vector<1x64xi32>
    %sign3A_1216 = arith.subi %sign3A_1211, %sign3A_1215 : vector<1x64xi32>
    %sign3A_1217 = arith.constant 0 : i32
    %sign3A_1218 = arith.cmpi sgt, %jit3A_1205, %sign3A_1217 : i32
    %sign3A_1219 = arith.extui %sign3A_1218 : i1 to i32
    %sign3A_1220 = arith.constant 0 : i32
    %sign3A_1221 = arith.cmpi slt, %jit3A_1205, %sign3A_1220 : i32
    %sign3A_1222 = arith.extui %sign3A_1221 : i1 to i32
    %sign3A_1223 = arith.subi %sign3A_1219, %sign3A_1222 : i32
    %ne3A_1224 = vector.broadcast %sign3A_1223 : i32 to vector<1x64xi32>
    %ne3A_1225 = arith.cmpi ne, %sign3A_1216, %ne3A_1224 : vector<1x64xi32>
    %rem3A_1226 = vector.broadcast %jit3A_1205 : i32 to vector<1x64xi32>
    %rem3A_1227 = arith.remsi %iota3A, %rem3A_1226 : vector<1x64xi32>
    %ne3A_1228 = arith.constant 0 : i32
    %ne3A_1229 = vector.broadcast %ne3A_1228 : i32 to vector<1x64xi32>
    %ne3A_1230 = arith.cmpi ne, %rem3A_1227, %ne3A_1229 : vector<1x64xi32>
    %and3A_1231 = arith.andi %ne3A_1225, %ne3A_1230 : vector<1x64xi1>
    %sub3A_1232 = arith.constant 1 : i32
    %sub3A_1233 = vector.broadcast %sub3A_1232 : i32 to vector<1x64xi32>
    %sub3A_1234 = arith.subi %div3A_1207, %sub3A_1233 : vector<1x64xi32>
    %select_n3A_1235 = arith.select %and3A_1231, %sub3A_1234, %div3A_1207 : vector<1x64xi1>, vector<1x64xi32>
    %eq3A_1236 = arith.constant 15 : i32
    %eq3A_1237 = vector.broadcast %eq3A_1236 : i32 to vector<1x64xi32>
    %eq3A_1238 = arith.cmpi eq, %select_n3A_1235, %eq3A_1237 : vector<1x64xi32>
    %mul3A_1239 = arith.constant 4 : i32
    %mul3A_1240 = arith.muli %mul3A_1239, %reduce_sum3A_572 : i32
    %jit3A_1241 = arith.constant 0 : i32
    %broadcast_in_dim3A_1242 = vector.broadcast %mul3A_1240 : i32 to vector<1x64xi32>
    %broadcast_in_dim3A_1243 = vector.broadcast %jit3A_1241 : i32 to vector<1x64xi32>
    %select_n3A_1244 = arith.select %eq3A_1238, %broadcast_in_dim3A_1242, %broadcast_in_dim3A_1243 : vector<1x64xi1>, vector<1x64xi32>
    %add3A_1245 = arith.addi %add3A_1204, %select_n3A_1244 : vector<1x64xi32>
    %swap3A_1246 = arith.constant 0 : index
    %swap3A_1247 = arith.constant 0 : index
    %swap3A_1248 = vector.load %arg17[%swap3A_1246, %swap3A_1247] : memref<1x64xi32, #tpu.memory_space<vmem>>, vector<1x64xi32>
    tpu.vector_store %arg17[%swap3A_1246, %swap3A_1247], %add3A_1245 {strides = array<i32>} : memref<1x64xi32, #tpu.memory_space<vmem>>, vector<1x64xi32>,
    return
  }
}

</mosaic_0001>

<sc_bundles>
// kernel: kernel.10.cloned.1.call-start
scs
__scs_entry_jumppad:
0x0: {  	(pc) =	sbr.rel $0x88, $3  }
0x1: {  	(tag) =	ssettag $0x0;
	lr =	simm.s32 $0x1  }
0x2: {  	[smem:$0x3F78] =	sst lr;
	_ =	strace $0xD0000000  }
0x3: {  	_ = 	snop  }
0x4: {  	_ = 	snop  }
0x5: {  	_ = 	snop  }
0x6: {  	_ = 	snop  }
0x7: {  	_ = 	snop  }
__scs_overlays_trampoline_lowered:
0x8: {  	[smem:$0x3F87] =	sst s0  }
0x9: {  	[smem:$0x3F88] =	sst s1  }
0xa: {  	[smem:$0x3F89] =	sst s2  }
0xb: {  	[smem:$0x3F8A] =	sst s3  }
0xc: {  	[smem:$0x3F8B] =	sst s4  }
0xd: {  	[smem:$0x3F8C] =	sst s5  }
0xe: {  	[smem:$0x3F8D] =	sst s6  }
0xf: {  	[smem:$0x3F8E] =	sst s7  }
0x10: {  	[smem:$0x3F8F] =	sst s8  }
0x11: {  	[smem:$0x3F90] =	sst s9;
	s0 =	simm.s32 @!p0 $0x0  }
0x12: {  	s1 =	sld [smem:$0x3F76];
	s0 =	simm.s32 @p0 $0x1  }
0x13: {  	[smem:$0x3F91] =	sst s0;
	s0 =	simm.s32 @!p1 $0x0  }
0x14: {  	s2 =	sld [smem:$0x3F75];
	s0 =	simm.s32 @p1 $0x1  }
0x15: {  	[smem:$0x3F92] =	sst s0;
	s0 =	simm.s32 @!p2 $0x0  }
0x16: {  	s3 =	sld [smem:$0x3FDB];
	s0 =	simm.s32 @p2 $0x1  }
0x17: {  	s4 =	simm.s32 $0x1BF5;
	[smem:$0x3F94] =	sst s0  }
0x18: {  	s0 =	sld [smem:$0x3F77];
	_ =	swait.ge [sflag:s4], $0x0  }
0x19: {  	s7 =	sld [smem:$0x3F78]  }
0x1a: {  	s8 =	sadd.s32 $0xFFFFE003, lr  }
0x1b: {  	s9 =	sadd.s32 $0xFFFFFEF7, lr;
	s5 =	simm.s32 $0xFFFFFFFF;
	p2 =	slt.u32 s8, $0xFFFFF086  }
0x1c: {  	p1 =	slt.u32 s9, $0xF7A;
	s5 =	simm.s32 @!p2 $0x0  }
0x1d: {  	s5 =	simm.s32 @p1 $0x1;
	p0 =	seq.s32 s7, s2  }
0x1e: {  	s7 =	smul.u32 @!p0 $0xF7A, s2;
	p2 =	seq.s32 @!p0 s5, $0x0  }
0x1f: {  	s9 =	smul.u32 $0xF7A, s1;
	s8 =	simm.s32 @!p0 $0x1BF5;
	p2 =	por !p2, p0  }
0x20: {  	[sflag:s8] =	ssyncset.s32 @!p0 $0xFFFFF086;
	s6 =	sadd.s32 @!p0 s3, s7;
	s7 =	simm.s32 @!p0 $0x108  }
0x21: {  	s3 =	sadd.s32 s3, s9;
	s6 =	sadd.s32 @!p0 $0x88, s6;
	s7 =	simm.s32 @p2 $0x1082  }
0x22: {  	[simem:s7], [sflag:s8] =	dma.local @!p0 [hbm:s6], $0xF7A  }
0x23: {  	s9 =	sor.u32 $0xD0000000, s2;
	s6 =	simm.s32 $0x108;
	_ =	swait.ge @!p0 [sflag:s8], $0x0  }
0x24: {  	s3 =	sadd.s32 $0x88, s3;
	s6 =	simm.s32 @!p1 $0x1082;
	[sflag:s4] =	ssyncset.s32 $0xFFFFF086  }
0x25: {  	[simem:s6], [sflag:s4] =	dma.local [hbm:s3], $0xF7A  }
0x26: {  	[smem:$0x3F78] =	sst s1;
	(tag) =	ssettag s2;
	_ =	strace s9  }
0x27: {  	s1 =	sld [smem:$0x3F88]  }
0x28: {  	s2 =	sld [smem:$0x3F89]  }
0x29: {  	s4 =	sld [smem:$0x3F8B]  }
0x2a: {  	p0 =	seq.s32 s5, $0x0;
	s5 =	sld [smem:$0x3F8C]  }
0x2b: {  	s6 =	sld [smem:$0x3F8D]  }
0x2c: {  	s7 =	sld [smem:$0x3F8E]  }
0x2d: {  	s3 =	simm.s32 $0x108;
	s8 =	sld [smem:$0x3F8F]  }
0x2e: {  	s3 =	simm.s32 @!p0 $0x1082;
	s9 =	sld [smem:$0x3F90]  }
0x2f: {  	lr =	sadd.s32 s0, s3;
	s0 =	sld [smem:$0x3F87]  }
0x30: {  	s3 =	sld [smem:$0x3F8A]  }
0x31: {  	[smem:$0x3F93] =	sst s10  }
0x32: {  	s10 =	sld [smem:$0x3F91];
	_ =	sdelay $0x3  }
0x33: {  	p0 =	seq.s32 s10, $0x1;
	s10 =	sld [smem:$0x3F93];
	_ =	sdelay $0x3  }
0x34: {  	[smem:$0x3F93] =	sst s10  }
0x35: {  	s10 =	sld [smem:$0x3F92];
	_ =	sdelay $0x3  }
0x36: {  	p1 =	seq.s32 s10, $0x1;
	s10 =	sld [smem:$0x3F93];
	_ =	sdelay $0x3  }
0x37: {  	[smem:$0x3F93] =	sst s10  }
0x38: {  	s10 =	sld [smem:$0x3F94]  }
0x39: {  	_ = 	snop;
	(pc) =	sbr.ind lr, $3  }
0x3a: {  	_ = 	snop  }
0x3b: {  	_ = 	snop  }
0x3c: {  	p2 =	seq.s32 s10, $0x1;
	s10 =	sld [smem:$0x3F93]  }
0x3d: {  	_ =	shalt  }
0x3e: {  	_ =	shalt  }
0x3f: {  	_ =	shalt  }
0x40: {  	_ =	shalt  }
0x41: {  	_ =	shalt  }
0x42: {  	_ =	shalt  }
0x43: {  	_ =	shalt  }
0x44: {  	_ =	shalt  }
0x45: {  	_ =	shalt  }
0x46: {  	_ =	shalt  }
0x47: {  	_ =	shalt  }
0x48: {  	_ =	shalt  }
0x49: {  	_ =	shalt  }
0x4a: {  	_ =	shalt  }
0x4b: {  	_ =	shalt  }
0x4c: {  	_ =	shalt  }
0x4d: {  	_ =	shalt  }
0x4e: {  	_ =	shalt  }
0x4f: {  	_ =	shalt  }
0x50: {  	_ =	shalt  }
0x51: {  	_ =	shalt  }
0x52: {  	_ =	shalt  }
0x53: {  	_ =	shalt  }
0x54: {  	_ =	shalt  }
0x55: {  	_ =	shalt  }
0x56: {  	_ =	shalt  }
0x57: {  	_ =	shalt  }
0x58: {  	_ =	shalt  }
0x59: {  	_ =	shalt  }
0x5a: {  	_ =	shalt  }
0x5b: {  	_ =	shalt  }
0x5c: {  	_ =	shalt  }
0x5d: {  	_ =	shalt  }
0x5e: {  	_ =	shalt  }
0x5f: {  	_ =	shalt  }
0x60: {  	_ =	shalt  }
0x61: {  	_ =	shalt  }
0x62: {  	_ =	shalt  }
0x63: {  	_ =	shalt  }
0x64: {  	_ =	shalt  }
0x65: {  	_ =	shalt  }
0x66: {  	_ =	shalt  }
0x67: {  	_ =	shalt  }
0x68: {  	_ =	shalt  }
0x69: {  	_ =	shalt  }
0x6a: {  	_ =	shalt  }
0x6b: {  	_ =	shalt  }
0x6c: {  	_ =	shalt  }
0x6d: {  	_ =	shalt  }
0x6e: {  	_ =	shalt  }
0x6f: {  	_ =	shalt  }
0x70: {  	_ =	shalt  }
0x71: {  	_ =	shalt  }
0x72: {  	_ =	shalt  }
0x73: {  	_ =	shalt  }
0x74: {  	_ =	shalt  }
0x75: {  	_ =	shalt  }
0x76: {  	_ =	shalt  }
0x77: {  	_ =	shalt  }
0x78: {  	_ =	shalt  }
0x79: {  	_ =	shalt  }
0x7a: {  	_ =	shalt  }
0x7b: {  	_ =	shalt  }
0x7c: {  	_ =	shalt  }
0x7d: {  	_ =	shalt  }
0x7e: {  	_ =	shalt  }
0x7f: {  	_ =	shalt  }
0x80: {  	_ =	shalt  }
0x81: {  	_ =	shalt  }
0x82: {  	_ =	shalt  }
0x83: {  	_ =	shalt  }
0x84: {  	_ =	shalt  }
0x85: {  	_ =	shalt  }
0x86: {  	_ =	shalt  }
0x87: {  	_ =	shalt  }
.Lfunc_end0:
.L_simem_size_0:
called_computation.1_lowered:
.L_overlay_start_0:
0x88: {  	s2 =	sld [smem:$0x3FD9]  }
0x89: {  	s3 =	sld [smem:$0x3FFE];
	_ =	sdelay $0x1  }
0x8a: {  	s1 =	srdreg.scid  }
0x8b: {  	s0 =	sand.u32 $0x1, s1  }
0x8c: {  	s17 =	sshll.u32 s0, $0xA;
	s2 =	sadd.s32 s3, s2  }
0x8d: {  	s2 =	sadd.s32 s2, s17  }
0x8e: {  	[smem:$0x3F9F] =	sst s2  }
0x8f: {  	_ = 	snop  }
0x90: {  	s2 =	sld [smem:$0x3FC7]  }
0x91: {  	s18 =	sld [smem:$0x3FD0];
	(tm) =	ssettm $0x1  }
0x92: {  	s4 =	sld [smem:$0x3FFB];
	_ =	sdelay $0x3  }
0x93: {  	_ =	strace s4  }
0x94: {  	s4 =	sld [smem:$0x3FFC];
	_ =	sdelay $0x3  }
0x95: {  	_ =	strace s4  }
0x96: {  	s4 =	sld [smem:$0x3FFD];
	_ =	sdelay $0x3  }
0x97: {  	_ =	strace s4  }
0x98: {  	_ =	strace $0x8FFFFFFF  }
0x99: {  	s19 =	sld [smem:$0x3FDB];
	_ =	sdelay $0x1  }
0x9a: {  	s5 =	simm.s32 $_scs_section_size  }
0x9b: {  	s6 =	simm.s32 $_size__tile_overlayer_lowered;
	s7 =	simm.s32 $_tile_overlayer_lowered  }
0x9c: {  	s22 =	simm.s32 $0x1BFF;
	s21 =	sshll.u32 s7, $0x1;
	s4 =	sadd.s32 s5, s19  }
0x9d: {  	s8 =	simm.s32 $0x0;
	s20 =	sshll.u32 s6, $0x1;
	s6 =	sadd.s32 s21, s4  }
0x9e: {  	[timem:s8], [sflag:s22] =	dma.local [hbm:s6], s20  }
0x9f: {  	_ =	swait.ge [sflag:s22], s20  }
0xa0: {  	s5 =	ssub.s32 $0x0, s20;
	[sflag:s22] =	ssyncset.done $0x0  }
0xa1: {  	[sflag:s22] =	ssyncadd.s32 s5;
	_ =	sdelay $0x1  }
0xa2: {  	s23 =	simm.s32 $0x1B8B  }
0xa3: {  	_ =	swait.ge [sflag:s23], $0x1  }
0xa4: {  	[sflag:s23] =	ssyncset.done $0x0  }
0xa5: {  	s25 =	simm.s32 $0x1B8E;
	s24 =	sld [smem:$0x3FFE];
	[sflag:s23] =	ssyncadd.s32 $0xFFFFFFFF  }
0xa6: {  	s26 =	simm.s32 $execute0_lowered;
	[smem:$0x3FD2] =	sst s25  }
0xa7: {  	s6 =	sshll.u32 s26, $0x1;
	_ =	strace $0x80000049;
	[dreg:$0x1] =	wrdreg $0xFFFFFFFF  }
0xa8: {  	s28 =	simm.s32 $_size_execute0_lowered;
	s4 =	sadd.s32 s4, s6;
	[dreg:$0x0] =	wrdreg $0x0  }
0xa9: {  	s6 =	sshll.u32 s28, $0x1;
	[dreg:$0x2] =	wrdreg s4  }
0xaa: {  	[dreg:$0x3] =	wrdreg s6  }
0xab: {  	[dreg:$0x4] =	wrdreg $0xC0  }
0xac: {  	_ =	task [dreg:s8], $0x5FFFF  }
0xad: {  	[dreg:$0x1] =	wrdreg $0xFFFFFFFF  }
0xae: {  	[dreg:$0x0] =	wrdreg $0x60  }
0xaf: {  	[dreg:$0x2] =	wrdreg s2  }
0xb0: {  	[dreg:$0x3] =	wrdreg s18  }
0xb1: {  	[dreg:$0x4] =	wrdreg s24  }
0xb2: {  	[dreg:$0x5] =	wrdreg $0x9  }
0xb3: {  	_ =	task.clear_ibuf [dreg:s8], $0x6FFFF;
	_ =	strace $0x90000049  }
0xb4: {  	s29 =	simm.s32 $0x9;
	_ =	strace $0x8000004B  }
0xb5: {  	_ =	swait.ge [sflag:s29], $0x1  }
0xb6: {  	[sflag:s29] =	ssyncadd.s32 $0xFFFFFFFF  }
0xb7: {  	_ =	strace $0x9000004B  }
0xb8: {  	_ =	sfence  }
0xb9: {  	s30 =	sld [smem:$0x0];
	_ =	sdelay $0x2  }
0xba: {  	s31 =	sshll.u32 s1, $0xD;
	s1 =	sshrl.u32 s1, $0x2  }
0xbb: {  	s3 =	sand.u32 $0x4000, s31;
	s1 =	sadd.s32 s1, s30  }
0xbc: {  	s0 =	sor.u32 s3, s0;
	s1 =	sshll.u32 s1, $0x11  }
0xbd: {  	s0 =	sor.u32 s1, s0  }
0xbe: {  	s0 =	sadd.s32 $0x8F2B, s0  }
0xbf: {  	[sflag:s0] =	ssyncadd.remote.s32 $0x1  }
0xc0: {  	_ =	sfence.sel $0xFFFF  }
0xc1: {  	[dreg:$0x0] =	wrdreg $0xFFFFFFFF;
	(pc) =	sbr.abs _section_cstart, $3  }
0xc2: {  	[dreg:$0x1] =	wrdreg $0xFFFFFFFF  }
0xc3: {  	_ =	task.clear_ibuf [dreg:s8], $0x2FFFF;
	_ =	strace $0x9FFFFFFF  }
0xc4: {  	(tm) =	ssettm $0x7FFFFFFF  }
0xc5: {  	_ =	shalt  }
tec
execute0_lowered:
.L_overlay_start_1:
0x0: {  	(tag) =	ssettag $0x1  }
0x1: {  	s1 =	stileid.u32  }
0x2: {  	p0 =	sgt.u32 s1, $0x3  }
.Ltmp0:
0x3: {  	s2 =	rddreg [dreg:$0x0];
	(pc) =	sbr.rel @p0 .LBB2_4-.Ltmp0, $4  }
0x4: {  	s4 =	rddreg [dreg:$0x1]  }
0x5: {  	s14 =	rddreg [dreg:$0x2];
	s3 =	simm.s32 $0x0  }
0x6: {  	[smem:$0x7FF] =	sst s3  }
0x7: {  	s0 =	rddreg [dreg:$0x3];
	_ =	strace $0x8000004A  }
0x8: {  	s5 =	srdreg.scid  }
0x9: {  	s30 =	sshll.u32 s1, $0x1;
	s12 =	sand.u32 $0x1, s5  }
0xa: {  	s15 =	sor.u32 s12, s30  }
0xb: {  	s5 =	sadd.s32 s4, s15;
	s4 =	simm.s32 $0x2  }
0xc: {  	[tilespmem:s3], [sflag:$0x2] =	stream.linear.gather [hbm4b:s5+s3], $0x8, $0x38;
	[tilespmem:$0x2080] =	vst v63  }
0xd: {  	_ =	swait.ge [sflag:s4], $0x8  }
0xe: {  	[sflag:s4] =	ssyncset.done $0x0  }
0xf: {  	[sflag:s4] =	ssyncadd.s32 $0xFFFFFFF8  }
0x10: {  	v0 =	vld.msk [tilespmem:$0x0], $0xff;
	_ =	sdelay $0x4  }
0x11: {  	v1 =	vshll.u32 v0, $0x3  }
0x12: {  	v2 =	vlaneseq.u32;
	v3 =	vand.u32 $0x7, v0;
	v1 =	vand.u32 $0xFFFFFFC0, v1  }
0x13: {  	v0 =	vand.u32 $0x7, v2;
	v2 =	vshrl.u32 v2, $0x3;
	v3 =	vor.u32 v3, v1  }
0x14: {  	v1 =	vmul.u32 $0x8, v2;
	v2 =	vperm.xlane v3, v0;
	_ =	sdelay $0x1  }
0x15: {  	v2 =	vadd.s32 v1, v2;
	_ =	sdelay $0x2  }
0x16: {  	s6 =	simm.s32 $0x80;
	s7 =	sadd.s32 $0x100, s2  }
0x17: {  	vm0 =	vmmov $0xffff;
	s8 =	simm.s32 $0x880;
	s9 =	sadd.s32 $0x200, s2;
	s16 =	ssub.s32 $0x2, s12  }
0x18: {  	[tilespmem:s6], [sflag:$0x1] =	stream.indirect_vreg.gather [hbm4b:s2+s3], $0x80, v2, vm0, $0xb8;
	[tilespmem:$0x2080] =	vst v63  }
0x19: {  	s10 =	sadd.s32 $0x300, s2;
	s11 =	simm.s32 $0x1080;
	s17 =	sshrl.u32 s16, $0x1  }
0x1a: {  	[tilespmem:s8], [sflag:$0x1] =	stream.indirect_vreg.gather [hbm4b:s7+s3], $0x80, v2, vm0, $0xb8;
	[tilespmem:$0x2080] =	vst v63  }
0x1b: {  	s13 =	simm.s32 $0x1;
	s15 =	sshll.u32 s15, $0xA;
	s31 =	ssub.s32 s16, s17  }
0x1c: {  	[tilespmem:s11], [sflag:$0x1] =	stream.indirect_vreg.gather [hbm4b:s9+s3], $0x80, v2, vm0, $0xb8;
	[tilespmem:$0x2080] =	vst v63  }
0x1d: {  	s12 =	simm.s32 $0x1880;
	s14 =	sadd.s32 s15, s14;
	s15 =	smax.u32 s31, $0x1  }
0x1e: {  	[tilespmem:s12], [sflag:$0x1] =	stream.indirect_vreg.gather [hbm4b:s10+s3], $0x80, v2, vm0, $0xb8;
	[tilespmem:$0x2080] =	vst v63  }
0x1f: {  	p0 =	sne.s32 s15, $0x1;
	_ =	swait.ge [sflag:s13], $0x2000  }
.Ltmp1:
0x20: {  	[sflag:s13] =	ssyncset.done $0x0;
	(pc) =	sbr.rel @!p0 .LBB2_3-.Ltmp1, $4  }
0x21: {  	s14 =	sadd.s32 $0x5A00, s14;
	[sflag:s13] =	ssyncadd.s32 $0xFFFFE000  }
0x22: {  	[hbm4b:s14+s3] =	stream.linear.scatter [tilespmem:s6], [sflag:$0x2], $0x2000, $0x38;
	[tilespmem:$0x2080] =	vst v63  }
0x23: {  	_ =	swait.ge [sflag:s4], $0x2000  }
0x24: {  	s15 =	sadd.s32 $0xFFFFFFFF, s15;
	[sflag:s4] =	ssyncset.done $0x0  }
.LBB2_2:
0x25: {  	p0 =	sne.s32 s15, $0x1;
	s15 =	sadd.s32 $0xFFFFFFFF, s15;
	[sflag:s4] =	ssyncadd.s32 $0xFFFFE000  }
0x26: {  	[tilespmem:s3], [sflag:$0x2] =	stream.linear.gather [hbm4b:s5+s3], $0x8, $0x38;
	[tilespmem:$0x2080] =	vst v63  }
0x27: {  	_ =	swait.ge [sflag:s4], $0x8  }
0x28: {  	[sflag:s4] =	ssyncset.done $0x0  }
0x29: {  	[sflag:s4] =	ssyncadd.s32 $0xFFFFFFF8  }
0x2a: {  	v2 =	vld.msk [tilespmem:$0x0], $0xff;
	_ =	sdelay $0x4  }
0x2b: {  	v3 =	vshll.u32 v2, $0x3  }
0x2c: {  	v2 =	vand.u32 $0x7, v2;
	v3 =	vand.u32 $0xFFFFFFC0, v3  }
0x2d: {  	v2 =	vor.u32 v2, v3  }
0x2e: {  	v2 =	vperm.xlane v2, v0;
	_ =	sdelay $0x1  }
0x2f: {  	v2 =	vadd.s32 v1, v2;
	_ =	sdelay $0x4  }
0x30: {  	[tilespmem:s6], [sflag:$0x1] =	stream.indirect_vreg.gather [hbm4b:s2+s3], $0x80, v2, vm0, $0xb8;
	[tilespmem:$0x2080] =	vst v63  }
0x31: {  	_ = 	snop  }
0x32: {  	[tilespmem:s8], [sflag:$0x1] =	stream.indirect_vreg.gather [hbm4b:s7+s3], $0x80, v2, vm0, $0xb8;
	[tilespmem:$0x2080] =	vst v63  }
0x33: {  	_ = 	snop  }
0x34: {  	[tilespmem:s11], [sflag:$0x1] =	stream.indirect_vreg.gather [hbm4b:s9+s3], $0x80, v2, vm0, $0xb8;
	[tilespmem:$0x2080] =	vst v63  }
0x35: {  	_ = 	snop  }
0x36: {  	[tilespmem:s12], [sflag:$0x1] =	stream.indirect_vreg.gather [hbm4b:s10+s3], $0x80, v2, vm0, $0xb8;
	[tilespmem:$0x2080] =	vst v63  }
0x37: {  	_ =	swait.ge [sflag:s13], $0x2000  }
.Ltmp2:
0x38: {  	[sflag:s13] =	ssyncset.done $0x0;
	(pc) =	sbr.rel @p0 .LBB2_2-.Ltmp2, $4  }
0x39: {  	[sflag:s13] =	ssyncadd.s32 $0xFFFFE000  }
0x3a: {  	[hbm4b:s14+s3] =	stream.linear.scatter [tilespmem:s6], [sflag:$0x2], $0x2000, $0x38;
	[tilespmem:$0x2080] =	vst v63  }
0x3b: {  	_ =	swait.ge [sflag:s4], $0x2000  }
0x3c: {  	[sflag:s4] =	ssyncset.done $0x0  }
.LBB2_3:
0x3d: {  	[sflag:s4] =	ssyncadd.s32 $0xFFFFE000  }
.LBB2_4:
0x3e: {  	_ =	sfence.sel $0x180000  }
0x3f: {  	[bflag:$0x0] =	sbarrier.arrive $0xFFFF  }
0x40: {  	p0 =	sne.s32 s1, $0x0;
	_ =	strace $0x9000004A  }
0x41: {  	s0 =	sadd.s32 @!p0 $0x100000, s0;
	[bflag:$0x2] =	sbarrier.arrive $0xFFFF  }
0x42: {  	[sflag:s0] =	ssyncadd.tile.s32 @!p0 $0x1;
	_ =	shalt  }
.Lfunc_end2:
_tile_overlayer_lowered:
.L_overlay_start_2:
0x43: {  	(tag) =	ssettag $0x2  }
0x44: {  	s0 =	rddreg [dreg:$0x0];
	s2 =	stileid.u32  }
0x45: {  	s1 =	rddreg [dreg:$0x1];
	p0 =	sne.s32 s2, $0x0  }
0x46: {  	s3 =	rddreg [dreg:$0x2];
	[bflag:$0x3] =	sbarrier.arrive $0xFFFF;
	s2 =	simm.s32 @!p0 $0x1C02  }
0x47: {  	[timem:s3], [sflag:s2] =	dma.local @!p0 [hbm:s0], s1  }
0x48: {  	s0 =	simm.s32 @!p0 $0x2  }
0x49: {  	_ =	swait.ge @!p0 [sflag:s0], s1  }
0x4a: {  	s1 =	ssub.s32 @!p0 $0x0, s1;
	[sflag:s0] =	ssyncset.done @!p0 $0x0  }
0x4b: {  	[sflag:s0] =	ssyncadd.s32 @!p0 s1  }
0x4c: {  	[bflag:$0x3] =	sbarrier.arrive $0xFFFF  }
0x4d: {  	_ =	shalt  }

// kernel: kernel.7.cloned.1.call-start
scs
__scs_entry_jumppad:
0x0: {  	(pc) =	sbr.rel $0x88, $3  }
0x1: {  	(tag) =	ssettag $0x0;
	lr =	simm.s32 $0x1  }
0x2: {  	[smem:$0x3F78] =	sst lr;
	_ =	strace $0xD0000000  }
0x3: {  	_ = 	snop  }
0x4: {  	_ = 	snop  }
0x5: {  	_ = 	snop  }
0x6: {  	_ = 	snop  }
0x7: {  	_ = 	snop  }
__scs_overlays_trampoline_lowered:
0x8: {  	[smem:$0x3F87] =	sst s0  }
0x9: {  	[smem:$0x3F88] =	sst s1  }
0xa: {  	[smem:$0x3F89] =	sst s2  }
0xb: {  	[smem:$0x3F8A] =	sst s3  }
0xc: {  	[smem:$0x3F8B] =	sst s4  }
0xd: {  	[smem:$0x3F8C] =	sst s5  }
0xe: {  	[smem:$0x3F8D] =	sst s6  }
0xf: {  	[smem:$0x3F8E] =	sst s7  }
0x10: {  	[smem:$0x3F8F] =	sst s8  }
0x11: {  	[smem:$0x3F90] =	sst s9;
	s0 =	simm.s32 @!p0 $0x0  }
0x12: {  	s1 =	sld [smem:$0x3F76];
	s0 =	simm.s32 @p0 $0x1  }
0x13: {  	[smem:$0x3F91] =	sst s0;
	s0 =	simm.s32 @!p1 $0x0  }
0x14: {  	s2 =	sld [smem:$0x3F75];
	s0 =	simm.s32 @p1 $0x1  }
0x15: {  	[smem:$0x3F92] =	sst s0;
	s0 =	simm.s32 @!p2 $0x0  }
0x16: {  	s3 =	sld [smem:$0x3FDB];
	s0 =	simm.s32 @p2 $0x1  }
0x17: {  	s4 =	simm.s32 $0x1BF5;
	[smem:$0x3F94] =	sst s0  }
0x18: {  	s0 =	sld [smem:$0x3F77];
	_ =	swait.ge [sflag:s4], $0x0  }
0x19: {  	s7 =	sld [smem:$0x3F78]  }
0x1a: {  	s8 =	sadd.s32 $0xFFFFE003, lr  }
0x1b: {  	s9 =	sadd.s32 $0xFFFFFEF7, lr;
	s5 =	simm.s32 $0xFFFFFFFF;
	p2 =	slt.u32 s8, $0xFFFFF086  }
0x1c: {  	p1 =	slt.u32 s9, $0xF7A;
	s5 =	simm.s32 @!p2 $0x0  }
0x1d: {  	s5 =	simm.s32 @p1 $0x1;
	p0 =	seq.s32 s7, s2  }
0x1e: {  	s7 =	smul.u32 @!p0 $0xF7A, s2;
	p2 =	seq.s32 @!p0 s5, $0x0  }
0x1f: {  	s9 =	smul.u32 $0xF7A, s1;
	s8 =	simm.s32 @!p0 $0x1BF5;
	p2 =	por !p2, p0  }
0x20: {  	[sflag:s8] =	ssyncset.s32 @!p0 $0xFFFFF086;
	s6 =	sadd.s32 @!p0 s3, s7;
	s7 =	simm.s32 @!p0 $0x108  }
0x21: {  	s3 =	sadd.s32 s3, s9;
	s6 =	sadd.s32 @!p0 $0x88, s6;
	s7 =	simm.s32 @p2 $0x1082  }
0x22: {  	[simem:s7], [sflag:s8] =	dma.local @!p0 [hbm:s6], $0xF7A  }
0x23: {  	s9 =	sor.u32 $0xD0000000, s2;
	s6 =	simm.s32 $0x108;
	_ =	swait.ge @!p0 [sflag:s8], $0x0  }
0x24: {  	s3 =	sadd.s32 $0x88, s3;
	s6 =	simm.s32 @!p1 $0x1082;
	[sflag:s4] =	ssyncset.s32 $0xFFFFF086  }
0x25: {  	[simem:s6], [sflag:s4] =	dma.local [hbm:s3], $0xF7A  }
0x26: {  	[smem:$0x3F78] =	sst s1;
	(tag) =	ssettag s2;
	_ =	strace s9  }
0x27: {  	s1 =	sld [smem:$0x3F88]  }
0x28: {  	s2 =	sld [smem:$0x3F89]  }
0x29: {  	s4 =	sld [smem:$0x3F8B]  }
0x2a: {  	p0 =	seq.s32 s5, $0x0;
	s5 =	sld [smem:$0x3F8C]  }
0x2b: {  	s6 =	sld [smem:$0x3F8D]  }
0x2c: {  	s7 =	sld [smem:$0x3F8E]  }
0x2d: {  	s3 =	simm.s32 $0x108;
	s8 =	sld [smem:$0x3F8F]  }
0x2e: {  	s3 =	simm.s32 @!p0 $0x1082;
	s9 =	sld [smem:$0x3F90]  }
0x2f: {  	lr =	sadd.s32 s0, s3;
	s0 =	sld [smem:$0x3F87]  }
0x30: {  	s3 =	sld [smem:$0x3F8A]  }
0x31: {  	[smem:$0x3F93] =	sst s10  }
0x32: {  	s10 =	sld [smem:$0x3F91];
	_ =	sdelay $0x3  }
0x33: {  	p0 =	seq.s32 s10, $0x1;
	s10 =	sld [smem:$0x3F93];
	_ =	sdelay $0x3  }
0x34: {  	[smem:$0x3F93] =	sst s10  }
0x35: {  	s10 =	sld [smem:$0x3F92];
	_ =	sdelay $0x3  }
0x36: {  	p1 =	seq.s32 s10, $0x1;
	s10 =	sld [smem:$0x3F93];
	_ =	sdelay $0x3  }
0x37: {  	[smem:$0x3F93] =	sst s10  }
0x38: {  	s10 =	sld [smem:$0x3F94]  }
0x39: {  	_ = 	snop;
	(pc) =	sbr.ind lr, $3  }
0x3a: {  	_ = 	snop  }
0x3b: {  	_ = 	snop  }
0x3c: {  	p2 =	seq.s32 s10, $0x1;
	s10 =	sld [smem:$0x3F93]  }
0x3d: {  	_ =	shalt  }
0x3e: {  	_ =	shalt  }
0x3f: {  	_ =	shalt  }
0x40: {  	_ =	shalt  }
0x41: {  	_ =	shalt  }
0x42: {  	_ =	shalt  }
0x43: {  	_ =	shalt  }
0x44: {  	_ =	shalt  }
0x45: {  	_ =	shalt  }
0x46: {  	_ =	shalt  }
0x47: {  	_ =	shalt  }
0x48: {  	_ =	shalt  }
0x49: {  	_ =	shalt  }
0x4a: {  	_ =	shalt  }
0x4b: {  	_ =	shalt  }
0x4c: {  	_ =	shalt  }
0x4d: {  	_ =	shalt  }
0x4e: {  	_ =	shalt  }
0x4f: {  	_ =	shalt  }
0x50: {  	_ =	shalt  }
0x51: {  	_ =	shalt  }
0x52: {  	_ =	shalt  }
0x53: {  	_ =	shalt  }
0x54: {  	_ =	shalt  }
0x55: {  	_ =	shalt  }
0x56: {  	_ =	shalt  }
0x57: {  	_ =	shalt  }
0x58: {  	_ =	shalt  }
0x59: {  	_ =	shalt  }
0x5a: {  	_ =	shalt  }
0x5b: {  	_ =	shalt  }
0x5c: {  	_ =	shalt  }
0x5d: {  	_ =	shalt  }
0x5e: {  	_ =	shalt  }
0x5f: {  	_ =	shalt  }
0x60: {  	_ =	shalt  }
0x61: {  	_ =	shalt  }
0x62: {  	_ =	shalt  }
0x63: {  	_ =	shalt  }
0x64: {  	_ =	shalt  }
0x65: {  	_ =	shalt  }
0x66: {  	_ =	shalt  }
0x67: {  	_ =	shalt  }
0x68: {  	_ =	shalt  }
0x69: {  	_ =	shalt  }
0x6a: {  	_ =	shalt  }
0x6b: {  	_ =	shalt  }
0x6c: {  	_ =	shalt  }
0x6d: {  	_ =	shalt  }
0x6e: {  	_ =	shalt  }
0x6f: {  	_ =	shalt  }
0x70: {  	_ =	shalt  }
0x71: {  	_ =	shalt  }
0x72: {  	_ =	shalt  }
0x73: {  	_ =	shalt  }
0x74: {  	_ =	shalt  }
0x75: {  	_ =	shalt  }
0x76: {  	_ =	shalt  }
0x77: {  	_ =	shalt  }
0x78: {  	_ =	shalt  }
0x79: {  	_ =	shalt  }
0x7a: {  	_ =	shalt  }
0x7b: {  	_ =	shalt  }
0x7c: {  	_ =	shalt  }
0x7d: {  	_ =	shalt  }
0x7e: {  	_ =	shalt  }
0x7f: {  	_ =	shalt  }
0x80: {  	_ =	shalt  }
0x81: {  	_ =	shalt  }
0x82: {  	_ =	shalt  }
0x83: {  	_ =	shalt  }
0x84: {  	_ =	shalt  }
0x85: {  	_ =	shalt  }
0x86: {  	_ =	shalt  }
0x87: {  	_ =	shalt  }
.Lfunc_end0:
.L_simem_size_0:
called_computation_lowered:
.L_overlay_start_0:
0x88: {  	s2 =	sld [smem:$0x3FD9]  }
0x89: {  	s3 =	sld [smem:$0x3FFE];
	_ =	sdelay $0x1  }
0x8a: {  	s1 =	srdreg.scid  }
0x8b: {  	s0 =	sand.u32 $0x1, s1  }
0x8c: {  	s17 =	sshll.u32 s0, $0xA;
	s2 =	sadd.s32 s3, s2  }
0x8d: {  	s2 =	sadd.s32 s2, s17  }
0x8e: {  	[smem:$0x3F9F] =	sst s2  }
0x8f: {  	_ = 	snop  }
0x90: {  	s2 =	sld [smem:$0x3FC8]  }
0x91: {  	s18 =	sld [smem:$0x3FD0];
	(tm) =	ssettm $0x1  }
0x92: {  	s4 =	sld [smem:$0x3FFB];
	_ =	sdelay $0x3  }
0x93: {  	_ =	strace s4  }
0x94: {  	s4 =	sld [smem:$0x3FFC];
	_ =	sdelay $0x3  }
0x95: {  	_ =	strace s4  }
0x96: {  	s4 =	sld [smem:$0x3FFD];
	_ =	sdelay $0x3  }
0x97: {  	_ =	strace s4  }
0x98: {  	_ =	strace $0x8FFFFFFF  }
0x99: {  	s19 =	sld [smem:$0x3FDB];
	_ =	sdelay $0x1  }
0x9a: {  	s5 =	simm.s32 $_scs_section_size  }
0x9b: {  	s6 =	simm.s32 $_size__tile_overlayer_lowered;
	s7 =	simm.s32 $_tile_overlayer_lowered  }
0x9c: {  	s22 =	simm.s32 $0x1BFF;
	s21 =	sshll.u32 s7, $0x1;
	s4 =	sadd.s32 s5, s19  }
0x9d: {  	s8 =	simm.s32 $0x0;
	s20 =	sshll.u32 s6, $0x1;
	s6 =	sadd.s32 s21, s4  }
0x9e: {  	[timem:s8], [sflag:s22] =	dma.local [hbm:s6], s20  }
0x9f: {  	_ =	swait.ge [sflag:s22], s20  }
0xa0: {  	s5 =	ssub.s32 $0x0, s20;
	[sflag:s22] =	ssyncset.done $0x0  }
0xa1: {  	[sflag:s22] =	ssyncadd.s32 s5;
	_ =	sdelay $0x1  }
0xa2: {  	s23 =	simm.s32 $0x1B8B  }
0xa3: {  	_ =	swait.ge [sflag:s23], $0x1  }
0xa4: {  	[sflag:s23] =	ssyncset.done $0x0  }
0xa5: {  	s25 =	simm.s32 $0x1B8E;
	s24 =	sld [smem:$0x3FFE];
	[sflag:s23] =	ssyncadd.s32 $0xFFFFFFFF  }
0xa6: {  	s26 =	simm.s32 $execute0_lowered;
	[smem:$0x3FD2] =	sst s25  }
0xa7: {  	s6 =	sshll.u32 s26, $0x1;
	_ =	strace $0x80000046;
	[dreg:$0x1] =	wrdreg $0xFFFFFFFF  }
0xa8: {  	s28 =	simm.s32 $_size_execute0_lowered;
	s4 =	sadd.s32 s4, s6;
	[dreg:$0x0] =	wrdreg $0x0  }
0xa9: {  	s6 =	sshll.u32 s28, $0x1;
	[dreg:$0x2] =	wrdreg s4  }
0xaa: {  	[dreg:$0x3] =	wrdreg s6  }
0xab: {  	[dreg:$0x4] =	wrdreg $0xC0  }
0xac: {  	_ =	task [dreg:s8], $0x5FFFF  }
0xad: {  	[dreg:$0x1] =	wrdreg $0xFFFFFFFF  }
0xae: {  	[dreg:$0x0] =	wrdreg $0x60  }
0xaf: {  	[dreg:$0x2] =	wrdreg s2  }
0xb0: {  	[dreg:$0x3] =	wrdreg s18  }
0xb1: {  	[dreg:$0x4] =	wrdreg s24  }
0xb2: {  	[dreg:$0x5] =	wrdreg $0x9  }
0xb3: {  	_ =	task.clear_ibuf [dreg:s8], $0x6FFFF;
	_ =	strace $0x90000046  }
0xb4: {  	s29 =	simm.s32 $0x9;
	_ =	strace $0x80000048  }
0xb5: {  	_ =	swait.ge [sflag:s29], $0x1  }
0xb6: {  	[sflag:s29] =	ssyncadd.s32 $0xFFFFFFFF  }
0xb7: {  	_ =	strace $0x90000048  }
0xb8: {  	_ =	sfence  }
0xb9: {  	s30 =	sld [smem:$0x0];
	_ =	sdelay $0x2  }
0xba: {  	s31 =	sshll.u32 s1, $0xD;
	s1 =	sshrl.u32 s1, $0x2  }
0xbb: {  	s3 =	sand.u32 $0x4000, s31;
	s1 =	sadd.s32 s1, s30  }
0xbc: {  	s0 =	sor.u32 s3, s0;
	s1 =	sshll.u32 s1, $0x11  }
0xbd: {  	s0 =	sor.u32 s1, s0  }
0xbe: {  	s0 =	sadd.s32 $0x8F2B, s0  }
0xbf: {  	[sflag:s0] =	ssyncadd.remote.s32 $0x1  }
0xc0: {  	_ =	sfence.sel $0xFFFF  }
0xc1: {  	[dreg:$0x0] =	wrdreg $0xFFFFFFFF;
	(pc) =	sbr.abs _section_cstart, $3  }
0xc2: {  	[dreg:$0x1] =	wrdreg $0xFFFFFFFF  }
0xc3: {  	_ =	task.clear_ibuf [dreg:s8], $0x2FFFF;
	_ =	strace $0x9FFFFFFF  }
0xc4: {  	(tm) =	ssettm $0x7FFFFFFF  }
0xc5: {  	_ =	shalt  }
tec
execute0_lowered:
.L_overlay_start_1:
0x0: {  	(tag) =	ssettag $0x1  }
0x1: {  	s1 =	stileid.u32  }
0x2: {  	p0 =	sgt.u32 s1, $0x3  }
.Ltmp0:
0x3: {  	s2 =	rddreg [dreg:$0x0];
	(pc) =	sbr.rel @p0 .LBB2_4-.Ltmp0, $4  }
0x4: {  	s4 =	rddreg [dreg:$0x1]  }
0x5: {  	s14 =	rddreg [dreg:$0x2];
	s3 =	simm.s32 $0x0  }
0x6: {  	[smem:$0x7FF] =	sst s3  }
0x7: {  	s0 =	rddreg [dreg:$0x3];
	_ =	strace $0x80000047  }
0x8: {  	s5 =	srdreg.scid  }
0x9: {  	s30 =	sshll.u32 s1, $0x1;
	s12 =	sand.u32 $0x1, s5  }
0xa: {  	s15 =	sor.u32 s12, s30  }
0xb: {  	s5 =	sadd.s32 s4, s15;
	s4 =	simm.s32 $0x2  }
0xc: {  	[tilespmem:s3], [sflag:$0x2] =	stream.linear.gather [hbm4b:s5+s3], $0x8, $0x38;
	[tilespmem:$0x2080] =	vst v63  }
0xd: {  	_ =	swait.ge [sflag:s4], $0x8  }
0xe: {  	[sflag:s4] =	ssyncset.done $0x0  }
0xf: {  	[sflag:s4] =	ssyncadd.s32 $0xFFFFFFF8  }
0x10: {  	v0 =	vld.msk [tilespmem:$0x0], $0xff;
	_ =	sdelay $0x4  }
0x11: {  	v1 =	vshll.u32 v0, $0x3  }
0x12: {  	v2 =	vlaneseq.u32;
	v3 =	vand.u32 $0x7, v0;
	v1 =	vand.u32 $0xFFFFFFC0, v1  }
0x13: {  	v0 =	vand.u32 $0x7, v2;
	v2 =	vshrl.u32 v2, $0x3;
	v3 =	vor.u32 v3, v1  }
0x14: {  	v1 =	vmul.u32 $0x8, v2;
	v2 =	vperm.xlane v3, v0;
	_ =	sdelay $0x1  }
0x15: {  	v2 =	vadd.s32 v1, v2;
	_ =	sdelay $0x2  }
0x16: {  	s6 =	simm.s32 $0x80;
	s7 =	sadd.s32 $0x100, s2  }
0x17: {  	vm0 =	vmmov $0xffff;
	s8 =	simm.s32 $0x880;
	s9 =	sadd.s32 $0x200, s2;
	s16 =	ssub.s32 $0x2, s12  }
0x18: {  	[tilespmem:s6], [sflag:$0x1] =	stream.indirect_vreg.gather [hbm4b:s2+s3], $0x80, v2, vm0, $0xb8;
	[tilespmem:$0x2080] =	vst v63  }
0x19: {  	s10 =	sadd.s32 $0x300, s2;
	s11 =	simm.s32 $0x1080;
	s17 =	sshrl.u32 s16, $0x1  }
0x1a: {  	[tilespmem:s8], [sflag:$0x1] =	stream.indirect_vreg.gather [hbm4b:s7+s3], $0x80, v2, vm0, $0xb8;
	[tilespmem:$0x2080] =	vst v63  }
0x1b: {  	s13 =	simm.s32 $0x1;
	s15 =	sshll.u32 s15, $0xA;
	s31 =	ssub.s32 s16, s17  }
0x1c: {  	[tilespmem:s11], [sflag:$0x1] =	stream.indirect_vreg.gather [hbm4b:s9+s3], $0x80, v2, vm0, $0xb8;
	[tilespmem:$0x2080] =	vst v63  }
0x1d: {  	s12 =	simm.s32 $0x1880;
	s14 =	sadd.s32 s15, s14;
	s15 =	smax.u32 s31, $0x1  }
0x1e: {  	[tilespmem:s12], [sflag:$0x1] =	stream.indirect_vreg.gather [hbm4b:s10+s3], $0x80, v2, vm0, $0xb8;
	[tilespmem:$0x2080] =	vst v63  }
0x1f: {  	p0 =	sne.s32 s15, $0x1;
	_ =	swait.ge [sflag:s13], $0x2000  }
.Ltmp1:
0x20: {  	[sflag:s13] =	ssyncset.done $0x0;
	(pc) =	sbr.rel @!p0 .LBB2_3-.Ltmp1, $4  }
0x21: {  	s14 =	sadd.s32 $0x5A00, s14;
	[sflag:s13] =	ssyncadd.s32 $0xFFFFE000  }
0x22: {  	[hbm4b:s14+s3] =	stream.linear.scatter [tilespmem:s6], [sflag:$0x2], $0x2000, $0x38;
	[tilespmem:$0x2080] =	vst v63  }
0x23: {  	_ =	swait.ge [sflag:s4], $0x2000  }
0x24: {  	s15 =	sadd.s32 $0xFFFFFFFF, s15;
	[sflag:s4] =	ssyncset.done $0x0  }
.LBB2_2:
0x25: {  	p0 =	sne.s32 s15, $0x1;
	s15 =	sadd.s32 $0xFFFFFFFF, s15;
	[sflag:s4] =	ssyncadd.s32 $0xFFFFE000  }
0x26: {  	[tilespmem:s3], [sflag:$0x2] =	stream.linear.gather [hbm4b:s5+s3], $0x8, $0x38;
	[tilespmem:$0x2080] =	vst v63  }
0x27: {  	_ =	swait.ge [sflag:s4], $0x8  }
0x28: {  	[sflag:s4] =	ssyncset.done $0x0  }
0x29: {  	[sflag:s4] =	ssyncadd.s32 $0xFFFFFFF8  }
0x2a: {  	v2 =	vld.msk [tilespmem:$0x0], $0xff;
	_ =	sdelay $0x4  }
0x2b: {  	v3 =	vshll.u32 v2, $0x3  }
0x2c: {  	v2 =	vand.u32 $0x7, v2;
	v3 =	vand.u32 $0xFFFFFFC0, v3  }
0x2d: {  	v2 =	vor.u32 v2, v3  }
0x2e: {  	v2 =	vperm.xlane v2, v0;
	_ =	sdelay $0x1  }
0x2f: {  	v2 =	vadd.s32 v1, v2;
	_ =	sdelay $0x4  }
0x30: {  	[tilespmem:s6], [sflag:$0x1] =	stream.indirect_vreg.gather [hbm4b:s2+s3], $0x80, v2, vm0, $0xb8;
	[tilespmem:$0x2080] =	vst v63  }
0x31: {  	_ = 	snop  }
0x32: {  	[tilespmem:s8], [sflag:$0x1] =	stream.indirect_vreg.gather [hbm4b:s7+s3], $0x80, v2, vm0, $0xb8;
	[tilespmem:$0x2080] =	vst v63  }
0x33: {  	_ = 	snop  }
0x34: {  	[tilespmem:s11], [sflag:$0x1] =	stream.indirect_vreg.gather [hbm4b:s9+s3], $0x80, v2, vm0, $0xb8;
	[tilespmem:$0x2080] =	vst v63  }
0x35: {  	_ = 	snop  }
0x36: {  	[tilespmem:s12], [sflag:$0x1] =	stream.indirect_vreg.gather [hbm4b:s10+s3], $0x80, v2, vm0, $0xb8;
	[tilespmem:$0x2080] =	vst v63  }
0x37: {  	_ =	swait.ge [sflag:s13], $0x2000  }
.Ltmp2:
0x38: {  	[sflag:s13] =	ssyncset.done $0x0;
	(pc) =	sbr.rel @p0 .LBB2_2-.Ltmp2, $4  }
0x39: {  	[sflag:s13] =	ssyncadd.s32 $0xFFFFE000  }
0x3a: {  	[hbm4b:s14+s3] =	stream.linear.scatter [tilespmem:s6], [sflag:$0x2], $0x2000, $0x38;
	[tilespmem:$0x2080] =	vst v63  }
0x3b: {  	_ =	swait.ge [sflag:s4], $0x2000  }
0x3c: {  	[sflag:s4] =	ssyncset.done $0x0  }
.LBB2_3:
0x3d: {  	[sflag:s4] =	ssyncadd.s32 $0xFFFFE000  }
.LBB2_4:
0x3e: {  	_ =	sfence.sel $0x180000  }
0x3f: {  	[bflag:$0x0] =	sbarrier.arrive $0xFFFF  }
0x40: {  	p0 =	sne.s32 s1, $0x0;
	_ =	strace $0x90000047  }
0x41: {  	s0 =	sadd.s32 @!p0 $0x100000, s0;
	[bflag:$0x2] =	sbarrier.arrive $0xFFFF  }
0x42: {  	[sflag:s0] =	ssyncadd.tile.s32 @!p0 $0x1;
	_ =	shalt  }
.Lfunc_end2:
_tile_overlayer_lowered:
.L_overlay_start_2:
0x43: {  	(tag) =	ssettag $0x2  }
0x44: {  	s0 =	rddreg [dreg:$0x0];
	s2 =	stileid.u32  }
0x45: {  	s1 =	rddreg [dreg:$0x1];
	p0 =	sne.s32 s2, $0x0  }
0x46: {  	s3 =	rddreg [dreg:$0x2];
	[bflag:$0x3] =	sbarrier.arrive $0xFFFF;
	s2 =	simm.s32 @!p0 $0x1C02  }
0x47: {  	[timem:s3], [sflag:s2] =	dma.local @!p0 [hbm:s0], s1  }
0x48: {  	s0 =	simm.s32 @!p0 $0x2  }
0x49: {  	_ =	swait.ge @!p0 [sflag:s0], s1  }
0x4a: {  	s1 =	ssub.s32 @!p0 $0x0, s1;
	[sflag:s0] =	ssyncset.done @!p0 $0x0  }
0x4b: {  	[sflag:s0] =	ssyncadd.s32 @!p0 s1  }
0x4c: {  	[bflag:$0x3] =	sbarrier.arrive $0xFFFF  }
0x4d: {  	_ =	shalt  }

</sc_bundles>
